<compile_context>
chip_gen: v7x
topology: tpu7x:2x2x1
jax: 0.10.2.dev20260603
libtpu: 0.0.44.dev20260713+nightly
codegen_flags: <defaults>
</compile_context>

<pallas_src>
import dataclasses
import functools

import numpy as np

import jax
import jax.numpy as jnp
from jax import lax
from jax.experimental import pallas as pl
from jax.experimental.pallas import tpu as pltpu
from jax.experimental.pallas import tpu_sc as plsc

D_IN = 128
NC = 2
NS = 16
NW = NC * NS
CHUNK = 128
K_C0 = 80
K_C1 = 80
K_TOT = K_C0 + K_C1
G_CHUNKS = 16
NG0 = K_C0 // G_CHUNKS
NG1 = K_C1 // G_CHUNKS
NC_ACT = 2 if K_C1 > 0 else 1
N_PAD = 10240
ROWS_PER_TILE = N_PAD // NS
TC_BLK = 1280
N_REAL = 10000


def _sc_aggregate(x, eidx):
    mesh = plsc.VectorSubcoreMesh(core_axis_name="c", subcore_axis_name="s")
    cp = pltpu.CompilerParams()
    if "needs_layout_passes" in pltpu.CompilerParams.__dataclass_fields__:
        cp = dataclasses.replace(cp, needs_layout_passes=False)

    @functools.partial(
        pl.kernel,
        mesh=mesh,
        compiler_params=cp,
        out_type=[
            jax.ShapeDtypeStruct((NC_ACT, N_PAD, D_IN), jnp.float32),
            jax.ShapeDtypeStruct((NC_ACT * NS, N_PAD), jnp.float32),
        ],
        scratch_types=[
            pltpu.VMEM((G_CHUNKS, CHUNK), jnp.int32),
            pltpu.VMEM((G_CHUNKS, CHUNK), jnp.int32),
            pltpu.VMEM((2, CHUNK, D_IN), jnp.float32),
            pltpu.VMEM((N_PAD,), jnp.float32),
            pltpu.VMEM_SHARED((N_PAD, D_IN), jnp.float32),
            pltpu.SemaphoreType.DMA,
            pltpu.SemaphoreType.DMA,
            pltpu.SemaphoreType.DMA,
            pltpu.SemaphoreType.DMA,
        ],
    )
    def sc_kernel(x_hbm, eidx_hbm, part_hbm, cnt_hbm,
                  src_v, dst_v, rows_v, hist_v, acc_sh,
                  gsem0, gsem1, ssem0, ssem1):
        c = lax.axis_index("c")
        s = lax.axis_index("s")
        wid = c * NS + s

        def tile_body():
            _tile_body(c, s, wid, x_hbm, eidx_hbm.at[0], eidx_hbm.at[1],
                       part_hbm, cnt_hbm, src_v, dst_v, rows_v, hist_v,
                       acc_sh, gsem0, gsem1, ssem0, ssem1)

        if NC_ACT == 2:
            tile_body()
        else:
            @pl.when(c == 0)
            def _():
                tile_body()

    def _tile_body(c, s, wid, x_hbm, src_hbm, dst_hbm, part_hbm, cnt_hbm,
                   src_v, dst_v, rows_v, hist_v, acc_sh,
                   gsem0, gsem1, ssem0, ssem1):
        zero16 = jnp.zeros((16,), jnp.float32)

        @pl.loop(0, CHUNK)
        def _(i):
            @pl.loop(0, D_IN, step=16)
            def _(j):
                rows_v[0, i, pl.ds(j, 16)] = zero16

        zd = []
        for r in range(0, ROWS_PER_TILE, CHUNK):
            zd.append(pltpu.async_copy(
                rows_v.at[0],
                acc_sh.at[pl.ds(s * ROWS_PER_TILE + r, CHUNK)],
                gsem0))

        @pl.loop(0, N_PAD, step=16)
        def _(i):
            hist_v[pl.ds(i, 16)] = zero16

        for d in zd:
            d.wait()

        plsc.subcore_barrier()

        ones16 = jnp.ones((16,), jnp.float32)
        row0 = jnp.where(c == 0, s * K_C0, NS * K_C0 + s * K_C1)

        @pl.loop(0, NG0)
        def _(g):
            @pl.when((c == 0) | (g < NG1))
            def _():
                base = row0 + g * G_CHUNKS
                ld_s = pltpu.async_copy(
                    src_hbm.at[pl.ds(base, G_CHUNKS)], src_v, gsem0)
                ld_d = pltpu.async_copy(
                    dst_hbm.at[pl.ds(base, G_CHUNKS)], dst_v, gsem1)
                ld_s.wait()
                ld_d.wait()

                gsem = (gsem0, gsem1)
                ssem = (ssem0, ssem1)
                gd = [None, None]
                sd = [None, None]
                gd[0] = pltpu.async_copy(
                    x_hbm.at[dst_v.at[0]], rows_v.at[0], gsem[0])
                for kk in range(G_CHUNKS):
                    b = kk & 1
                    gd[b].wait()
                    for j in range(0, CHUNK, 16):
                        idx16 = src_v[kk, pl.ds(j, 16)]
                        plsc.addupdate_scatter(hist_v, [idx16], ones16)
                    if kk + 1 < G_CHUNKS:
                        if sd[1 - b] is not None:
                            sd[1 - b].wait()
                        gd[1 - b] = pltpu.async_copy(
                            x_hbm.at[dst_v.at[kk + 1]], rows_v.at[1 - b],
                            gsem[1 - b])
                    sd[b] = pltpu.async_copy(
                        rows_v.at[b], acc_sh.at[src_v.at[kk]], ssem[b],
                        add=True)
                sd[0].wait()
                sd[1].wait()

        plsc.subcore_barrier()

        pltpu.sync_copy(
            acc_sh.at[pl.ds(s * ROWS_PER_TILE, ROWS_PER_TILE)],
            part_hbm.at[c].at[pl.ds(s * ROWS_PER_TILE, ROWS_PER_TILE)])
        pltpu.sync_copy(hist_v, cnt_hbm.at[wid])

    return sc_kernel(x, eidx)


def _tc_finish(parts, hists, w_all):

    def body(p_ref, c_ref, w_ref, o_ref):
        if NC_ACT == 2:
            total = p_ref[0] + p_ref[1]
        else:
            total = p_ref[0]
        cnt = jnp.sum(c_ref[...], axis=0)
        mean = total * (1.0 / jnp.maximum(cnt, 1.0))[:, None]
        y = jnp.dot(mean, w_ref[...],
                    preferred_element_type=jnp.float32,
                    precision=lax.Precision.HIGHEST)
        o_ref[...] = jnp.where(y > 0.0, y, jnp.exp(y) - 1.0)

    return pl.pallas_call(
        body,
        grid=(N_PAD // TC_BLK,),
        in_specs=[
            pl.BlockSpec((NC_ACT, TC_BLK, D_IN), lambda i: (0, i, 0)),
            pl.BlockSpec((NC_ACT * NS, TC_BLK), lambda i: (0, i)),
            pl.BlockSpec((D_IN, D_IN), lambda i: (0, 0)),
        ],
        out_specs=pl.BlockSpec((TC_BLK, D_IN), lambda i: (i, 0)),
        out_shape=jax.ShapeDtypeStruct((N_REAL, D_IN), jnp.float32),
    )(parts, hists, w_all)


_EDGE_PAD = None


def _edge_pad(n, e_pad, e):
    global _EDGE_PAD
    if _EDGE_PAD is None:
        ar = np.arange(e_pad - e)
        _EDGE_PAD = np.stack([n + ar % (N_PAD - n), ar % n]).astype(np.int32)
    return _EDGE_PAD


def kernel(node_features, edge_index, W):
    n = node_features.shape[0]
    e = edge_index.shape[1]
    e_pad = NS * K_TOT * CHUNK
    eidx = jnp.concatenate(
        [edge_index, jnp.asarray(_edge_pad(n, e_pad, e))], axis=1,
    ).reshape(2, NS * K_TOT, CHUNK)
    w_all = jnp.transpose(W, (1, 0, 2)).reshape(D_IN, -1)

    parts, hists = _sc_aggregate(node_features, eidx)
    return _tc_finish(parts, hists, w_all)

# --- scband reference (transcript-rebuilt; emitter-appended) ---
"""Pipeline reference for scband-graph-attention-layer-placeholder-13340168421672 (READ-ONLY COPY).

The authoritative reference and input builder live on the scoring server;
editing this copy changes nothing except your own understanding.
"""

import jax, jax.numpy as jnp
import numpy as np

N_NODES = 10000
N_EDGES = 320000
D_FEAT = 128
NUM_HEADS = 4
OUT_DIM = 32


def setup_inputs(seed: int = 0) -> dict:
    key = jax.random.key(seed)
    k1, k2, k3 = jax.random.split(key, 3)
    node_features = jax.random.normal(k1, (N_NODES, D_FEAT), dtype=jnp.float32)
    edge_index = jax.random.randint(k2, (2, N_EDGES), 0, N_NODES, dtype=jnp.int32)
    # Per-head linear kernels (Dense(output_dim, use_bias=False)) stacked: [H, D_FEAT, OUT_DIM]
    W = jax.random.normal(k3, (NUM_HEADS, D_FEAT, OUT_DIM), dtype=jnp.float32) * 0.05
    return {"node_features": node_features, "edge_index": edge_index, "W": W}


def reference(node_features, edge_index, W):
    # training=False -> dropouts are identity
    src = edge_index[0]  # segment ids (destination of aggregation in TF code)
    dst = edge_index[1]  # gather ids (neighbor features)
    n = node_features.shape[0]
    ones = jnp.ones((edge_index.shape[1],), dtype=jnp.float32)
    counts = jax.ops.segment_sum(ones, src, num_segments=n)  # per-segment edge counts
    head_outputs = []
    for i in range(NUM_HEADS):
        transformed = node_features @ W[i]                    # [N, OUT_DIM]
        gathered = jnp.take(transformed, dst, axis=0)          # [E, OUT_DIM]
        seg_sum = jax.ops.segment_sum(gathered, src, num_segments=n)  # [N, OUT_DIM]
        # unsorted_segment_mean semantics: empty segments -> 0
        mean = jnp.where(counts[:, None] > 0,
                         seg_sum / jnp.maximum(counts, 1.0)[:, None],
                         0.0)
        head_outputs.append(mean)
    out = jnp.concatenate(head_outputs, axis=-1)              # [N, H*OUT_DIM]
    return jax.nn.elu(out)

if __name__ == "__main__":
    import jax
    _d = setup_inputs()
    print(jax.jit(kernel)(*tuple(_d.values())))

</pallas_src>

<mosaic_0001>
#map = affine_map<(d0, d1) -> (0, 0)>
#map1 = affine_map<(d0, d1) -> (0, 0, 0)>
module attributes {stable_mosaic.version = 14 : i64} {
  func.func @sc_kernel(%arg0: i32, %arg1: i32, %arg2: memref<10000x128xf32, #tpu.memory_space<hbm>>, %arg3: memref<2x2560x128xi32, #tpu.memory_space<hbm>>, %arg4: memref<2x10240x128xf32, #tpu.memory_space<hbm>>, %arg5: memref<32x10240xf32, #tpu.memory_space<hbm>>, %arg6: memref<16x128xi32, #tpu.memory_space<vmem>>, %arg7: memref<16x128xi32, #tpu.memory_space<vmem>>, %arg8: memref<2x128x128xf32, #tpu.memory_space<vmem>>, %arg9: memref<10240xf32, #tpu.memory_space<vmem>>, %arg10: memref<10240x128xf32, #tpu.memory_space<vmem_shared>>, %arg11: memref<!tpu.dma_semaphore, #tpu.memory_space<semaphore_mem>>, %arg12: memref<!tpu.dma_semaphore, #tpu.memory_space<semaphore_mem>>, %arg13: memref<!tpu.dma_semaphore, #tpu.memory_space<semaphore_mem>>, %arg14: memref<!tpu.dma_semaphore, #tpu.memory_space<semaphore_mem>>) attributes {dimension_semantics = [#tpu.dimension_semantics<core_parallel>, #tpu.dimension_semantics<subcore_parallel>], iteration_bounds = array<i64: 2, 16>, scalar_prefetch = 0 : i64, scratch_operands = 9 : i64, tpu.core_type = #tpu.core_type<sc_vector_subcore>, window_params = [{transform_indices = #map}, {transform_indices = #map1}, {transform_indices = #map1}, {transform_indices = #map}]} {
    %mul3A = arith.constant 16 : i32
    %mul3A_0 = arith.muli %arg0, %mul3A : i32
    %add3A = arith.addi %mul3A_0, %arg1 : i32
    %broadcast_in_dim3A = arith.constant 0.000000e+00 : f32
    %broadcast_in_dim3A_1 = vector.broadcast %broadcast_in_dim3A : f32 to vector<16xf32>
    %scan3A = arith.constant 0 : i32
    %scan3A_2 = arith.constant 128 : i32
    %scan3A_3 = arith.addi %scan3A, %scan3A_2 : i32
    %scan3A_4 = arith.constant 1 : i32
    scf.for %scan3A_180 = %scan3A to %scan3A_3 step %scan3A_4  : i32 {
      %mul3A_181 = arith.constant 1 : i32
      %mul3A_182 = arith.muli %scan3A_180, %mul3A_181 : i32
      %add3A_183 = arith.constant 0 : i32
      %add3A_184 = arith.addi %add3A_183, %mul3A_182 : i32
      %scan3A_185 = arith.constant 0 : i32
      %scan3A_186 = arith.constant 8 : i32
      %scan3A_187 = arith.addi %scan3A_185, %scan3A_186 : i32
      %scan3A_188 = arith.constant 1 : i32
      scf.for %scan3A_190 = %scan3A_185 to %scan3A_187 step %scan3A_188  : i32 {
        %mul3A_191 = arith.constant 16 : i32
        %mul3A_192 = arith.muli %scan3A_190, %mul3A_191 : i32
        %add3A_193 = arith.constant 0 : i32
        %add3A_194 = arith.addi %add3A_193, %mul3A_192 : i32
        %swap3A = arith.constant 0 : i32
        %swap3A_195 = arith.index_cast %swap3A : i32 to index
        %swap3A_196 = arith.index_cast %add3A_184 : i32 to index
        %swap3A_197 = arith.index_cast %add3A_194 : i32 to index
        %swap3A_198 = tpu.vector_load %arg8[%swap3A_195, %swap3A_196, %swap3A_197] {strides = array<i32>} : memref<2x128x128xf32, #tpu.memory_space<vmem>>, vector<16xf32>,
        tpu.vector_store %arg8[%swap3A_195, %swap3A_196, %swap3A_197], %broadcast_in_dim3A_1 {strides = array<i32>} : memref<2x128x128xf32, #tpu.memory_space<vmem>>, vector<16xf32>,
      }
      %scan3A_189 = arith.constant 8 : i32
    }
    %scan3A_5 = arith.constant 128 : i32
    %mul3A_6 = arith.constant 640 : i32
    %mul3A_7 = arith.muli %arg1, %mul3A_6 : i32
    %add3A_8 = arith.constant 0 : i32
    %add3A_9 = arith.addi %mul3A_7, %add3A_8 : i32
    %dma_start3A = arith.constant 0 : i32
    %dma_start3A_10 = arith.constant 0 : i32
    %dma_start3A_11 = arith.constant 0 : i32
    %dma_start3A_12 = tpu.memref_slice %arg8[%dma_start3A, %dma_start3A_10, %dma_start3A_11] : memref<2x128x128xf32, #tpu.memory_space<vmem>> -> memref<1x128x128xf32, #tpu.memory_space<vmem>>
    %dma_start3A_13 = tpu.memref_squeeze %dma_start3A_12 : memref<1x128x128xf32, #tpu.memory_space<vmem>> -> memref<128x128xf32, #tpu.memory_space<vmem>>
    %dma_start3A_14 = arith.constant 0 : i32
    %dma_start3A_15 = tpu.memref_slice %arg10[%add3A_9, %dma_start3A_14] : memref<10240x128xf32, #tpu.memory_space<vmem_shared>> -> memref<128x128xf32, #tpu.memory_space<vmem_shared>>
    %dma_start3A_16 = arith.constant 0 : i32
    %dma_start3A_17 = tpu.memref_slice %arg10[%add3A_9, %dma_start3A_16] : memref<10240x128xf32, #tpu.memory_space<vmem_shared>> -> memref<128x128xf32, #tpu.memory_space<vmem_shared>>
    %dma_start3A_18 = arith.constant 0 : i32
    %dma_start3A_19 = arith.constant 0 : i32
    %dma_start3A_20 = tpu.memref_slice %arg8[%dma_start3A, %dma_start3A_18, %dma_start3A_19] : memref<2x128x128xf32, #tpu.memory_space<vmem>> -> memref<1x128x128xf32, #tpu.memory_space<vmem>>
    %dma_start3A_21 = tpu.memref_squeeze %dma_start3A_20 : memref<1x128x128xf32, #tpu.memory_space<vmem>> -> memref<128x128xf32, #tpu.memory_space<vmem>>
    tpu.enqueue_dma source(%dma_start3A_21 : memref<128x128xf32, #tpu.memory_space<vmem>>) target(%dma_start3A_17 : memref<128x128xf32, #tpu.memory_space<vmem_shared>>) target_semaphore(%arg11 : memref<!tpu.dma_semaphore, #tpu.memory_space<semaphore_mem>>)
    %mul3A_22 = arith.constant 640 : i32
    %mul3A_23 = arith.muli %arg1, %mul3A_22 : i32
    %add3A_24 = arith.constant 128 : i32
    %add3A_25 = arith.addi %mul3A_23, %add3A_24 : i32
    %dma_start3A_26 = arith.constant 0 : i32
    %dma_start3A_27 = arith.constant 0 : i32
    %dma_start3A_28 = arith.constant 0 : i32
    %dma_start3A_29 = tpu.memref_slice %arg8[%dma_start3A_26, %dma_start3A_27, %dma_start3A_28] : memref<2x128x128xf32, #tpu.memory_space<vmem>> -> memref<1x128x128xf32, #tpu.memory_space<vmem>>
    %dma_start3A_30 = tpu.memref_squeeze %dma_start3A_29 : memref<1x128x128xf32, #tpu.memory_space<vmem>> -> memref<128x128xf32, #tpu.memory_space<vmem>>
    %dma_start3A_31 = arith.constant 0 : i32
    %dma_start3A_32 = tpu.memref_slice %arg10[%add3A_25, %dma_start3A_31] : memref<10240x128xf32, #tpu.memory_space<vmem_shared>> -> memref<128x128xf32, #tpu.memory_space<vmem_shared>>
    %dma_start3A_33 = arith.constant 0 : i32
    %dma_start3A_34 = tpu.memref_slice %arg10[%add3A_25, %dma_start3A_33] : memref<10240x128xf32, #tpu.memory_space<vmem_shared>> -> memref<128x128xf32, #tpu.memory_space<vmem_shared>>
    %dma_start3A_35 = arith.constant 0 : i32
    %dma_start3A_36 = arith.constant 0 : i32
    %dma_start3A_37 = tpu.memref_slice %arg8[%dma_start3A_26, %dma_start3A_35, %dma_start3A_36] : memref<2x128x128xf32, #tpu.memory_space<vmem>> -> memref<1x128x128xf32, #tpu.memory_space<vmem>>
    %dma_start3A_38 = tpu.memref_squeeze %dma_start3A_37 : memref<1x128x128xf32, #tpu.memory_space<vmem>> -> memref<128x128xf32, #tpu.memory_space<vmem>>
    tpu.enqueue_dma source(%dma_start3A_38 : memref<128x128xf32, #tpu.memory_space<vmem>>) target(%dma_start3A_34 : memref<128x128xf32, #tpu.memory_space<vmem_shared>>) target_semaphore(%arg11 : memref<!tpu.dma_semaphore, #tpu.memory_space<semaphore_mem>>)
    %mul3A_39 = arith.constant 640 : i32
    %mul3A_40 = arith.muli %arg1, %mul3A_39 : i32
    %add3A_41 = arith.constant 256 : i32
    %add3A_42 = arith.addi %mul3A_40, %add3A_41 : i32
    %dma_start3A_43 = arith.constant 0 : i32
    %dma_start3A_44 = arith.constant 0 : i32
    %dma_start3A_45 = arith.constant 0 : i32
    %dma_start3A_46 = tpu.memref_slice %arg8[%dma_start3A_43, %dma_start3A_44, %dma_start3A_45] : memref<2x128x128xf32, #tpu.memory_space<vmem>> -> memref<1x128x128xf32, #tpu.memory_space<vmem>>
    %dma_start3A_47 = tpu.memref_squeeze %dma_start3A_46 : memref<1x128x128xf32, #tpu.memory_space<vmem>> -> memref<128x128xf32, #tpu.memory_space<vmem>>
    %dma_start3A_48 = arith.constant 0 : i32
    %dma_start3A_49 = tpu.memref_slice %arg10[%add3A_42, %dma_start3A_48] : memref<10240x128xf32, #tpu.memory_space<vmem_shared>> -> memref<128x128xf32, #tpu.memory_space<vmem_shared>>
    %dma_start3A_50 = arith.constant 0 : i32
    %dma_start3A_51 = tpu.memref_slice %arg10[%add3A_42, %dma_start3A_50] : memref<10240x128xf32, #tpu.memory_space<vmem_shared>> -> memref<128x128xf32, #tpu.memory_space<vmem_shared>>
    %dma_start3A_52 = arith.constant 0 : i32
    %dma_start3A_53 = arith.constant 0 : i32
    %dma_start3A_54 = tpu.memref_slice %arg8[%dma_start3A_43, %dma_start3A_52, %dma_start3A_53] : memref<2x128x128xf32, #tpu.memory_space<vmem>> -> memref<1x128x128xf32, #tpu.memory_space<vmem>>
    %dma_start3A_55 = tpu.memref_squeeze %dma_start3A_54 : memref<1x128x128xf32, #tpu.memory_space<vmem>> -> memref<128x128xf32, #tpu.memory_space<vmem>>
    tpu.enqueue_dma source(%dma_start3A_55 : memref<128x128xf32, #tpu.memory_space<vmem>>) target(%dma_start3A_51 : memref<128x128xf32, #tpu.memory_space<vmem_shared>>) target_semaphore(%arg11 : memref<!tpu.dma_semaphore, #tpu.memory_space<semaphore_mem>>)
    %mul3A_56 = arith.constant 640 : i32
    %mul3A_57 = arith.muli %arg1, %mul3A_56 : i32
    %add3A_58 = arith.constant 384 : i32
    %add3A_59 = arith.addi %mul3A_57, %add3A_58 : i32
    %dma_start3A_60 = arith.constant 0 : i32
    %dma_start3A_61 = arith.constant 0 : i32
    %dma_start3A_62 = arith.constant 0 : i32
    %dma_start3A_63 = tpu.memref_slice %arg8[%dma_start3A_60, %dma_start3A_61, %dma_start3A_62] : memref<2x128x128xf32, #tpu.memory_space<vmem>> -> memref<1x128x128xf32, #tpu.memory_space<vmem>>
    %dma_start3A_64 = tpu.memref_squeeze %dma_start3A_63 : memref<1x128x128xf32, #tpu.memory_space<vmem>> -> memref<128x128xf32, #tpu.memory_space<vmem>>
    %dma_start3A_65 = arith.constant 0 : i32
    %dma_start3A_66 = tpu.memref_slice %arg10[%add3A_59, %dma_start3A_65] : memref<10240x128xf32, #tpu.memory_space<vmem_shared>> -> memref<128x128xf32, #tpu.memory_space<vmem_shared>>
    %dma_start3A_67 = arith.constant 0 : i32
    %dma_start3A_68 = tpu.memref_slice %arg10[%add3A_59, %dma_start3A_67] : memref<10240x128xf32, #tpu.memory_space<vmem_shared>> -> memref<128x128xf32, #tpu.memory_space<vmem_shared>>
    %dma_start3A_69 = arith.constant 0 : i32
    %dma_start3A_70 = arith.constant 0 : i32
    %dma_start3A_71 = tpu.memref_slice %arg8[%dma_start3A_60, %dma_start3A_69, %dma_start3A_70] : memref<2x128x128xf32, #tpu.memory_space<vmem>> -> memref<1x128x128xf32, #tpu.memory_space<vmem>>
    %dma_start3A_72 = tpu.memref_squeeze %dma_start3A_71 : memref<1x128x128xf32, #tpu.memory_space<vmem>> -> memref<128x128xf32, #tpu.memory_space<vmem>>
    tpu.enqueue_dma source(%dma_start3A_72 : memref<128x128xf32, #tpu.memory_space<vmem>>) target(%dma_start3A_68 : memref<128x128xf32, #tpu.memory_space<vmem_shared>>) target_semaphore(%arg11 : memref<!tpu.dma_semaphore, #tpu.memory_space<semaphore_mem>>)
    %mul3A_73 = arith.constant 640 : i32
    %mul3A_74 = arith.muli %arg1, %mul3A_73 : i32
    %add3A_75 = arith.constant 512 : i32
    %add3A_76 = arith.addi %mul3A_74, %add3A_75 : i32
    %dma_start3A_77 = arith.constant 0 : i32
    %dma_start3A_78 = arith.constant 0 : i32
    %dma_start3A_79 = arith.constant 0 : i32
    %dma_start3A_80 = tpu.memref_slice %arg8[%dma_start3A_77, %dma_start3A_78, %dma_start3A_79] : memref<2x128x128xf32, #tpu.memory_space<vmem>> -> memref<1x128x128xf32, #tpu.memory_space<vmem>>
    %dma_start3A_81 = tpu.memref_squeeze %dma_start3A_80 : memref<1x128x128xf32, #tpu.memory_space<vmem>> -> memref<128x128xf32, #tpu.memory_space<vmem>>
    %dma_start3A_82 = arith.constant 0 : i32
    %dma_start3A_83 = tpu.memref_slice %arg10[%add3A_76, %dma_start3A_82] : memref<10240x128xf32, #tpu.memory_space<vmem_shared>> -> memref<128x128xf32, #tpu.memory_space<vmem_shared>>
    %dma_start3A_84 = arith.constant 0 : i32
    %dma_start3A_85 = tpu.memref_slice %arg10[%add3A_76, %dma_start3A_84] : memref<10240x128xf32, #tpu.memory_space<vmem_shared>> -> memref<128x128xf32, #tpu.memory_space<vmem_shared>>
    %dma_start3A_86 = arith.constant 0 : i32
    %dma_start3A_87 = arith.constant 0 : i32
    %dma_start3A_88 = tpu.memref_slice %arg8[%dma_start3A_77, %dma_start3A_86, %dma_start3A_87] : memref<2x128x128xf32, #tpu.memory_space<vmem>> -> memref<1x128x128xf32, #tpu.memory_space<vmem>>
    %dma_start3A_89 = tpu.memref_squeeze %dma_start3A_88 : memref<1x128x128xf32, #tpu.memory_space<vmem>> -> memref<128x128xf32, #tpu.memory_space<vmem>>
    tpu.enqueue_dma source(%dma_start3A_89 : memref<128x128xf32, #tpu.memory_space<vmem>>) target(%dma_start3A_85 : memref<128x128xf32, #tpu.memory_space<vmem_shared>>) target_semaphore(%arg11 : memref<!tpu.dma_semaphore, #tpu.memory_space<semaphore_mem>>)
    %scan3A_90 = arith.constant 0 : i32
    %scan3A_91 = arith.constant 640 : i32
    %scan3A_92 = arith.addi %scan3A_90, %scan3A_91 : i32
    %scan3A_93 = arith.constant 1 : i32
    scf.for %scan3A_180 = %scan3A_90 to %scan3A_92 step %scan3A_93  : i32 {
      %mul3A_181 = arith.constant 16 : i32
      %mul3A_182 = arith.muli %scan3A_180, %mul3A_181 : i32
      %add3A_183 = arith.constant 0 : i32
      %add3A_184 = arith.addi %add3A_183, %mul3A_182 : i32
      %swap3A = arith.index_cast %add3A_184 : i32 to index
      %swap3A_185 = tpu.vector_load %arg9[%swap3A] {strides = array<i32>} : memref<10240xf32, #tpu.memory_space<vmem>>, vector<16xf32>,
      tpu.vector_store %arg9[%swap3A], %broadcast_in_dim3A_1 {strides = array<i32>} : memref<10240xf32, #tpu.memory_space<vmem>>, vector<16xf32>,
    }
    %scan3A_94 = arith.constant 640 : i32
    %dma_wait3A = arith.constant 0 : i32
    %dma_wait3A_95 = arith.constant 0 : i32
    %dma_wait3A_96 = arith.constant 0 : i32
    %dma_wait3A_97 = tpu.memref_slice %arg8[%dma_wait3A, %dma_wait3A_95, %dma_wait3A_96] : memref<2x128x128xf32, #tpu.memory_space<vmem>> -> memref<1x128x128xf32, #tpu.memory_space<vmem>>
    %dma_wait3A_98 = tpu.memref_squeeze %dma_wait3A_97 : memref<1x128x128xf32, #tpu.memory_space<vmem>> -> memref<128x128xf32, #tpu.memory_space<vmem>>
    %dma_wait3A_99 = arith.constant 0 : i32
    %dma_wait3A_100 = tpu.memref_slice %arg10[%add3A_9, %dma_wait3A_99] : memref<10240x128xf32, #tpu.memory_space<vmem_shared>> -> memref<128x128xf32, #tpu.memory_space<vmem_shared>>
    %dma_wait3A_101 = arith.constant 0 : i32
    %dma_wait3A_102 = tpu.memref_slice %arg10[%add3A_9, %dma_wait3A_101] : memref<10240x128xf32, #tpu.memory_space<vmem_shared>> -> memref<128x128xf32, #tpu.memory_space<vmem_shared>>
    %dma_wait3A_103 = arith.constant 0 : i32
    %dma_wait3A_104 = arith.constant 0 : i32
    %dma_wait3A_105 = tpu.memref_slice %arg8[%dma_wait3A, %dma_wait3A_103, %dma_wait3A_104] : memref<2x128x128xf32, #tpu.memory_space<vmem>> -> memref<1x128x128xf32, #tpu.memory_space<vmem>>
    %dma_wait3A_106 = tpu.memref_squeeze %dma_wait3A_105 : memref<1x128x128xf32, #tpu.memory_space<vmem>> -> memref<128x128xf32, #tpu.memory_space<vmem>>
    tpu.wait_dma2 semaphore(%arg11 : memref<!tpu.dma_semaphore, #tpu.memory_space<semaphore_mem>>) src(%dma_wait3A_106 : memref<128x128xf32, #tpu.memory_space<vmem>>) dst(%dma_wait3A_102 : memref<128x128xf32, #tpu.memory_space<vmem_shared>>)
    %dma_wait3A_107 = arith.constant 0 : i32
    %dma_wait3A_108 = arith.constant 0 : i32
    %dma_wait3A_109 = arith.constant 0 : i32
    %dma_wait3A_110 = tpu.memref_slice %arg8[%dma_wait3A_107, %dma_wait3A_108, %dma_wait3A_109] : memref<2x128x128xf32, #tpu.memory_space<vmem>> -> memref<1x128x128xf32, #tpu.memory_space<vmem>>
    %dma_wait3A_111 = tpu.memref_squeeze %dma_wait3A_110 : memref<1x128x128xf32, #tpu.memory_space<vmem>> -> memref<128x128xf32, #tpu.memory_space<vmem>>
    %dma_wait3A_112 = arith.constant 0 : i32
    %dma_wait3A_113 = tpu.memref_slice %arg10[%add3A_25, %dma_wait3A_112] : memref<10240x128xf32, #tpu.memory_space<vmem_shared>> -> memref<128x128xf32, #tpu.memory_space<vmem_shared>>
    %dma_wait3A_114 = arith.constant 0 : i32
    %dma_wait3A_115 = tpu.memref_slice %arg10[%add3A_25, %dma_wait3A_114] : memref<10240x128xf32, #tpu.memory_space<vmem_shared>> -> memref<128x128xf32, #tpu.memory_space<vmem_shared>>
    %dma_wait3A_116 = arith.constant 0 : i32
    %dma_wait3A_117 = arith.constant 0 : i32
    %dma_wait3A_118 = tpu.memref_slice %arg8[%dma_wait3A_107, %dma_wait3A_116, %dma_wait3A_117] : memref<2x128x128xf32, #tpu.memory_space<vmem>> -> memref<1x128x128xf32, #tpu.memory_space<vmem>>
    %dma_wait3A_119 = tpu.memref_squeeze %dma_wait3A_118 : memref<1x128x128xf32, #tpu.memory_space<vmem>> -> memref<128x128xf32, #tpu.memory_space<vmem>>
    tpu.wait_dma2 semaphore(%arg11 : memref<!tpu.dma_semaphore, #tpu.memory_space<semaphore_mem>>) src(%dma_wait3A_119 : memref<128x128xf32, #tpu.memory_space<vmem>>) dst(%dma_wait3A_115 : memref<128x128xf32, #tpu.memory_space<vmem_shared>>)
    %dma_wait3A_120 = arith.constant 0 : i32
    %dma_wait3A_121 = arith.constant 0 : i32
    %dma_wait3A_122 = arith.constant 0 : i32
    %dma_wait3A_123 = tpu.memref_slice %arg8[%dma_wait3A_120, %dma_wait3A_121, %dma_wait3A_122] : memref<2x128x128xf32, #tpu.memory_space<vmem>> -> memref<1x128x128xf32, #tpu.memory_space<vmem>>
    %dma_wait3A_124 = tpu.memref_squeeze %dma_wait3A_123 : memref<1x128x128xf32, #tpu.memory_space<vmem>> -> memref<128x128xf32, #tpu.memory_space<vmem>>
    %dma_wait3A_125 = arith.constant 0 : i32
    %dma_wait3A_126 = tpu.memref_slice %arg10[%add3A_42, %dma_wait3A_125] : memref<10240x128xf32, #tpu.memory_space<vmem_shared>> -> memref<128x128xf32, #tpu.memory_space<vmem_shared>>
    %dma_wait3A_127 = arith.constant 0 : i32
    %dma_wait3A_128 = tpu.memref_slice %arg10[%add3A_42, %dma_wait3A_127] : memref<10240x128xf32, #tpu.memory_space<vmem_shared>> -> memref<128x128xf32, #tpu.memory_space<vmem_shared>>
    %dma_wait3A_129 = arith.constant 0 : i32
    %dma_wait3A_130 = arith.constant 0 : i32
    %dma_wait3A_131 = tpu.memref_slice %arg8[%dma_wait3A_120, %dma_wait3A_129, %dma_wait3A_130] : memref<2x128x128xf32, #tpu.memory_space<vmem>> -> memref<1x128x128xf32, #tpu.memory_space<vmem>>
    %dma_wait3A_132 = tpu.memref_squeeze %dma_wait3A_131 : memref<1x128x128xf32, #tpu.memory_space<vmem>> -> memref<128x128xf32, #tpu.memory_space<vmem>>
    tpu.wait_dma2 semaphore(%arg11 : memref<!tpu.dma_semaphore, #tpu.memory_space<semaphore_mem>>) src(%dma_wait3A_132 : memref<128x128xf32, #tpu.memory_space<vmem>>) dst(%dma_wait3A_128 : memref<128x128xf32, #tpu.memory_space<vmem_shared>>)
    %dma_wait3A_133 = arith.constant 0 : i32
    %dma_wait3A_134 = arith.constant 0 : i32
    %dma_wait3A_135 = arith.constant 0 : i32
    %dma_wait3A_136 = tpu.memref_slice %arg8[%dma_wait3A_133, %dma_wait3A_134, %dma_wait3A_135] : memref<2x128x128xf32, #tpu.memory_space<vmem>> -> memref<1x128x128xf32, #tpu.memory_space<vmem>>
    %dma_wait3A_137 = tpu.memref_squeeze %dma_wait3A_136 : memref<1x128x128xf32, #tpu.memory_space<vmem>> -> memref<128x128xf32, #tpu.memory_space<vmem>>
    %dma_wait3A_138 = arith.constant 0 : i32
    %dma_wait3A_139 = tpu.memref_slice %arg10[%add3A_59, %dma_wait3A_138] : memref<10240x128xf32, #tpu.memory_space<vmem_shared>> -> memref<128x128xf32, #tpu.memory_space<vmem_shared>>
    %dma_wait3A_140 = arith.constant 0 : i32
    %dma_wait3A_141 = tpu.memref_slice %arg10[%add3A_59, %dma_wait3A_140] : memref<10240x128xf32, #tpu.memory_space<vmem_shared>> -> memref<128x128xf32, #tpu.memory_space<vmem_shared>>
    %dma_wait3A_142 = arith.constant 0 : i32
    %dma_wait3A_143 = arith.constant 0 : i32
    %dma_wait3A_144 = tpu.memref_slice %arg8[%dma_wait3A_133, %dma_wait3A_142, %dma_wait3A_143] : memref<2x128x128xf32, #tpu.memory_space<vmem>> -> memref<1x128x128xf32, #tpu.memory_space<vmem>>
    %dma_wait3A_145 = tpu.memref_squeeze %dma_wait3A_144 : memref<1x128x128xf32, #tpu.memory_space<vmem>> -> memref<128x128xf32, #tpu.memory_space<vmem>>
    tpu.wait_dma2 semaphore(%arg11 : memref<!tpu.dma_semaphore, #tpu.memory_space<semaphore_mem>>) src(%dma_wait3A_145 : memref<128x128xf32, #tpu.memory_space<vmem>>) dst(%dma_wait3A_141 : memref<128x128xf32, #tpu.memory_space<vmem_shared>>)
    %dma_wait3A_146 = arith.constant 0 : i32
    %dma_wait3A_147 = arith.constant 0 : i32
    %dma_wait3A_148 = arith.constant 0 : i32
    %dma_wait3A_149 = tpu.memref_slice %arg8[%dma_wait3A_146, %dma_wait3A_147, %dma_wait3A_148] : memref<2x128x128xf32, #tpu.memory_space<vmem>> -> memref<1x128x128xf32, #tpu.memory_space<vmem>>
    %dma_wait3A_150 = tpu.memref_squeeze %dma_wait3A_149 : memref<1x128x128xf32, #tpu.memory_space<vmem>> -> memref<128x128xf32, #tpu.memory_space<vmem>>
    %dma_wait3A_151 = arith.constant 0 : i32
    %dma_wait3A_152 = tpu.memref_slice %arg10[%add3A_76, %dma_wait3A_151] : memref<10240x128xf32, #tpu.memory_space<vmem_shared>> -> memref<128x128xf32, #tpu.memory_space<vmem_shared>>
    %dma_wait3A_153 = arith.constant 0 : i32
    %dma_wait3A_154 = tpu.memref_slice %arg10[%add3A_76, %dma_wait3A_153] : memref<10240x128xf32, #tpu.memory_space<vmem_shared>> -> memref<128x128xf32, #tpu.memory_space<vmem_shared>>
    %dma_wait3A_155 = arith.constant 0 : i32
    %dma_wait3A_156 = arith.constant 0 : i32
    %dma_wait3A_157 = tpu.memref_slice %arg8[%dma_wait3A_146, %dma_wait3A_155, %dma_wait3A_156] : memref<2x128x128xf32, #tpu.memory_space<vmem>> -> memref<1x128x128xf32, #tpu.memory_space<vmem>>
    %dma_wait3A_158 = tpu.memref_squeeze %dma_wait3A_157 : memref<1x128x128xf32, #tpu.memory_space<vmem>> -> memref<128x128xf32, #tpu.memory_space<vmem>>
    tpu.wait_dma2 semaphore(%arg11 : memref<!tpu.dma_semaphore, #tpu.memory_space<semaphore_mem>>) src(%dma_wait3A_158 : memref<128x128xf32, #tpu.memory_space<vmem>>) dst(%dma_wait3A_154 : memref<128x128xf32, #tpu.memory_space<vmem_shared>>)
    %barrier3A = arith.constant 0 : index
    tpu.barrier barrier_id(%barrier3A)
    %broadcast_in_dim3A_159 = arith.constant 1.000000e+00 : f32
    %broadcast_in_dim3A_160 = vector.broadcast %broadcast_in_dim3A_159 : f32 to vector<16xf32>
    %eq3A = arith.constant 0 : i32
    %eq3A_161 = arith.cmpi eq, %arg0, %eq3A : i32
    %mul3A_162 = arith.constant 80 : i32
    %mul3A_163 = arith.muli %arg1, %mul3A_162 : i32
    %mul3A_164 = arith.constant 80 : i32
    %mul3A_165 = arith.muli %arg1, %mul3A_164 : i32
    %add3A_166 = arith.constant 1280 : i32
    %add3A_167 = arith.addi %add3A_166, %mul3A_165 : i32
    %select_n3A = arith.select %eq3A_161, %mul3A_163, %add3A_167 : i32
    %scan3A_168 = arith.constant 0 : i32
    %scan3A_169 = arith.constant 1 : i32
    %scan3A_170 = arith.constant 0 : i32
    %scan3A_171 = arith.constant 5 : i32
    %scan3A_172 = arith.addi %scan3A_170, %scan3A_171 : i32
    %scan3A_173 = arith.constant 1 : i32
    scf.for %scan3A_180 = %scan3A_170 to %scan3A_172 step %scan3A_173  : i32 {
      %mul3A_181 = arith.constant 1 : i32
      %mul3A_182 = arith.muli %scan3A_180, %mul3A_181 : i32
      %add3A_183 = arith.constant 0 : i32
      %add3A_184 = arith.addi %add3A_183, %mul3A_182 : i32
      %eq3A_185 = arith.constant 0 : i32
      %eq3A_186 = arith.cmpi eq, %arg0, %eq3A_185 : i32
      %lt3A = arith.constant 5 : i32
      %lt3A_187 = arith.cmpi slt, %add3A_184, %lt3A : i32
      %or3A = arith.ori %eq3A_186, %lt3A_187 : i1
      %convert_element_type3A = arith.extui %or3A : i1 to i32
      %cond3A = arith.constant 0 : i32
      %cond3A_188 = arith.cmpi ne, %convert_element_type3A, %cond3A : i32
      scf.if %cond3A_188 {
        %mul3A_189 = arith.constant 16 : i32
        %mul3A_190 = arith.muli %add3A_184, %mul3A_189 : i32
        %add3A_191 = arith.addi %select_n3A, %mul3A_190 : i32
        %dma_start3A_192 = arith.constant 0 : i32
        %dma_start3A_193 = arith.constant 0 : i32
        %dma_start3A_194 = tpu.memref_slice %arg3[%scan3A_168, %dma_start3A_192, %dma_start3A_193] : memref<2x2560x128xi32, #tpu.memory_space<hbm>> -> memref<1x2560x128xi32, #tpu.memory_space<hbm>>
        %dma_start3A_195 = tpu.memref_squeeze %dma_start3A_194 : memref<1x2560x128xi32, #tpu.memory_space<hbm>> -> memref<2560x128xi32, #tpu.memory_space<hbm>>
        %dma_start3A_196 = arith.constant 0 : i32
        %dma_start3A_197 = tpu.memref_slice %dma_start3A_195[%add3A_191, %dma_start3A_196] : memref<2560x128xi32, #tpu.memory_space<hbm>> -> memref<16x128xi32, #tpu.memory_space<hbm>>
        %dma_start3A_198 = arith.constant 0 : i32
        %dma_start3A_199 = arith.constant 0 : i32
        %dma_start3A_200 = tpu.memref_slice %arg3[%scan3A_168, %dma_start3A_198, %dma_start3A_199] : memref<2x2560x128xi32, #tpu.memory_space<hbm>> -> memref<1x2560x128xi32, #tpu.memory_space<hbm>>
        %dma_start3A_201 = tpu.memref_squeeze %dma_start3A_200 : memref<1x2560x128xi32, #tpu.memory_space<hbm>> -> memref<2560x128xi32, #tpu.memory_space<hbm>>
        %dma_start3A_202 = arith.constant 0 : i32
        %dma_start3A_203 = tpu.memref_slice %dma_start3A_201[%add3A_191, %dma_start3A_202] : memref<2560x128xi32, #tpu.memory_space<hbm>> -> memref<16x128xi32, #tpu.memory_space<hbm>>
        tpu.enqueue_dma source(%dma_start3A_203 : memref<16x128xi32, #tpu.memory_space<hbm>>) target(%arg6 : memref<16x128xi32, #tpu.memory_space<vmem>>) target_semaphore(%arg11 : memref<!tpu.dma_semaphore, #tpu.memory_space<semaphore_mem>>)
        %dma_start3A_204 = arith.constant 0 : i32
        %dma_start3A_205 = arith.constant 0 : i32
        %dma_start3A_206 = tpu.memref_slice %arg3[%scan3A_169, %dma_start3A_204, %dma_start3A_205] : memref<2x2560x128xi32, #tpu.memory_space<hbm>> -> memref<1x2560x128xi32, #tpu.memory_space<hbm>>
        %dma_start3A_207 = tpu.memref_squeeze %dma_start3A_206 : memref<1x2560x128xi32, #tpu.memory_space<hbm>> -> memref<2560x128xi32, #tpu.memory_space<hbm>>
        %dma_start3A_208 = arith.constant 0 : i32
        %dma_start3A_209 = tpu.memref_slice %dma_start3A_207[%add3A_191, %dma_start3A_208] : memref<2560x128xi32, #tpu.memory_space<hbm>> -> memref<16x128xi32, #tpu.memory_space<hbm>>
        %dma_start3A_210 = arith.constant 0 : i32
        %dma_start3A_211 = arith.constant 0 : i32
        %dma_start3A_212 = tpu.memref_slice %arg3[%scan3A_169, %dma_start3A_210, %dma_start3A_211] : memref<2x2560x128xi32, #tpu.memory_space<hbm>> -> memref<1x2560x128xi32, #tpu.memory_space<hbm>>
        %dma_start3A_213 = tpu.memref_squeeze %dma_start3A_212 : memref<1x2560x128xi32, #tpu.memory_space<hbm>> -> memref<2560x128xi32, #tpu.memory_space<hbm>>
        %dma_start3A_214 = arith.constant 0 : i32
        %dma_start3A_215 = tpu.memref_slice %dma_start3A_213[%add3A_191, %dma_start3A_214] : memref<2560x128xi32, #tpu.memory_space<hbm>> -> memref<16x128xi32, #tpu.memory_space<hbm>>
        tpu.enqueue_dma source(%dma_start3A_215 : memref<16x128xi32, #tpu.memory_space<hbm>>) target(%arg7 : memref<16x128xi32, #tpu.memory_space<vmem>>) target_semaphore(%arg12 : memref<!tpu.dma_semaphore, #tpu.memory_space<semaphore_mem>>)
        %dma_wait3A_216 = arith.constant 0 : i32
        %dma_wait3A_217 = arith.constant 0 : i32
        %dma_wait3A_218 = tpu.memref_slice %arg3[%scan3A_168, %dma_wait3A_216, %dma_wait3A_217] : memref<2x2560x128xi32, #tpu.memory_space<hbm>> -> memref<1x2560x128xi32, #tpu.memory_space<hbm>>
        %dma_wait3A_219 = tpu.memref_squeeze %dma_wait3A_218 : memref<1x2560x128xi32, #tpu.memory_space<hbm>> -> memref<2560x128xi32, #tpu.memory_space<hbm>>
        %dma_wait3A_220 = arith.constant 0 : i32
        %dma_wait3A_221 = tpu.memref_slice %dma_wait3A_219[%add3A_191, %dma_wait3A_220] : memref<2560x128xi32, #tpu.memory_space<hbm>> -> memref<16x128xi32, #tpu.memory_space<hbm>>
        %dma_wait3A_222 = arith.constant 0 : i32
        %dma_wait3A_223 = arith.constant 0 : i32
        %dma_wait3A_224 = tpu.memref_slice %arg3[%scan3A_168, %dma_wait3A_222, %dma_wait3A_223] : memref<2x2560x128xi32, #tpu.memory_space<hbm>> -> memref<1x2560x128xi32, #tpu.memory_space<hbm>>
        %dma_wait3A_225 = tpu.memref_squeeze %dma_wait3A_224 : memref<1x2560x128xi32, #tpu.memory_space<hbm>> -> memref<2560x128xi32, #tpu.memory_space<hbm>>
        %dma_wait3A_226 = arith.constant 0 : i32
        %dma_wait3A_227 = tpu.memref_slice %dma_wait3A_225[%add3A_191, %dma_wait3A_226] : memref<2560x128xi32, #tpu.memory_space<hbm>> -> memref<16x128xi32, #tpu.memory_space<hbm>>
        tpu.wait_dma2 semaphore(%arg11 : memref<!tpu.dma_semaphore, #tpu.memory_space<semaphore_mem>>) src(%dma_wait3A_227 : memref<16x128xi32, #tpu.memory_space<hbm>>) dst(%arg6 : memref<16x128xi32, #tpu.memory_space<vmem>>)
        %dma_wait3A_228 = arith.constant 0 : i32
        %dma_wait3A_229 = arith.constant 0 : i32
        %dma_wait3A_230 = tpu.memref_slice %arg3[%scan3A_169, %dma_wait3A_228, %dma_wait3A_229] : memref<2x2560x128xi32, #tpu.memory_space<hbm>> -> memref<1x2560x128xi32, #tpu.memory_space<hbm>>
        %dma_wait3A_231 = tpu.memref_squeeze %dma_wait3A_230 : memref<1x2560x128xi32, #tpu.memory_space<hbm>> -> memref<2560x128xi32, #tpu.memory_space<hbm>>
        %dma_wait3A_232 = arith.constant 0 : i32
        %dma_wait3A_233 = tpu.memref_slice %dma_wait3A_231[%add3A_191, %dma_wait3A_232] : memref<2560x128xi32, #tpu.memory_space<hbm>> -> memref<16x128xi32, #tpu.memory_space<hbm>>
        %dma_wait3A_234 = arith.constant 0 : i32
        %dma_wait3A_235 = arith.constant 0 : i32
        %dma_wait3A_236 = tpu.memref_slice %arg3[%scan3A_169, %dma_wait3A_234, %dma_wait3A_235] : memref<2x2560x128xi32, #tpu.memory_space<hbm>> -> memref<1x2560x128xi32, #tpu.memory_space<hbm>>
        %dma_wait3A_237 = tpu.memref_squeeze %dma_wait3A_236 : memref<1x2560x128xi32, #tpu.memory_space<hbm>> -> memref<2560x128xi32, #tpu.memory_space<hbm>>
        %dma_wait3A_238 = arith.constant 0 : i32
        %dma_wait3A_239 = tpu.memref_slice %dma_wait3A_237[%add3A_191, %dma_wait3A_238] : memref<2560x128xi32, #tpu.memory_space<hbm>> -> memref<16x128xi32, #tpu.memory_space<hbm>>
        tpu.wait_dma2 semaphore(%arg12 : memref<!tpu.dma_semaphore, #tpu.memory_space<semaphore_mem>>) src(%dma_wait3A_239 : memref<16x128xi32, #tpu.memory_space<hbm>>) dst(%arg7 : memref<16x128xi32, #tpu.memory_space<vmem>>)
        %dma_start3A_240 = arith.constant 0 : i32
        %dma_start3A_241 = arith.constant 0 : i32
        %dma_start3A_242 = arith.constant 0 : i32
        %dma_start3A_243 = arith.constant 0 : i32
        %dma_start3A_244 = tpu.memref_slice %arg8[%dma_start3A_241, %dma_start3A_242, %dma_start3A_243] : memref<2x128x128xf32, #tpu.memory_space<vmem>> -> memref<1x128x128xf32, #tpu.memory_space<vmem>>
        %dma_start3A_245 = tpu.memref_squeeze %dma_start3A_244 : memref<1x128x128xf32, #tpu.memory_space<vmem>> -> memref<128x128xf32, #tpu.memory_space<vmem>>
        %dma_start3A_246 = arith.constant 0 : i32
        %dma_start3A_247 = tpu.memref_slice %arg7[%dma_start3A_240, %dma_start3A_246] : memref<16x128xi32, #tpu.memory_space<vmem>> -> memref<1x128xi32, #tpu.memory_space<vmem>>
        %dma_start3A_248 = tpu.memref_squeeze %dma_start3A_247 : memref<1x128xi32, #tpu.memory_space<vmem>> -> memref<128xi32, #tpu.memory_space<vmem>>
        %dma_start3A_249 = arith.constant 0 : i32
        %dma_start3A_250 = arith.constant 0 : i32
        %dma_start3A_251 = tpu.memref_slice %arg2[%dma_start3A_249, %dma_start3A_250] : memref<10000x128xf32, #tpu.memory_space<hbm>> -> memref<10000x128xf32, #tpu.memory_space<hbm>>
        tpu.enqueue_indirect_dma source(%dma_start3A_251 : memref<10000x128xf32, #tpu.memory_space<hbm>>) target(%dma_start3A_245 : memref<128x128xf32, #tpu.memory_space<vmem>>) offsets(%dma_start3A_248 : memref<128xi32, #tpu.memory_space<vmem>>) semaphore(%arg11 : memref<!tpu.dma_semaphore, #tpu.memory_space<semaphore_mem>>)
        %dma_wait3A_252 = arith.constant 0 : i32
        %dma_wait3A_253 = arith.constant 0 : i32
        %dma_wait3A_254 = arith.constant 0 : i32
        %dma_wait3A_255 = arith.constant 0 : i32
        %dma_wait3A_256 = tpu.memref_slice %arg8[%dma_wait3A_253, %dma_wait3A_254, %dma_wait3A_255] : memref<2x128x128xf32, #tpu.memory_space<vmem>> -> memref<1x128x128xf32, #tpu.memory_space<vmem>>
        %dma_wait3A_257 = tpu.memref_squeeze %dma_wait3A_256 : memref<1x128x128xf32, #tpu.memory_space<vmem>> -> memref<128x128xf32, #tpu.memory_space<vmem>>
        %dma_wait3A_258 = arith.constant 0 : i32
        %dma_wait3A_259 = tpu.memref_slice %arg7[%dma_wait3A_252, %dma_wait3A_258] : memref<16x128xi32, #tpu.memory_space<vmem>> -> memref<1x128xi32, #tpu.memory_space<vmem>>
        %dma_wait3A_260 = tpu.memref_squeeze %dma_wait3A_259 : memref<1x128xi32, #tpu.memory_space<vmem>> -> memref<128xi32, #tpu.memory_space<vmem>>
        %dma_wait3A_261 = arith.constant 0 : i32
        %dma_wait3A_262 = arith.constant 0 : i32
        %dma_wait3A_263 = tpu.memref_slice %arg2[%dma_wait3A_261, %dma_wait3A_262] : memref<10000x128xf32, #tpu.memory_space<hbm>> -> memref<10000x128xf32, #tpu.memory_space<hbm>>
        tpu.wait_indirect_dma semaphore(%arg11 : memref<!tpu.dma_semaphore, #tpu.memory_space<semaphore_mem>>) src(%dma_wait3A_263 : memref<10000x128xf32, #tpu.memory_space<hbm>>) dst(%dma_wait3A_257 : memref<128x128xf32, #tpu.memory_space<vmem>>)
        %get3A = arith.constant 0 : i32
        %get3A_264 = arith.index_cast %get3A : i32 to index
        %get3A_265 = arith.constant 0 : index
        %get3A_266 = tpu.vector_load %arg6[%get3A_264, %get3A_265] {strides = array<i32>} : memref<16x128xi32, #tpu.memory_space<vmem>>, vector<16xi32>,
        tpu.vector_store_idx %arg9[%get3A_266], %broadcast_in_dim3A_160 {add = true} : memref<10240xf32, #tpu.memory_space<vmem>>[vector<16xi32>], vector<16xf32>,
        %get3A_267 = arith.constant 0 : i32
        %get3A_268 = arith.index_cast %get3A_267 : i32 to index
        %get3A_269 = arith.constant 16 : index
        %get3A_270 = tpu.vector_load %arg6[%get3A_268, %get3A_269] {strides = array<i32>} : memref<16x128xi32, #tpu.memory_space<vmem>>, vector<16xi32>,
        tpu.vector_store_idx %arg9[%get3A_270], %broadcast_in_dim3A_160 {add = true} : memref<10240xf32, #tpu.memory_space<vmem>>[vector<16xi32>], vector<16xf32>,
        %get3A_271 = arith.constant 0 : i32
        %get3A_272 = arith.index_cast %get3A_271 : i32 to index
        %get3A_273 = arith.constant 32 : index
        %get3A_274 = tpu.vector_load %arg6[%get3A_272, %get3A_273] {strides = array<i32>} : memref<16x128xi32, #tpu.memory_space<vmem>>, vector<16xi32>,
        tpu.vector_store_idx %arg9[%get3A_274], %broadcast_in_dim3A_160 {add = true} : memref<10240xf32, #tpu.memory_space<vmem>>[vector<16xi32>], vector<16xf32>,
        %get3A_275 = arith.constant 0 : i32
        %get3A_276 = arith.index_cast %get3A_275 : i32 to index
        %get3A_277 = arith.constant 48 : index
        %get3A_278 = tpu.vector_load %arg6[%get3A_276, %get3A_277] {strides = array<i32>} : memref<16x128xi32, #tpu.memory_space<vmem>>, vector<16xi32>,
        tpu.vector_store_idx %arg9[%get3A_278], %broadcast_in_dim3A_160 {add = true} : memref<10240xf32, #tpu.memory_space<vmem>>[vector<16xi32>], vector<16xf32>,
        %get3A_279 = arith.constant 0 : i32
        %get3A_280 = arith.index_cast %get3A_279 : i32 to index
        %get3A_281 = arith.constant 64 : index
        %get3A_282 = tpu.vector_load %arg6[%get3A_280, %get3A_281] {strides = array<i32>} : memref<16x128xi32, #tpu.memory_space<vmem>>, vector<16xi32>,
        tpu.vector_store_idx %arg9[%get3A_282], %broadcast_in_dim3A_160 {add = true} : memref<10240xf32, #tpu.memory_space<vmem>>[vector<16xi32>], vector<16xf32>,
        %get3A_283 = arith.constant 0 : i32
        %get3A_284 = arith.index_cast %get3A_283 : i32 to index
        %get3A_285 = arith.constant 80 : index
        %get3A_286 = tpu.vector_load %arg6[%get3A_284, %get3A_285] {strides = array<i32>} : memref<16x128xi32, #tpu.memory_space<vmem>>, vector<16xi32>,
        tpu.vector_store_idx %arg9[%get3A_286], %broadcast_in_dim3A_160 {add = true} : memref<10240xf32, #tpu.memory_space<vmem>>[vector<16xi32>], vector<16xf32>,
        %get3A_287 = arith.constant 0 : i32
        %get3A_288 = arith.index_cast %get3A_287 : i32 to index
        %get3A_289 = arith.constant 96 : index
        %get3A_290 = tpu.vector_load %arg6[%get3A_288, %get3A_289] {strides = array<i32>} : memref<16x128xi32, #tpu.memory_space<vmem>>, vector<16xi32>,
        tpu.vector_store_idx %arg9[%get3A_290], %broadcast_in_dim3A_160 {add = true} : memref<10240xf32, #tpu.memory_space<vmem>>[vector<16xi32>], vector<16xf32>,
        %get3A_291 = arith.constant 0 : i32
        %get3A_292 = arith.index_cast %get3A_291 : i32 to index
        %get3A_293 = arith.constant 112 : index
        %get3A_294 = tpu.vector_load %arg6[%get3A_292, %get3A_293] {strides = array<i32>} : memref<16x128xi32, #tpu.memory_space<vmem>>, vector<16xi32>,
        tpu.vector_store_idx %arg9[%get3A_294], %broadcast_in_dim3A_160 {add = true} : memref<10240xf32, #tpu.memory_space<vmem>>[vector<16xi32>], vector<16xf32>,
        %dma_start3A_295 = arith.constant 1 : i32
        %dma_start3A_296 = arith.constant 1 : i32
        %dma_start3A_297 = arith.constant 0 : i32
        %dma_start3A_298 = arith.constant 0 : i32
        %dma_start3A_299 = tpu.memref_slice %arg8[%dma_start3A_296, %dma_start3A_297, %dma_start3A_298] : memref<2x128x128xf32, #tpu.memory_space<vmem>> -> memref<1x128x128xf32, #tpu.memory_space<vmem>>
        %dma_start3A_300 = tpu.memref_squeeze %dma_start3A_299 : memref<1x128x128xf32, #tpu.memory_space<vmem>> -> memref<128x128xf32, #tpu.memory_space<vmem>>
        %dma_start3A_301 = arith.constant 0 : i32
        %dma_start3A_302 = tpu.memref_slice %arg7[%dma_start3A_295, %dma_start3A_301] : memref<16x128xi32, #tpu.memory_space<vmem>> -> memref<1x128xi32, #tpu.memory_space<vmem>>
        %dma_start3A_303 = tpu.memref_squeeze %dma_start3A_302 : memref<1x128xi32, #tpu.memory_space<vmem>> -> memref<128xi32, #tpu.memory_space<vmem>>
        %dma_start3A_304 = arith.constant 0 : i32
        %dma_start3A_305 = arith.constant 0 : i32
        %dma_start3A_306 = tpu.memref_slice %arg2[%dma_start3A_304, %dma_start3A_305] : memref<10000x128xf32, #tpu.memory_space<hbm>> -> memref<10000x128xf32, #tpu.memory_space<hbm>>
        tpu.enqueue_indirect_dma source(%dma_start3A_306 : memref<10000x128xf32, #tpu.memory_space<hbm>>) target(%dma_start3A_300 : memref<128x128xf32, #tpu.memory_space<vmem>>) offsets(%dma_start3A_303 : memref<128xi32, #tpu.memory_space<vmem>>) semaphore(%arg12 : memref<!tpu.dma_semaphore, #tpu.memory_space<semaphore_mem>>)
        %dma_start3A_307 = arith.constant 0 : i32
        %dma_start3A_308 = arith.constant 0 : i32
        %dma_start3A_309 = arith.constant 0 : i32
        %dma_start3A_310 = arith.constant 0 : i32
        %dma_start3A_311 = tpu.memref_slice %arg8[%dma_start3A_307, %dma_start3A_309, %dma_start3A_310] : memref<2x128x128xf32, #tpu.memory_space<vmem>> -> memref<1x128x128xf32, #tpu.memory_space<vmem>>
        %dma_start3A_312 = tpu.memref_squeeze %dma_start3A_311 : memref<1x128x128xf32, #tpu.memory_space<vmem>> -> memref<128x128xf32, #tpu.memory_space<vmem>>
        %dma_start3A_313 = arith.constant 0 : i32
        %dma_start3A_314 = tpu.memref_slice %arg6[%dma_start3A_308, %dma_start3A_313] : memref<16x128xi32, #tpu.memory_space<vmem>> -> memref<1x128xi32, #tpu.memory_space<vmem>>
        %dma_start3A_315 = tpu.memref_squeeze %dma_start3A_314 : memref<1x128xi32, #tpu.memory_space<vmem>> -> memref<128xi32, #tpu.memory_space<vmem>>
        %dma_start3A_316 = arith.constant 0 : i32
        %dma_start3A_317 = arith.constant 0 : i32
        %dma_start3A_318 = tpu.memref_slice %arg10[%dma_start3A_316, %dma_start3A_317] : memref<10240x128xf32, #tpu.memory_space<vmem_shared>> -> memref<10240x128xf32, #tpu.memory_space<vmem_shared>>
        tpu.enqueue_indirect_dma source(%dma_start3A_312 : memref<128x128xf32, #tpu.memory_space<vmem>>) target(%dma_start3A_318 : memref<10240x128xf32, #tpu.memory_space<vmem_shared>>) offsets(%dma_start3A_315 : memref<128xi32, #tpu.memory_space<vmem>>) semaphore(%arg13 : memref<!tpu.dma_semaphore, #tpu.memory_space<semaphore_mem>>) {add = true}
        %dma_wait3A_319 = arith.constant 1 : i32
        %dma_wait3A_320 = arith.constant 1 : i32
        %dma_wait3A_321 = arith.constant 0 : i32
        %dma_wait3A_322 = arith.constant 0 : i32
        %dma_wait3A_323 = tpu.memref_slice %arg8[%dma_wait3A_320, %dma_wait3A_321, %dma_wait3A_322] : memref<2x128x128xf32, #tpu.memory_space<vmem>> -> memref<1x128x128xf32, #tpu.memory_space<vmem>>
        %dma_wait3A_324 = tpu.memref_squeeze %dma_wait3A_323 : memref<1x128x128xf32, #tpu.memory_space<vmem>> -> memref<128x128xf32, #tpu.memory_space<vmem>>
        %dma_wait3A_325 = arith.constant 0 : i32
        %dma_wait3A_326 = tpu.memref_slice %arg7[%dma_wait3A_319, %dma_wait3A_325] : memref<16x128xi32, #tpu.memory_space<vmem>> -> memref<1x128xi32, #tpu.memory_space<vmem>>
        %dma_wait3A_327 = tpu.memref_squeeze %dma_wait3A_326 : memref<1x128xi32, #tpu.memory_space<vmem>> -> memref<128xi32, #tpu.memory_space<vmem>>
        %dma_wait3A_328 = arith.constant 0 : i32
        %dma_wait3A_329 = arith.constant 0 : i32
        %dma_wait3A_330 = tpu.memref_slice %arg2[%dma_wait3A_328, %dma_wait3A_329] : memref<10000x128xf32, #tpu.memory_space<hbm>> -> memref<10000x128xf32, #tpu.memory_space<hbm>>
        tpu.wait_indirect_dma semaphore(%arg12 : memref<!tpu.dma_semaphore, #tpu.memory_space<semaphore_mem>>) src(%dma_wait3A_330 : memref<10000x128xf32, #tpu.memory_space<hbm>>) dst(%dma_wait3A_324 : memref<128x128xf32, #tpu.memory_space<vmem>>)
        %get3A_331 = arith.constant 1 : i32
        %get3A_332 = arith.index_cast %get3A_331 : i32 to index
        %get3A_333 = arith.constant 0 : index
        %get3A_334 = tpu.vector_load %arg6[%get3A_332, %get3A_333] {strides = array<i32>} : memref<16x128xi32, #tpu.memory_space<vmem>>, vector<16xi32>,
        tpu.vector_store_idx %arg9[%get3A_334], %broadcast_in_dim3A_160 {add = true} : memref<10240xf32, #tpu.memory_space<vmem>>[vector<16xi32>], vector<16xf32>,
        %get3A_335 = arith.constant 1 : i32
        %get3A_336 = arith.index_cast %get3A_335 : i32 to index
        %get3A_337 = arith.constant 16 : index
        %get3A_338 = tpu.vector_load %arg6[%get3A_336, %get3A_337] {strides = array<i32>} : memref<16x128xi32, #tpu.memory_space<vmem>>, vector<16xi32>,
        tpu.vector_store_idx %arg9[%get3A_338], %broadcast_in_dim3A_160 {add = true} : memref<10240xf32, #tpu.memory_space<vmem>>[vector<16xi32>], vector<16xf32>,
        %get3A_339 = arith.constant 1 : i32
        %get3A_340 = arith.index_cast %get3A_339 : i32 to index
        %get3A_341 = arith.constant 32 : index
        %get3A_342 = tpu.vector_load %arg6[%get3A_340, %get3A_341] {strides = array<i32>} : memref<16x128xi32, #tpu.memory_space<vmem>>, vector<16xi32>,
        tpu.vector_store_idx %arg9[%get3A_342], %broadcast_in_dim3A_160 {add = true} : memref<10240xf32, #tpu.memory_space<vmem>>[vector<16xi32>], vector<16xf32>,
        %get3A_343 = arith.constant 1 : i32
        %get3A_344 = arith.index_cast %get3A_343 : i32 to index
        %get3A_345 = arith.constant 48 : index
        %get3A_346 = tpu.vector_load %arg6[%get3A_344, %get3A_345] {strides = array<i32>} : memref<16x128xi32, #tpu.memory_space<vmem>>, vector<16xi32>,
        tpu.vector_store_idx %arg9[%get3A_346], %broadcast_in_dim3A_160 {add = true} : memref<10240xf32, #tpu.memory_space<vmem>>[vector<16xi32>], vector<16xf32>,
        %get3A_347 = arith.constant 1 : i32
        %get3A_348 = arith.index_cast %get3A_347 : i32 to index
        %get3A_349 = arith.constant 64 : index
        %get3A_350 = tpu.vector_load %arg6[%get3A_348, %get3A_349] {strides = array<i32>} : memref<16x128xi32, #tpu.memory_space<vmem>>, vector<16xi32>,
        tpu.vector_store_idx %arg9[%get3A_350], %broadcast_in_dim3A_160 {add = true} : memref<10240xf32, #tpu.memory_space<vmem>>[vector<16xi32>], vector<16xf32>,
        %get3A_351 = arith.constant 1 : i32
        %get3A_352 = arith.index_cast %get3A_351 : i32 to index
        %get3A_353 = arith.constant 80 : index
        %get3A_354 = tpu.vector_load %arg6[%get3A_352, %get3A_353] {strides = array<i32>} : memref<16x128xi32, #tpu.memory_space<vmem>>, vector<16xi32>,
        tpu.vector_store_idx %arg9[%get3A_354], %broadcast_in_dim3A_160 {add = true} : memref<10240xf32, #tpu.memory_space<vmem>>[vector<16xi32>], vector<16xf32>,
        %get3A_355 = arith.constant 1 : i32
        %get3A_356 = arith.index_cast %get3A_355 : i32 to index
        %get3A_357 = arith.constant 96 : index
        %get3A_358 = tpu.vector_load %arg6[%get3A_356, %get3A_357] {strides = array<i32>} : memref<16x128xi32, #tpu.memory_space<vmem>>, vector<16xi32>,
        tpu.vector_store_idx %arg9[%get3A_358], %broadcast_in_dim3A_160 {add = true} : memref<10240xf32, #tpu.memory_space<vmem>>[vector<16xi32>], vector<16xf32>,
        %get3A_359 = arith.constant 1 : i32
        %get3A_360 = arith.index_cast %get3A_359 : i32 to index
        %get3A_361 = arith.constant 112 : index
        %get3A_362 = tpu.vector_load %arg6[%get3A_360, %get3A_361] {strides = array<i32>} : memref<16x128xi32, #tpu.memory_space<vmem>>, vector<16xi32>,
        tpu.vector_store_idx %arg9[%get3A_362], %broadcast_in_dim3A_160 {add = true} : memref<10240xf32, #tpu.memory_space<vmem>>[vector<16xi32>], vector<16xf32>,
        %dma_wait3A_363 = arith.constant 0 : i32
        %dma_wait3A_364 = arith.constant 0 : i32
        %dma_wait3A_365 = arith.constant 0 : i32
        %dma_wait3A_366 = arith.constant 0 : i32
        %dma_wait3A_367 = tpu.memref_slice %arg8[%dma_wait3A_363, %dma_wait3A_365, %dma_wait3A_366] : memref<2x128x128xf32, #tpu.memory_space<vmem>> -> memref<1x128x128xf32, #tpu.memory_space<vmem>>
        %dma_wait3A_368 = tpu.memref_squeeze %dma_wait3A_367 : memref<1x128x128xf32, #tpu.memory_space<vmem>> -> memref<128x128xf32, #tpu.memory_space<vmem>>
        %dma_wait3A_369 = arith.constant 0 : i32
        %dma_wait3A_370 = tpu.memref_slice %arg6[%dma_wait3A_364, %dma_wait3A_369] : memref<16x128xi32, #tpu.memory_space<vmem>> -> memref<1x128xi32, #tpu.memory_space<vmem>>
        %dma_wait3A_371 = tpu.memref_squeeze %dma_wait3A_370 : memref<1x128xi32, #tpu.memory_space<vmem>> -> memref<128xi32, #tpu.memory_space<vmem>>
        %dma_wait3A_372 = arith.constant 0 : i32
        %dma_wait3A_373 = arith.constant 0 : i32
        %dma_wait3A_374 = tpu.memref_slice %arg10[%dma_wait3A_372, %dma_wait3A_373] : memref<10240x128xf32, #tpu.memory_space<vmem_shared>> -> memref<10240x128xf32, #tpu.memory_space<vmem_shared>>
        tpu.wait_indirect_dma semaphore(%arg13 : memref<!tpu.dma_semaphore, #tpu.memory_space<semaphore_mem>>) src(%dma_wait3A_368 : memref<128x128xf32, #tpu.memory_space<vmem>>) dst(%dma_wait3A_374 : memref<10240x128xf32, #tpu.memory_space<vmem_shared>>)
        %dma_start3A_375 = arith.constant 2 : i32
        %dma_start3A_376 = arith.constant 0 : i32
        %dma_start3A_377 = arith.constant 0 : i32
        %dma_start3A_378 = arith.constant 0 : i32
        %dma_start3A_379 = tpu.memref_slice %arg8[%dma_start3A_376, %dma_start3A_377, %dma_start3A_378] : memref<2x128x128xf32, #tpu.memory_space<vmem>> -> memref<1x128x128xf32, #tpu.memory_space<vmem>>
        %dma_start3A_380 = tpu.memref_squeeze %dma_start3A_379 : memref<1x128x128xf32, #tpu.memory_space<vmem>> -> memref<128x128xf32, #tpu.memory_space<vmem>>
        %dma_start3A_381 = arith.constant 0 : i32
        %dma_start3A_382 = tpu.memref_slice %arg7[%dma_start3A_375, %dma_start3A_381] : memref<16x128xi32, #tpu.memory_space<vmem>> -> memref<1x128xi32, #tpu.memory_space<vmem>>
        %dma_start3A_383 = tpu.memref_squeeze %dma_start3A_382 : memref<1x128xi32, #tpu.memory_space<vmem>> -> memref<128xi32, #tpu.memory_space<vmem>>
        %dma_start3A_384 = arith.constant 0 : i32
        %dma_start3A_385 = arith.constant 0 : i32
        %dma_start3A_386 = tpu.memref_slice %arg2[%dma_start3A_384, %dma_start3A_385] : memref<10000x128xf32, #tpu.memory_space<hbm>> -> memref<10000x128xf32, #tpu.memory_space<hbm>>
        tpu.enqueue_indirect_dma source(%dma_start3A_386 : memref<10000x128xf32, #tpu.memory_space<hbm>>) target(%dma_start3A_380 : memref<128x128xf32, #tpu.memory_space<vmem>>) offsets(%dma_start3A_383 : memref<128xi32, #tpu.memory_space<vmem>>) semaphore(%arg11 : memref<!tpu.dma_semaphore, #tpu.memory_space<semaphore_mem>>)
        %dma_start3A_387 = arith.constant 1 : i32
        %dma_start3A_388 = arith.constant 1 : i32
        %dma_start3A_389 = arith.constant 0 : i32
        %dma_start3A_390 = arith.constant 0 : i32
        %dma_start3A_391 = tpu.memref_slice %arg8[%dma_start3A_387, %dma_start3A_389, %dma_start3A_390] : memref<2x128x128xf32, #tpu.memory_space<vmem>> -> memref<1x128x128xf32, #tpu.memory_space<vmem>>
        %dma_start3A_392 = tpu.memref_squeeze %dma_start3A_391 : memref<1x128x128xf32, #tpu.memory_space<vmem>> -> memref<128x128xf32, #tpu.memory_space<vmem>>
        %dma_start3A_393 = arith.constant 0 : i32
        %dma_start3A_394 = tpu.memref_slice %arg6[%dma_start3A_388, %dma_start3A_393] : memref<16x128xi32, #tpu.memory_space<vmem>> -> memref<1x128xi32, #tpu.memory_space<vmem>>
        %dma_start3A_395 = tpu.memref_squeeze %dma_start3A_394 : memref<1x128xi32, #tpu.memory_space<vmem>> -> memref<128xi32, #tpu.memory_space<vmem>>
        %dma_start3A_396 = arith.constant 0 : i32
        %dma_start3A_397 = arith.constant 0 : i32
        %dma_start3A_398 = tpu.memref_slice %arg10[%dma_start3A_396, %dma_start3A_397] : memref<10240x128xf32, #tpu.memory_space<vmem_shared>> -> memref<10240x128xf32, #tpu.memory_space<vmem_shared>>
        tpu.enqueue_indirect_dma source(%dma_start3A_392 : memref<128x128xf32, #tpu.memory_space<vmem>>) target(%dma_start3A_398 : memref<10240x128xf32, #tpu.memory_space<vmem_shared>>) offsets(%dma_start3A_395 : memref<128xi32, #tpu.memory_space<vmem>>) semaphore(%arg14 : memref<!tpu.dma_semaphore, #tpu.memory_space<semaphore_mem>>) {add = true}
        %dma_wait3A_399 = arith.constant 2 : i32
        %dma_wait3A_400 = arith.constant 0 : i32
        %dma_wait3A_401 = arith.constant 0 : i32
        %dma_wait3A_402 = arith.constant 0 : i32
        %dma_wait3A_403 = tpu.memref_slice %arg8[%dma_wait3A_400, %dma_wait3A_401, %dma_wait3A_402] : memref<2x128x128xf32, #tpu.memory_space<vmem>> -> memref<1x128x128xf32, #tpu.memory_space<vmem>>
        %dma_wait3A_404 = tpu.memref_squeeze %dma_wait3A_403 : memref<1x128x128xf32, #tpu.memory_space<vmem>> -> memref<128x128xf32, #tpu.memory_space<vmem>>
        %dma_wait3A_405 = arith.constant 0 : i32
        %dma_wait3A_406 = tpu.memref_slice %arg7[%dma_wait3A_399, %dma_wait3A_405] : memref<16x128xi32, #tpu.memory_space<vmem>> -> memref<1x128xi32, #tpu.memory_space<vmem>>
        %dma_wait3A_407 = tpu.memref_squeeze %dma_wait3A_406 : memref<1x128xi32, #tpu.memory_space<vmem>> -> memref<128xi32, #tpu.memory_space<vmem>>
        %dma_wait3A_408 = arith.constant 0 : i32
        %dma_wait3A_409 = arith.constant 0 : i32
        %dma_wait3A_410 = tpu.memref_slice %arg2[%dma_wait3A_408, %dma_wait3A_409] : memref<10000x128xf32, #tpu.memory_space<hbm>> -> memref<10000x128xf32, #tpu.memory_space<hbm>>
        tpu.wait_indirect_dma semaphore(%arg11 : memref<!tpu.dma_semaphore, #tpu.memory_space<semaphore_mem>>) src(%dma_wait3A_410 : memref<10000x128xf32, #tpu.memory_space<hbm>>) dst(%dma_wait3A_404 : memref<128x128xf32, #tpu.memory_space<vmem>>)
        %get3A_411 = arith.constant 2 : i32
        %get3A_412 = arith.index_cast %get3A_411 : i32 to index
        %get3A_413 = arith.constant 0 : index
        %get3A_414 = tpu.vector_load %arg6[%get3A_412, %get3A_413] {strides = array<i32>} : memref<16x128xi32, #tpu.memory_space<vmem>>, vector<16xi32>,
        tpu.vector_store_idx %arg9[%get3A_414], %broadcast_in_dim3A_160 {add = true} : memref<10240xf32, #tpu.memory_space<vmem>>[vector<16xi32>], vector<16xf32>,
        %get3A_415 = arith.constant 2 : i32
        %get3A_416 = arith.index_cast %get3A_415 : i32 to index
        %get3A_417 = arith.constant 16 : index
        %get3A_418 = tpu.vector_load %arg6[%get3A_416, %get3A_417] {strides = array<i32>} : memref<16x128xi32, #tpu.memory_space<vmem>>, vector<16xi32>,
        tpu.vector_store_idx %arg9[%get3A_418], %broadcast_in_dim3A_160 {add = true} : memref<10240xf32, #tpu.memory_space<vmem>>[vector<16xi32>], vector<16xf32>,
        %get3A_419 = arith.constant 2 : i32
        %get3A_420 = arith.index_cast %get3A_419 : i32 to index
        %get3A_421 = arith.constant 32 : index
        %get3A_422 = tpu.vector_load %arg6[%get3A_420, %get3A_421] {strides = array<i32>} : memref<16x128xi32, #tpu.memory_space<vmem>>, vector<16xi32>,
        tpu.vector_store_idx %arg9[%get3A_422], %broadcast_in_dim3A_160 {add = true} : memref<10240xf32, #tpu.memory_space<vmem>>[vector<16xi32>], vector<16xf32>,
        %get3A_423 = arith.constant 2 : i32
        %get3A_424 = arith.index_cast %get3A_423 : i32 to index
        %get3A_425 = arith.constant 48 : index
        %get3A_426 = tpu.vector_load %arg6[%get3A_424, %get3A_425] {strides = array<i32>} : memref<16x128xi32, #tpu.memory_space<vmem>>, vector<16xi32>,
        tpu.vector_store_idx %arg9[%get3A_426], %broadcast_in_dim3A_160 {add = true} : memref<10240xf32, #tpu.memory_space<vmem>>[vector<16xi32>], vector<16xf32>,
        %get3A_427 = arith.constant 2 : i32
        %get3A_428 = arith.index_cast %get3A_427 : i32 to index
        %get3A_429 = arith.constant 64 : index
        %get3A_430 = tpu.vector_load %arg6[%get3A_428, %get3A_429] {strides = array<i32>} : memref<16x128xi32, #tpu.memory_space<vmem>>, vector<16xi32>,
        tpu.vector_store_idx %arg9[%get3A_430], %broadcast_in_dim3A_160 {add = true} : memref<10240xf32, #tpu.memory_space<vmem>>[vector<16xi32>], vector<16xf32>,
        %get3A_431 = arith.constant 2 : i32
        %get3A_432 = arith.index_cast %get3A_431 : i32 to index
        %get3A_433 = arith.constant 80 : index
        %get3A_434 = tpu.vector_load %arg6[%get3A_432, %get3A_433] {strides = array<i32>} : memref<16x128xi32, #tpu.memory_space<vmem>>, vector<16xi32>,
        tpu.vector_store_idx %arg9[%get3A_434], %broadcast_in_dim3A_160 {add = true} : memref<10240xf32, #tpu.memory_space<vmem>>[vector<16xi32>], vector<16xf32>,
        %get3A_435 = arith.constant 2 : i32
        %get3A_436 = arith.index_cast %get3A_435 : i32 to index
        %get3A_437 = arith.constant 96 : index
        %get3A_438 = tpu.vector_load %arg6[%get3A_436, %get3A_437] {strides = array<i32>} : memref<16x128xi32, #tpu.memory_space<vmem>>, vector<16xi32>,
        tpu.vector_store_idx %arg9[%get3A_438], %broadcast_in_dim3A_160 {add = true} : memref<10240xf32, #tpu.memory_space<vmem>>[vector<16xi32>], vector<16xf32>,
        %get3A_439 = arith.constant 2 : i32
        %get3A_440 = arith.index_cast %get3A_439 : i32 to index
        %get3A_441 = arith.constant 112 : index
        %get3A_442 = tpu.vector_load %arg6[%get3A_440, %get3A_441] {strides = array<i32>} : memref<16x128xi32, #tpu.memory_space<vmem>>, vector<16xi32>,
        tpu.vector_store_idx %arg9[%get3A_442], %broadcast_in_dim3A_160 {add = true} : memref<10240xf32, #tpu.memory_space<vmem>>[vector<16xi32>], vector<16xf32>,
        %dma_wait3A_443 = arith.constant 1 : i32
        %dma_wait3A_444 = arith.constant 1 : i32
        %dma_wait3A_445 = arith.constant 0 : i32
        %dma_wait3A_446 = arith.constant 0 : i32
        %dma_wait3A_447 = tpu.memref_slice %arg8[%dma_wait3A_443, %dma_wait3A_445, %dma_wait3A_446] : memref<2x128x128xf32, #tpu.memory_space<vmem>> -> memref<1x128x128xf32, #tpu.memory_space<vmem>>
        %dma_wait3A_448 = tpu.memref_squeeze %dma_wait3A_447 : memref<1x128x128xf32, #tpu.memory_space<vmem>> -> memref<128x128xf32, #tpu.memory_space<vmem>>
        %dma_wait3A_449 = arith.constant 0 : i32
        %dma_wait3A_450 = tpu.memref_slice %arg6[%dma_wait3A_444, %dma_wait3A_449] : memref<16x128xi32, #tpu.memory_space<vmem>> -> memref<1x128xi32, #tpu.memory_space<vmem>>
        %dma_wait3A_451 = tpu.memref_squeeze %dma_wait3A_450 : memref<1x128xi32, #tpu.memory_space<vmem>> -> memref<128xi32, #tpu.memory_space<vmem>>
        %dma_wait3A_452 = arith.constant 0 : i32
        %dma_wait3A_453 = arith.constant 0 : i32
        %dma_wait3A_454 = tpu.memref_slice %arg10[%dma_wait3A_452, %dma_wait3A_453] : memref<10240x128xf32, #tpu.memory_space<vmem_shared>> -> memref<10240x128xf32, #tpu.memory_space<vmem_shared>>
        tpu.wait_indirect_dma semaphore(%arg14 : memref<!tpu.dma_semaphore, #tpu.memory_space<semaphore_mem>>) src(%dma_wait3A_448 : memref<128x128xf32, #tpu.memory_space<vmem>>) dst(%dma_wait3A_454 : memref<10240x128xf32, #tpu.memory_space<vmem_shared>>)
        %dma_start3A_455 = arith.constant 3 : i32
        %dma_start3A_456 = arith.constant 1 : i32
        %dma_start3A_457 = arith.constant 0 : i32
        %dma_start3A_458 = arith.constant 0 : i32
        %dma_start3A_459 = tpu.memref_slice %arg8[%dma_start3A_456, %dma_start3A_457, %dma_start3A_458] : memref<2x128x128xf32, #tpu.memory_space<vmem>> -> memref<1x128x128xf32, #tpu.memory_space<vmem>>
        %dma_start3A_460 = tpu.memref_squeeze %dma_start3A_459 : memref<1x128x128xf32, #tpu.memory_space<vmem>> -> memref<128x128xf32, #tpu.memory_space<vmem>>
        %dma_start3A_461 = arith.constant 0 : i32
        %dma_start3A_462 = tpu.memref_slice %arg7[%dma_start3A_455, %dma_start3A_461] : memref<16x128xi32, #tpu.memory_space<vmem>> -> memref<1x128xi32, #tpu.memory_space<vmem>>
        %dma_start3A_463 = tpu.memref_squeeze %dma_start3A_462 : memref<1x128xi32, #tpu.memory_space<vmem>> -> memref<128xi32, #tpu.memory_space<vmem>>
        %dma_start3A_464 = arith.constant 0 : i32
        %dma_start3A_465 = arith.constant 0 : i32
        %dma_start3A_466 = tpu.memref_slice %arg2[%dma_start3A_464, %dma_start3A_465] : memref<10000x128xf32, #tpu.memory_space<hbm>> -> memref<10000x128xf32, #tpu.memory_space<hbm>>
        tpu.enqueue_indirect_dma source(%dma_start3A_466 : memref<10000x128xf32, #tpu.memory_space<hbm>>) target(%dma_start3A_460 : memref<128x128xf32, #tpu.memory_space<vmem>>) offsets(%dma_start3A_463 : memref<128xi32, #tpu.memory_space<vmem>>) semaphore(%arg12 : memref<!tpu.dma_semaphore, #tpu.memory_space<semaphore_mem>>)
        %dma_start3A_467 = arith.constant 0 : i32
        %dma_start3A_468 = arith.constant 2 : i32
        %dma_start3A_469 = arith.constant 0 : i32
        %dma_start3A_470 = arith.constant 0 : i32
        %dma_start3A_471 = tpu.memref_slice %arg8[%dma_start3A_467, %dma_start3A_469, %dma_start3A_470] : memref<2x128x128xf32, #tpu.memory_space<vmem>> -> memref<1x128x128xf32, #tpu.memory_space<vmem>>
        %dma_start3A_472 = tpu.memref_squeeze %dma_start3A_471 : memref<1x128x128xf32, #tpu.memory_space<vmem>> -> memref<128x128xf32, #tpu.memory_space<vmem>>
        %dma_start3A_473 = arith.constant 0 : i32
        %dma_start3A_474 = tpu.memref_slice %arg6[%dma_start3A_468, %dma_start3A_473] : memref<16x128xi32, #tpu.memory_space<vmem>> -> memref<1x128xi32, #tpu.memory_space<vmem>>
        %dma_start3A_475 = tpu.memref_squeeze %dma_start3A_474 : memref<1x128xi32, #tpu.memory_space<vmem>> -> memref<128xi32, #tpu.memory_space<vmem>>
        %dma_start3A_476 = arith.constant 0 : i32
        %dma_start3A_477 = arith.constant 0 : i32
        %dma_start3A_478 = tpu.memref_slice %arg10[%dma_start3A_476, %dma_start3A_477] : memref<10240x128xf32, #tpu.memory_space<vmem_shared>> -> memref<10240x128xf32, #tpu.memory_space<vmem_shared>>
        tpu.enqueue_indirect_dma source(%dma_start3A_472 : memref<128x128xf32, #tpu.memory_space<vmem>>) target(%dma_start3A_478 : memref<10240x128xf32, #tpu.memory_space<vmem_shared>>) offsets(%dma_start3A_475 : memref<128xi32, #tpu.memory_space<vmem>>) semaphore(%arg13 : memref<!tpu.dma_semaphore, #tpu.memory_space<semaphore_mem>>) {add = true}
        %dma_wait3A_479 = arith.constant 3 : i32
        %dma_wait3A_480 = arith.constant 1 : i32
        %dma_wait3A_481 = arith.constant 0 : i32
        %dma_wait3A_482 = arith.constant 0 : i32
        %dma_wait3A_483 = tpu.memref_slice %arg8[%dma_wait3A_480, %dma_wait3A_481, %dma_wait3A_482] : memref<2x128x128xf32, #tpu.memory_space<vmem>> -> memref<1x128x128xf32, #tpu.memory_space<vmem>>
        %dma_wait3A_484 = tpu.memref_squeeze %dma_wait3A_483 : memref<1x128x128xf32, #tpu.memory_space<vmem>> -> memref<128x128xf32, #tpu.memory_space<vmem>>
        %dma_wait3A_485 = arith.constant 0 : i32
        %dma_wait3A_486 = tpu.memref_slice %arg7[%dma_wait3A_479, %dma_wait3A_485] : memref<16x128xi32, #tpu.memory_space<vmem>> -> memref<1x128xi32, #tpu.memory_space<vmem>>
        %dma_wait3A_487 = tpu.memref_squeeze %dma_wait3A_486 : memref<1x128xi32, #tpu.memory_space<vmem>> -> memref<128xi32, #tpu.memory_space<vmem>>
        %dma_wait3A_488 = arith.constant 0 : i32
        %dma_wait3A_489 = arith.constant 0 : i32
        %dma_wait3A_490 = tpu.memref_slice %arg2[%dma_wait3A_488, %dma_wait3A_489] : memref<10000x128xf32, #tpu.memory_space<hbm>> -> memref<10000x128xf32, #tpu.memory_space<hbm>>
        tpu.wait_indirect_dma semaphore(%arg12 : memref<!tpu.dma_semaphore, #tpu.memory_space<semaphore_mem>>) src(%dma_wait3A_490 : memref<10000x128xf32, #tpu.memory_space<hbm>>) dst(%dma_wait3A_484 : memref<128x128xf32, #tpu.memory_space<vmem>>)
        %get3A_491 = arith.constant 3 : i32
        %get3A_492 = arith.index_cast %get3A_491 : i32 to index
        %get3A_493 = arith.constant 0 : index
        %get3A_494 = tpu.vector_load %arg6[%get3A_492, %get3A_493] {strides = array<i32>} : memref<16x128xi32, #tpu.memory_space<vmem>>, vector<16xi32>,
        tpu.vector_store_idx %arg9[%get3A_494], %broadcast_in_dim3A_160 {add = true} : memref<10240xf32, #tpu.memory_space<vmem>>[vector<16xi32>], vector<16xf32>,
        %get3A_495 = arith.constant 3 : i32
        %get3A_496 = arith.index_cast %get3A_495 : i32 to index
        %get3A_497 = arith.constant 16 : index
        %get3A_498 = tpu.vector_load %arg6[%get3A_496, %get3A_497] {strides = array<i32>} : memref<16x128xi32, #tpu.memory_space<vmem>>, vector<16xi32>,
        tpu.vector_store_idx %arg9[%get3A_498], %broadcast_in_dim3A_160 {add = true} : memref<10240xf32, #tpu.memory_space<vmem>>[vector<16xi32>], vector<16xf32>,
        %get3A_499 = arith.constant 3 : i32
        %get3A_500 = arith.index_cast %get3A_499 : i32 to index
        %get3A_501 = arith.constant 32 : index
        %get3A_502 = tpu.vector_load %arg6[%get3A_500, %get3A_501] {strides = array<i32>} : memref<16x128xi32, #tpu.memory_space<vmem>>, vector<16xi32>,
        tpu.vector_store_idx %arg9[%get3A_502], %broadcast_in_dim3A_160 {add = true} : memref<10240xf32, #tpu.memory_space<vmem>>[vector<16xi32>], vector<16xf32>,
        %get3A_503 = arith.constant 3 : i32
        %get3A_504 = arith.index_cast %get3A_503 : i32 to index
        %get3A_505 = arith.constant 48 : index
        %get3A_506 = tpu.vector_load %arg6[%get3A_504, %get3A_505] {strides = array<i32>} : memref<16x128xi32, #tpu.memory_space<vmem>>, vector<16xi32>,
        tpu.vector_store_idx %arg9[%get3A_506], %broadcast_in_dim3A_160 {add = true} : memref<10240xf32, #tpu.memory_space<vmem>>[vector<16xi32>], vector<16xf32>,
        %get3A_507 = arith.constant 3 : i32
        %get3A_508 = arith.index_cast %get3A_507 : i32 to index
        %get3A_509 = arith.constant 64 : index
        %get3A_510 = tpu.vector_load %arg6[%get3A_508, %get3A_509] {strides = array<i32>} : memref<16x128xi32, #tpu.memory_space<vmem>>, vector<16xi32>,
        tpu.vector_store_idx %arg9[%get3A_510], %broadcast_in_dim3A_160 {add = true} : memref<10240xf32, #tpu.memory_space<vmem>>[vector<16xi32>], vector<16xf32>,
        %get3A_511 = arith.constant 3 : i32
        %get3A_512 = arith.index_cast %get3A_511 : i32 to index
        %get3A_513 = arith.constant 80 : index
        %get3A_514 = tpu.vector_load %arg6[%get3A_512, %get3A_513] {strides = array<i32>} : memref<16x128xi32, #tpu.memory_space<vmem>>, vector<16xi32>,
        tpu.vector_store_idx %arg9[%get3A_514], %broadcast_in_dim3A_160 {add = true} : memref<10240xf32, #tpu.memory_space<vmem>>[vector<16xi32>], vector<16xf32>,
        %get3A_515 = arith.constant 3 : i32
        %get3A_516 = arith.index_cast %get3A_515 : i32 to index
        %get3A_517 = arith.constant 96 : index
        %get3A_518 = tpu.vector_load %arg6[%get3A_516, %get3A_517] {strides = array<i32>} : memref<16x128xi32, #tpu.memory_space<vmem>>, vector<16xi32>,
        tpu.vector_store_idx %arg9[%get3A_518], %broadcast_in_dim3A_160 {add = true} : memref<10240xf32, #tpu.memory_space<vmem>>[vector<16xi32>], vector<16xf32>,
        %get3A_519 = arith.constant 3 : i32
        %get3A_520 = arith.index_cast %get3A_519 : i32 to index
        %get3A_521 = arith.constant 112 : index
        %get3A_522 = tpu.vector_load %arg6[%get3A_520, %get3A_521] {strides = array<i32>} : memref<16x128xi32, #tpu.memory_space<vmem>>, vector<16xi32>,
        tpu.vector_store_idx %arg9[%get3A_522], %broadcast_in_dim3A_160 {add = true} : memref<10240xf32, #tpu.memory_space<vmem>>[vector<16xi32>], vector<16xf32>,
        %dma_wait3A_523 = arith.constant 0 : i32
        %dma_wait3A_524 = arith.constant 2 : i32
        %dma_wait3A_525 = arith.constant 0 : i32
        %dma_wait3A_526 = arith.constant 0 : i32
        %dma_wait3A_527 = tpu.memref_slice %arg8[%dma_wait3A_523, %dma_wait3A_525, %dma_wait3A_526] : memref<2x128x128xf32, #tpu.memory_space<vmem>> -> memref<1x128x128xf32, #tpu.memory_space<vmem>>
        %dma_wait3A_528 = tpu.memref_squeeze %dma_wait3A_527 : memref<1x128x128xf32, #tpu.memory_space<vmem>> -> memref<128x128xf32, #tpu.memory_space<vmem>>
        %dma_wait3A_529 = arith.constant 0 : i32
        %dma_wait3A_530 = tpu.memref_slice %arg6[%dma_wait3A_524, %dma_wait3A_529] : memref<16x128xi32, #tpu.memory_space<vmem>> -> memref<1x128xi32, #tpu.memory_space<vmem>>
        %dma_wait3A_531 = tpu.memref_squeeze %dma_wait3A_530 : memref<1x128xi32, #tpu.memory_space<vmem>> -> memref<128xi32, #tpu.memory_space<vmem>>
        %dma_wait3A_532 = arith.constant 0 : i32
        %dma_wait3A_533 = arith.constant 0 : i32
        %dma_wait3A_534 = tpu.memref_slice %arg10[%dma_wait3A_532, %dma_wait3A_533] : memref<10240x128xf32, #tpu.memory_space<vmem_shared>> -> memref<10240x128xf32, #tpu.memory_space<vmem_shared>>
        tpu.wait_indirect_dma semaphore(%arg13 : memref<!tpu.dma_semaphore, #tpu.memory_space<semaphore_mem>>) src(%dma_wait3A_528 : memref<128x128xf32, #tpu.memory_space<vmem>>) dst(%dma_wait3A_534 : memref<10240x128xf32, #tpu.memory_space<vmem_shared>>)
        %dma_start3A_535 = arith.constant 4 : i32
        %dma_start3A_536 = arith.constant 0 : i32
        %dma_start3A_537 = arith.constant 0 : i32
        %dma_start3A_538 = arith.constant 0 : i32
        %dma_start3A_539 = tpu.memref_slice %arg8[%dma_start3A_536, %dma_start3A_537, %dma_start3A_538] : memref<2x128x128xf32, #tpu.memory_space<vmem>> -> memref<1x128x128xf32, #tpu.memory_space<vmem>>
        %dma_start3A_540 = tpu.memref_squeeze %dma_start3A_539 : memref<1x128x128xf32, #tpu.memory_space<vmem>> -> memref<128x128xf32, #tpu.memory_space<vmem>>
        %dma_start3A_541 = arith.constant 0 : i32
        %dma_start3A_542 = tpu.memref_slice %arg7[%dma_start3A_535, %dma_start3A_541] : memref<16x128xi32, #tpu.memory_space<vmem>> -> memref<1x128xi32, #tpu.memory_space<vmem>>
        %dma_start3A_543 = tpu.memref_squeeze %dma_start3A_542 : memref<1x128xi32, #tpu.memory_space<vmem>> -> memref<128xi32, #tpu.memory_space<vmem>>
        %dma_start3A_544 = arith.constant 0 : i32
        %dma_start3A_545 = arith.constant 0 : i32
        %dma_start3A_546 = tpu.memref_slice %arg2[%dma_start3A_544, %dma_start3A_545] : memref<10000x128xf32, #tpu.memory_space<hbm>> -> memref<10000x128xf32, #tpu.memory_space<hbm>>
        tpu.enqueue_indirect_dma source(%dma_start3A_546 : memref<10000x128xf32, #tpu.memory_space<hbm>>) target(%dma_start3A_540 : memref<128x128xf32, #tpu.memory_space<vmem>>) offsets(%dma_start3A_543 : memref<128xi32, #tpu.memory_space<vmem>>) semaphore(%arg11 : memref<!tpu.dma_semaphore, #tpu.memory_space<semaphore_mem>>)
        %dma_start3A_547 = arith.constant 1 : i32
        %dma_start3A_548 = arith.constant 3 : i32
        %dma_start3A_549 = arith.constant 0 : i32
        %dma_start3A_550 = arith.constant 0 : i32
        %dma_start3A_551 = tpu.memref_slice %arg8[%dma_start3A_547, %dma_start3A_549, %dma_start3A_550] : memref<2x128x128xf32, #tpu.memory_space<vmem>> -> memref<1x128x128xf32, #tpu.memory_space<vmem>>
        %dma_start3A_552 = tpu.memref_squeeze %dma_start3A_551 : memref<1x128x128xf32, #tpu.memory_space<vmem>> -> memref<128x128xf32, #tpu.memory_space<vmem>>
        %dma_start3A_553 = arith.constant 0 : i32
        %dma_start3A_554 = tpu.memref_slice %arg6[%dma_start3A_548, %dma_start3A_553] : memref<16x128xi32, #tpu.memory_space<vmem>> -> memref<1x128xi32, #tpu.memory_space<vmem>>
        %dma_start3A_555 = tpu.memref_squeeze %dma_start3A_554 : memref<1x128xi32, #tpu.memory_space<vmem>> -> memref<128xi32, #tpu.memory_space<vmem>>
        %dma_start3A_556 = arith.constant 0 : i32
        %dma_start3A_557 = arith.constant 0 : i32
        %dma_start3A_558 = tpu.memref_slice %arg10[%dma_start3A_556, %dma_start3A_557] : memref<10240x128xf32, #tpu.memory_space<vmem_shared>> -> memref<10240x128xf32, #tpu.memory_space<vmem_shared>>
        tpu.enqueue_indirect_dma source(%dma_start3A_552 : memref<128x128xf32, #tpu.memory_space<vmem>>) target(%dma_start3A_558 : memref<10240x128xf32, #tpu.memory_space<vmem_shared>>) offsets(%dma_start3A_555 : memref<128xi32, #tpu.memory_space<vmem>>) semaphore(%arg14 : memref<!tpu.dma_semaphore, #tpu.memory_space<semaphore_mem>>) {add = true}
        %dma_wait3A_559 = arith.constant 4 : i32
        %dma_wait3A_560 = arith.constant 0 : i32
        %dma_wait3A_561 = arith.constant 0 : i32
        %dma_wait3A_562 = arith.constant 0 : i32
        %dma_wait3A_563 = tpu.memref_slice %arg8[%dma_wait3A_560, %dma_wait3A_561, %dma_wait3A_562] : memref<2x128x128xf32, #tpu.memory_space<vmem>> -> memref<1x128x128xf32, #tpu.memory_space<vmem>>
        %dma_wait3A_564 = tpu.memref_squeeze %dma_wait3A_563 : memref<1x128x128xf32, #tpu.memory_space<vmem>> -> memref<128x128xf32, #tpu.memory_space<vmem>>
        %dma_wait3A_565 = arith.constant 0 : i32
        %dma_wait3A_566 = tpu.memref_slice %arg7[%dma_wait3A_559, %dma_wait3A_565] : memref<16x128xi32, #tpu.memory_space<vmem>> -> memref<1x128xi32, #tpu.memory_space<vmem>>
        %dma_wait3A_567 = tpu.memref_squeeze %dma_wait3A_566 : memref<1x128xi32, #tpu.memory_space<vmem>> -> memref<128xi32, #tpu.memory_space<vmem>>
        %dma_wait3A_568 = arith.constant 0 : i32
        %dma_wait3A_569 = arith.constant 0 : i32
        %dma_wait3A_570 = tpu.memref_slice %arg2[%dma_wait3A_568, %dma_wait3A_569] : memref<10000x128xf32, #tpu.memory_space<hbm>> -> memref<10000x128xf32, #tpu.memory_space<hbm>>
        tpu.wait_indirect_dma semaphore(%arg11 : memref<!tpu.dma_semaphore, #tpu.memory_space<semaphore_mem>>) src(%dma_wait3A_570 : memref<10000x128xf32, #tpu.memory_space<hbm>>) dst(%dma_wait3A_564 : memref<128x128xf32, #tpu.memory_space<vmem>>)
        %get3A_571 = arith.constant 4 : i32
        %get3A_572 = arith.index_cast %get3A_571 : i32 to index
        %get3A_573 = arith.constant 0 : index
        %get3A_574 = tpu.vector_load %arg6[%get3A_572, %get3A_573] {strides = array<i32>} : memref<16x128xi32, #tpu.memory_space<vmem>>, vector<16xi32>,
        tpu.vector_store_idx %arg9[%get3A_574], %broadcast_in_dim3A_160 {add = true} : memref<10240xf32, #tpu.memory_space<vmem>>[vector<16xi32>], vector<16xf32>,
        %get3A_575 = arith.constant 4 : i32
        %get3A_576 = arith.index_cast %get3A_575 : i32 to index
        %get3A_577 = arith.constant 16 : index
        %get3A_578 = tpu.vector_load %arg6[%get3A_576, %get3A_577] {strides = array<i32>} : memref<16x128xi32, #tpu.memory_space<vmem>>, vector<16xi32>,
        tpu.vector_store_idx %arg9[%get3A_578], %broadcast_in_dim3A_160 {add = true} : memref<10240xf32, #tpu.memory_space<vmem>>[vector<16xi32>], vector<16xf32>,
        %get3A_579 = arith.constant 4 : i32
        %get3A_580 = arith.index_cast %get3A_579 : i32 to index
        %get3A_581 = arith.constant 32 : index
        %get3A_582 = tpu.vector_load %arg6[%get3A_580, %get3A_581] {strides = array<i32>} : memref<16x128xi32, #tpu.memory_space<vmem>>, vector<16xi32>,
        tpu.vector_store_idx %arg9[%get3A_582], %broadcast_in_dim3A_160 {add = true} : memref<10240xf32, #tpu.memory_space<vmem>>[vector<16xi32>], vector<16xf32>,
        %get3A_583 = arith.constant 4 : i32
        %get3A_584 = arith.index_cast %get3A_583 : i32 to index
        %get3A_585 = arith.constant 48 : index
        %get3A_586 = tpu.vector_load %arg6[%get3A_584, %get3A_585] {strides = array<i32>} : memref<16x128xi32, #tpu.memory_space<vmem>>, vector<16xi32>,
        tpu.vector_store_idx %arg9[%get3A_586], %broadcast_in_dim3A_160 {add = true} : memref<10240xf32, #tpu.memory_space<vmem>>[vector<16xi32>], vector<16xf32>,
        %get3A_587 = arith.constant 4 : i32
        %get3A_588 = arith.index_cast %get3A_587 : i32 to index
        %get3A_589 = arith.constant 64 : index
        %get3A_590 = tpu.vector_load %arg6[%get3A_588, %get3A_589] {strides = array<i32>} : memref<16x128xi32, #tpu.memory_space<vmem>>, vector<16xi32>,
        tpu.vector_store_idx %arg9[%get3A_590], %broadcast_in_dim3A_160 {add = true} : memref<10240xf32, #tpu.memory_space<vmem>>[vector<16xi32>], vector<16xf32>,
        %get3A_591 = arith.constant 4 : i32
        %get3A_592 = arith.index_cast %get3A_591 : i32 to index
        %get3A_593 = arith.constant 80 : index
        %get3A_594 = tpu.vector_load %arg6[%get3A_592, %get3A_593] {strides = array<i32>} : memref<16x128xi32, #tpu.memory_space<vmem>>, vector<16xi32>,
        tpu.vector_store_idx %arg9[%get3A_594], %broadcast_in_dim3A_160 {add = true} : memref<10240xf32, #tpu.memory_space<vmem>>[vector<16xi32>], vector<16xf32>,
        %get3A_595 = arith.constant 4 : i32
        %get3A_596 = arith.index_cast %get3A_595 : i32 to index
        %get3A_597 = arith.constant 96 : index
        %get3A_598 = tpu.vector_load %arg6[%get3A_596, %get3A_597] {strides = array<i32>} : memref<16x128xi32, #tpu.memory_space<vmem>>, vector<16xi32>,
        tpu.vector_store_idx %arg9[%get3A_598], %broadcast_in_dim3A_160 {add = true} : memref<10240xf32, #tpu.memory_space<vmem>>[vector<16xi32>], vector<16xf32>,
        %get3A_599 = arith.constant 4 : i32
        %get3A_600 = arith.index_cast %get3A_599 : i32 to index
        %get3A_601 = arith.constant 112 : index
        %get3A_602 = tpu.vector_load %arg6[%get3A_600, %get3A_601] {strides = array<i32>} : memref<16x128xi32, #tpu.memory_space<vmem>>, vector<16xi32>,
        tpu.vector_store_idx %arg9[%get3A_602], %broadcast_in_dim3A_160 {add = true} : memref<10240xf32, #tpu.memory_space<vmem>>[vector<16xi32>], vector<16xf32>,
        %dma_wait3A_603 = arith.constant 1 : i32
        %dma_wait3A_604 = arith.constant 3 : i32
        %dma_wait3A_605 = arith.constant 0 : i32
        %dma_wait3A_606 = arith.constant 0 : i32
        %dma_wait3A_607 = tpu.memref_slice %arg8[%dma_wait3A_603, %dma_wait3A_605, %dma_wait3A_606] : memref<2x128x128xf32, #tpu.memory_space<vmem>> -> memref<1x128x128xf32, #tpu.memory_space<vmem>>
        %dma_wait3A_608 = tpu.memref_squeeze %dma_wait3A_607 : memref<1x128x128xf32, #tpu.memory_space<vmem>> -> memref<128x128xf32, #tpu.memory_space<vmem>>
        %dma_wait3A_609 = arith.constant 0 : i32
        %dma_wait3A_610 = tpu.memref_slice %arg6[%dma_wait3A_604, %dma_wait3A_609] : memref<16x128xi32, #tpu.memory_space<vmem>> -> memref<1x128xi32, #tpu.memory_space<vmem>>
        %dma_wait3A_611 = tpu.memref_squeeze %dma_wait3A_610 : memref<1x128xi32, #tpu.memory_space<vmem>> -> memref<128xi32, #tpu.memory_space<vmem>>
        %dma_wait3A_612 = arith.constant 0 : i32
        %dma_wait3A_613 = arith.constant 0 : i32
        %dma_wait3A_614 = tpu.memref_slice %arg10[%dma_wait3A_612, %dma_wait3A_613] : memref<10240x128xf32, #tpu.memory_space<vmem_shared>> -> memref<10240x128xf32, #tpu.memory_space<vmem_shared>>
        tpu.wait_indirect_dma semaphore(%arg14 : memref<!tpu.dma_semaphore, #tpu.memory_space<semaphore_mem>>) src(%dma_wait3A_608 : memref<128x128xf32, #tpu.memory_space<vmem>>) dst(%dma_wait3A_614 : memref<10240x128xf32, #tpu.memory_space<vmem_shared>>)
        %dma_start3A_615 = arith.constant 5 : i32
        %dma_start3A_616 = arith.constant 1 : i32
        %dma_start3A_617 = arith.constant 0 : i32
        %dma_start3A_618 = arith.constant 0 : i32
        %dma_start3A_619 = tpu.memref_slice %arg8[%dma_start3A_616, %dma_start3A_617, %dma_start3A_618] : memref<2x128x128xf32, #tpu.memory_space<vmem>> -> memref<1x128x128xf32, #tpu.memory_space<vmem>>
        %dma_start3A_620 = tpu.memref_squeeze %dma_start3A_619 : memref<1x128x128xf32, #tpu.memory_space<vmem>> -> memref<128x128xf32, #tpu.memory_space<vmem>>
        %dma_start3A_621 = arith.constant 0 : i32
        %dma_start3A_622 = tpu.memref_slice %arg7[%dma_start3A_615, %dma_start3A_621] : memref<16x128xi32, #tpu.memory_space<vmem>> -> memref<1x128xi32, #tpu.memory_space<vmem>>
        %dma_start3A_623 = tpu.memref_squeeze %dma_start3A_622 : memref<1x128xi32, #tpu.memory_space<vmem>> -> memref<128xi32, #tpu.memory_space<vmem>>
        %dma_start3A_624 = arith.constant 0 : i32
        %dma_start3A_625 = arith.constant 0 : i32
        %dma_start3A_626 = tpu.memref_slice %arg2[%dma_start3A_624, %dma_start3A_625] : memref<10000x128xf32, #tpu.memory_space<hbm>> -> memref<10000x128xf32, #tpu.memory_space<hbm>>
        tpu.enqueue_indirect_dma source(%dma_start3A_626 : memref<10000x128xf32, #tpu.memory_space<hbm>>) target(%dma_start3A_620 : memref<128x128xf32, #tpu.memory_space<vmem>>) offsets(%dma_start3A_623 : memref<128xi32, #tpu.memory_space<vmem>>) semaphore(%arg12 : memref<!tpu.dma_semaphore, #tpu.memory_space<semaphore_mem>>)
        %dma_start3A_627 = arith.constant 0 : i32
        %dma_start3A_628 = arith.constant 4 : i32
        %dma_start3A_629 = arith.constant 0 : i32
        %dma_start3A_630 = arith.constant 0 : i32
        %dma_start3A_631 = tpu.memref_slice %arg8[%dma_start3A_627, %dma_start3A_629, %dma_start3A_630] : memref<2x128x128xf32, #tpu.memory_space<vmem>> -> memref<1x128x128xf32, #tpu.memory_space<vmem>>
        %dma_start3A_632 = tpu.memref_squeeze %dma_start3A_631 : memref<1x128x128xf32, #tpu.memory_space<vmem>> -> memref<128x128xf32, #tpu.memory_space<vmem>>
        %dma_start3A_633 = arith.constant 0 : i32
        %dma_start3A_634 = tpu.memref_slice %arg6[%dma_start3A_628, %dma_start3A_633] : memref<16x128xi32, #tpu.memory_space<vmem>> -> memref<1x128xi32, #tpu.memory_space<vmem>>
        %dma_start3A_635 = tpu.memref_squeeze %dma_start3A_634 : memref<1x128xi32, #tpu.memory_space<vmem>> -> memref<128xi32, #tpu.memory_space<vmem>>
        %dma_start3A_636 = arith.constant 0 : i32
        %dma_start3A_637 = arith.constant 0 : i32
        %dma_start3A_638 = tpu.memref_slice %arg10[%dma_start3A_636, %dma_start3A_637] : memref<10240x128xf32, #tpu.memory_space<vmem_shared>> -> memref<10240x128xf32, #tpu.memory_space<vmem_shared>>
        tpu.enqueue_indirect_dma source(%dma_start3A_632 : memref<128x128xf32, #tpu.memory_space<vmem>>) target(%dma_start3A_638 : memref<10240x128xf32, #tpu.memory_space<vmem_shared>>) offsets(%dma_start3A_635 : memref<128xi32, #tpu.memory_space<vmem>>) semaphore(%arg13 : memref<!tpu.dma_semaphore, #tpu.memory_space<semaphore_mem>>) {add = true}
        %dma_wait3A_639 = arith.constant 5 : i32
        %dma_wait3A_640 = arith.constant 1 : i32
        %dma_wait3A_641 = arith.constant 0 : i32
        %dma_wait3A_642 = arith.constant 0 : i32
        %dma_wait3A_643 = tpu.memref_slice %arg8[%dma_wait3A_640, %dma_wait3A_641, %dma_wait3A_642] : memref<2x128x128xf32, #tpu.memory_space<vmem>> -> memref<1x128x128xf32, #tpu.memory_space<vmem>>
        %dma_wait3A_644 = tpu.memref_squeeze %dma_wait3A_643 : memref<1x128x128xf32, #tpu.memory_space<vmem>> -> memref<128x128xf32, #tpu.memory_space<vmem>>
        %dma_wait3A_645 = arith.constant 0 : i32
        %dma_wait3A_646 = tpu.memref_slice %arg7[%dma_wait3A_639, %dma_wait3A_645] : memref<16x128xi32, #tpu.memory_space<vmem>> -> memref<1x128xi32, #tpu.memory_space<vmem>>
        %dma_wait3A_647 = tpu.memref_squeeze %dma_wait3A_646 : memref<1x128xi32, #tpu.memory_space<vmem>> -> memref<128xi32, #tpu.memory_space<vmem>>
        %dma_wait3A_648 = arith.constant 0 : i32
        %dma_wait3A_649 = arith.constant 0 : i32
        %dma_wait3A_650 = tpu.memref_slice %arg2[%dma_wait3A_648, %dma_wait3A_649] : memref<10000x128xf32, #tpu.memory_space<hbm>> -> memref<10000x128xf32, #tpu.memory_space<hbm>>
        tpu.wait_indirect_dma semaphore(%arg12 : memref<!tpu.dma_semaphore, #tpu.memory_space<semaphore_mem>>) src(%dma_wait3A_650 : memref<10000x128xf32, #tpu.memory_space<hbm>>) dst(%dma_wait3A_644 : memref<128x128xf32, #tpu.memory_space<vmem>>)
        %get3A_651 = arith.constant 5 : i32
        %get3A_652 = arith.index_cast %get3A_651 : i32 to index
        %get3A_653 = arith.constant 0 : index
        %get3A_654 = tpu.vector_load %arg6[%get3A_652, %get3A_653] {strides = array<i32>} : memref<16x128xi32, #tpu.memory_space<vmem>>, vector<16xi32>,
        tpu.vector_store_idx %arg9[%get3A_654], %broadcast_in_dim3A_160 {add = true} : memref<10240xf32, #tpu.memory_space<vmem>>[vector<16xi32>], vector<16xf32>,
        %get3A_655 = arith.constant 5 : i32
        %get3A_656 = arith.index_cast %get3A_655 : i32 to index
        %get3A_657 = arith.constant 16 : index
        %get3A_658 = tpu.vector_load %arg6[%get3A_656, %get3A_657] {strides = array<i32>} : memref<16x128xi32, #tpu.memory_space<vmem>>, vector<16xi32>,
        tpu.vector_store_idx %arg9[%get3A_658], %broadcast_in_dim3A_160 {add = true} : memref<10240xf32, #tpu.memory_space<vmem>>[vector<16xi32>], vector<16xf32>,
        %get3A_659 = arith.constant 5 : i32
        %get3A_660 = arith.index_cast %get3A_659 : i32 to index
        %get3A_661 = arith.constant 32 : index
        %get3A_662 = tpu.vector_load %arg6[%get3A_660, %get3A_661] {strides = array<i32>} : memref<16x128xi32, #tpu.memory_space<vmem>>, vector<16xi32>,
        tpu.vector_store_idx %arg9[%get3A_662], %broadcast_in_dim3A_160 {add = true} : memref<10240xf32, #tpu.memory_space<vmem>>[vector<16xi32>], vector<16xf32>,
        %get3A_663 = arith.constant 5 : i32
        %get3A_664 = arith.index_cast %get3A_663 : i32 to index
        %get3A_665 = arith.constant 48 : index
        %get3A_666 = tpu.vector_load %arg6[%get3A_664, %get3A_665] {strides = array<i32>} : memref<16x128xi32, #tpu.memory_space<vmem>>, vector<16xi32>,
        tpu.vector_store_idx %arg9[%get3A_666], %broadcast_in_dim3A_160 {add = true} : memref<10240xf32, #tpu.memory_space<vmem>>[vector<16xi32>], vector<16xf32>,
        %get3A_667 = arith.constant 5 : i32
        %get3A_668 = arith.index_cast %get3A_667 : i32 to index
        %get3A_669 = arith.constant 64 : index
        %get3A_670 = tpu.vector_load %arg6[%get3A_668, %get3A_669] {strides = array<i32>} : memref<16x128xi32, #tpu.memory_space<vmem>>, vector<16xi32>,
        tpu.vector_store_idx %arg9[%get3A_670], %broadcast_in_dim3A_160 {add = true} : memref<10240xf32, #tpu.memory_space<vmem>>[vector<16xi32>], vector<16xf32>,
        %get3A_671 = arith.constant 5 : i32
        %get3A_672 = arith.index_cast %get3A_671 : i32 to index
        %get3A_673 = arith.constant 80 : index
        %get3A_674 = tpu.vector_load %arg6[%get3A_672, %get3A_673] {strides = array<i32>} : memref<16x128xi32, #tpu.memory_space<vmem>>, vector<16xi32>,
        tpu.vector_store_idx %arg9[%get3A_674], %broadcast_in_dim3A_160 {add = true} : memref<10240xf32, #tpu.memory_space<vmem>>[vector<16xi32>], vector<16xf32>,
        %get3A_675 = arith.constant 5 : i32
        %get3A_676 = arith.index_cast %get3A_675 : i32 to index
        %get3A_677 = arith.constant 96 : index
        %get3A_678 = tpu.vector_load %arg6[%get3A_676, %get3A_677] {strides = array<i32>} : memref<16x128xi32, #tpu.memory_space<vmem>>, vector<16xi32>,
        tpu.vector_store_idx %arg9[%get3A_678], %broadcast_in_dim3A_160 {add = true} : memref<10240xf32, #tpu.memory_space<vmem>>[vector<16xi32>], vector<16xf32>,
        %get3A_679 = arith.constant 5 : i32
        %get3A_680 = arith.index_cast %get3A_679 : i32 to index
        %get3A_681 = arith.constant 112 : index
        %get3A_682 = tpu.vector_load %arg6[%get3A_680, %get3A_681] {strides = array<i32>} : memref<16x128xi32, #tpu.memory_space<vmem>>, vector<16xi32>,
        tpu.vector_store_idx %arg9[%get3A_682], %broadcast_in_dim3A_160 {add = true} : memref<10240xf32, #tpu.memory_space<vmem>>[vector<16xi32>], vector<16xf32>,
        %dma_wait3A_683 = arith.constant 0 : i32
        %dma_wait3A_684 = arith.constant 4 : i32
        %dma_wait3A_685 = arith.constant 0 : i32
        %dma_wait3A_686 = arith.constant 0 : i32
        %dma_wait3A_687 = tpu.memref_slice %arg8[%dma_wait3A_683, %dma_wait3A_685, %dma_wait3A_686] : memref<2x128x128xf32, #tpu.memory_space<vmem>> -> memref<1x128x128xf32, #tpu.memory_space<vmem>>
        %dma_wait3A_688 = tpu.memref_squeeze %dma_wait3A_687 : memref<1x128x128xf32, #tpu.memory_space<vmem>> -> memref<128x128xf32, #tpu.memory_space<vmem>>
        %dma_wait3A_689 = arith.constant 0 : i32
        %dma_wait3A_690 = tpu.memref_slice %arg6[%dma_wait3A_684, %dma_wait3A_689] : memref<16x128xi32, #tpu.memory_space<vmem>> -> memref<1x128xi32, #tpu.memory_space<vmem>>
        %dma_wait3A_691 = tpu.memref_squeeze %dma_wait3A_690 : memref<1x128xi32, #tpu.memory_space<vmem>> -> memref<128xi32, #tpu.memory_space<vmem>>
        %dma_wait3A_692 = arith.constant 0 : i32
        %dma_wait3A_693 = arith.constant 0 : i32
        %dma_wait3A_694 = tpu.memref_slice %arg10[%dma_wait3A_692, %dma_wait3A_693] : memref<10240x128xf32, #tpu.memory_space<vmem_shared>> -> memref<10240x128xf32, #tpu.memory_space<vmem_shared>>
        tpu.wait_indirect_dma semaphore(%arg13 : memref<!tpu.dma_semaphore, #tpu.memory_space<semaphore_mem>>) src(%dma_wait3A_688 : memref<128x128xf32, #tpu.memory_space<vmem>>) dst(%dma_wait3A_694 : memref<10240x128xf32, #tpu.memory_space<vmem_shared>>)
        %dma_start3A_695 = arith.constant 6 : i32
        %dma_start3A_696 = arith.constant 0 : i32
        %dma_start3A_697 = arith.constant 0 : i32
        %dma_start3A_698 = arith.constant 0 : i32
        %dma_start3A_699 = tpu.memref_slice %arg8[%dma_start3A_696, %dma_start3A_697, %dma_start3A_698] : memref<2x128x128xf32, #tpu.memory_space<vmem>> -> memref<1x128x128xf32, #tpu.memory_space<vmem>>
        %dma_start3A_700 = tpu.memref_squeeze %dma_start3A_699 : memref<1x128x128xf32, #tpu.memory_space<vmem>> -> memref<128x128xf32, #tpu.memory_space<vmem>>
        %dma_start3A_701 = arith.constant 0 : i32
        %dma_start3A_702 = tpu.memref_slice %arg7[%dma_start3A_695, %dma_start3A_701] : memref<16x128xi32, #tpu.memory_space<vmem>> -> memref<1x128xi32, #tpu.memory_space<vmem>>
        %dma_start3A_703 = tpu.memref_squeeze %dma_start3A_702 : memref<1x128xi32, #tpu.memory_space<vmem>> -> memref<128xi32, #tpu.memory_space<vmem>>
        %dma_start3A_704 = arith.constant 0 : i32
        %dma_start3A_705 = arith.constant 0 : i32
        %dma_start3A_706 = tpu.memref_slice %arg2[%dma_start3A_704, %dma_start3A_705] : memref<10000x128xf32, #tpu.memory_space<hbm>> -> memref<10000x128xf32, #tpu.memory_space<hbm>>
        tpu.enqueue_indirect_dma source(%dma_start3A_706 : memref<10000x128xf32, #tpu.memory_space<hbm>>) target(%dma_start3A_700 : memref<128x128xf32, #tpu.memory_space<vmem>>) offsets(%dma_start3A_703 : memref<128xi32, #tpu.memory_space<vmem>>) semaphore(%arg11 : memref<!tpu.dma_semaphore, #tpu.memory_space<semaphore_mem>>)
        %dma_start3A_707 = arith.constant 1 : i32
        %dma_start3A_708 = arith.constant 5 : i32
        %dma_start3A_709 = arith.constant 0 : i32
        %dma_start3A_710 = arith.constant 0 : i32
        %dma_start3A_711 = tpu.memref_slice %arg8[%dma_start3A_707, %dma_start3A_709, %dma_start3A_710] : memref<2x128x128xf32, #tpu.memory_space<vmem>> -> memref<1x128x128xf32, #tpu.memory_space<vmem>>
        %dma_start3A_712 = tpu.memref_squeeze %dma_start3A_711 : memref<1x128x128xf32, #tpu.memory_space<vmem>> -> memref<128x128xf32, #tpu.memory_space<vmem>>
        %dma_start3A_713 = arith.constant 0 : i32
        %dma_start3A_714 = tpu.memref_slice %arg6[%dma_start3A_708, %dma_start3A_713] : memref<16x128xi32, #tpu.memory_space<vmem>> -> memref<1x128xi32, #tpu.memory_space<vmem>>
        %dma_start3A_715 = tpu.memref_squeeze %dma_start3A_714 : memref<1x128xi32, #tpu.memory_space<vmem>> -> memref<128xi32, #tpu.memory_space<vmem>>
        %dma_start3A_716 = arith.constant 0 : i32
        %dma_start3A_717 = arith.constant 0 : i32
        %dma_start3A_718 = tpu.memref_slice %arg10[%dma_start3A_716, %dma_start3A_717] : memref<10240x128xf32, #tpu.memory_space<vmem_shared>> -> memref<10240x128xf32, #tpu.memory_space<vmem_shared>>
        tpu.enqueue_indirect_dma source(%dma_start3A_712 : memref<128x128xf32, #tpu.memory_space<vmem>>) target(%dma_start3A_718 : memref<10240x128xf32, #tpu.memory_space<vmem_shared>>) offsets(%dma_start3A_715 : memref<128xi32, #tpu.memory_space<vmem>>) semaphore(%arg14 : memref<!tpu.dma_semaphore, #tpu.memory_space<semaphore_mem>>) {add = true}
        %dma_wait3A_719 = arith.constant 6 : i32
        %dma_wait3A_720 = arith.constant 0 : i32
        %dma_wait3A_721 = arith.constant 0 : i32
        %dma_wait3A_722 = arith.constant 0 : i32
        %dma_wait3A_723 = tpu.memref_slice %arg8[%dma_wait3A_720, %dma_wait3A_721, %dma_wait3A_722] : memref<2x128x128xf32, #tpu.memory_space<vmem>> -> memref<1x128x128xf32, #tpu.memory_space<vmem>>
        %dma_wait3A_724 = tpu.memref_squeeze %dma_wait3A_723 : memref<1x128x128xf32, #tpu.memory_space<vmem>> -> memref<128x128xf32, #tpu.memory_space<vmem>>
        %dma_wait3A_725 = arith.constant 0 : i32
        %dma_wait3A_726 = tpu.memref_slice %arg7[%dma_wait3A_719, %dma_wait3A_725] : memref<16x128xi32, #tpu.memory_space<vmem>> -> memref<1x128xi32, #tpu.memory_space<vmem>>
        %dma_wait3A_727 = tpu.memref_squeeze %dma_wait3A_726 : memref<1x128xi32, #tpu.memory_space<vmem>> -> memref<128xi32, #tpu.memory_space<vmem>>
        %dma_wait3A_728 = arith.constant 0 : i32
        %dma_wait3A_729 = arith.constant 0 : i32
        %dma_wait3A_730 = tpu.memref_slice %arg2[%dma_wait3A_728, %dma_wait3A_729] : memref<10000x128xf32, #tpu.memory_space<hbm>> -> memref<10000x128xf32, #tpu.memory_space<hbm>>
        tpu.wait_indirect_dma semaphore(%arg11 : memref<!tpu.dma_semaphore, #tpu.memory_space<semaphore_mem>>) src(%dma_wait3A_730 : memref<10000x128xf32, #tpu.memory_space<hbm>>) dst(%dma_wait3A_724 : memref<128x128xf32, #tpu.memory_space<vmem>>)
        %get3A_731 = arith.constant 6 : i32
        %get3A_732 = arith.index_cast %get3A_731 : i32 to index
        %get3A_733 = arith.constant 0 : index
        %get3A_734 = tpu.vector_load %arg6[%get3A_732, %get3A_733] {strides = array<i32>} : memref<16x128xi32, #tpu.memory_space<vmem>>, vector<16xi32>,
        tpu.vector_store_idx %arg9[%get3A_734], %broadcast_in_dim3A_160 {add = true} : memref<10240xf32, #tpu.memory_space<vmem>>[vector<16xi32>], vector<16xf32>,
        %get3A_735 = arith.constant 6 : i32
        %get3A_736 = arith.index_cast %get3A_735 : i32 to index
        %get3A_737 = arith.constant 16 : index
        %get3A_738 = tpu.vector_load %arg6[%get3A_736, %get3A_737] {strides = array<i32>} : memref<16x128xi32, #tpu.memory_space<vmem>>, vector<16xi32>,
        tpu.vector_store_idx %arg9[%get3A_738], %broadcast_in_dim3A_160 {add = true} : memref<10240xf32, #tpu.memory_space<vmem>>[vector<16xi32>], vector<16xf32>,
        %get3A_739 = arith.constant 6 : i32
        %get3A_740 = arith.index_cast %get3A_739 : i32 to index
        %get3A_741 = arith.constant 32 : index
        %get3A_742 = tpu.vector_load %arg6[%get3A_740, %get3A_741] {strides = array<i32>} : memref<16x128xi32, #tpu.memory_space<vmem>>, vector<16xi32>,
        tpu.vector_store_idx %arg9[%get3A_742], %broadcast_in_dim3A_160 {add = true} : memref<10240xf32, #tpu.memory_space<vmem>>[vector<16xi32>], vector<16xf32>,
        %get3A_743 = arith.constant 6 : i32
        %get3A_744 = arith.index_cast %get3A_743 : i32 to index
        %get3A_745 = arith.constant 48 : index
        %get3A_746 = tpu.vector_load %arg6[%get3A_744, %get3A_745] {strides = array<i32>} : memref<16x128xi32, #tpu.memory_space<vmem>>, vector<16xi32>,
        tpu.vector_store_idx %arg9[%get3A_746], %broadcast_in_dim3A_160 {add = true} : memref<10240xf32, #tpu.memory_space<vmem>>[vector<16xi32>], vector<16xf32>,
        %get3A_747 = arith.constant 6 : i32
        %get3A_748 = arith.index_cast %get3A_747 : i32 to index
        %get3A_749 = arith.constant 64 : index
        %get3A_750 = tpu.vector_load %arg6[%get3A_748, %get3A_749] {strides = array<i32>} : memref<16x128xi32, #tpu.memory_space<vmem>>, vector<16xi32>,
        tpu.vector_store_idx %arg9[%get3A_750], %broadcast_in_dim3A_160 {add = true} : memref<10240xf32, #tpu.memory_space<vmem>>[vector<16xi32>], vector<16xf32>,
        %get3A_751 = arith.constant 6 : i32
        %get3A_752 = arith.index_cast %get3A_751 : i32 to index
        %get3A_753 = arith.constant 80 : index
        %get3A_754 = tpu.vector_load %arg6[%get3A_752, %get3A_753] {strides = array<i32>} : memref<16x128xi32, #tpu.memory_space<vmem>>, vector<16xi32>,
        tpu.vector_store_idx %arg9[%get3A_754], %broadcast_in_dim3A_160 {add = true} : memref<10240xf32, #tpu.memory_space<vmem>>[vector<16xi32>], vector<16xf32>,
        %get3A_755 = arith.constant 6 : i32
        %get3A_756 = arith.index_cast %get3A_755 : i32 to index
        %get3A_757 = arith.constant 96 : index
        %get3A_758 = tpu.vector_load %arg6[%get3A_756, %get3A_757] {strides = array<i32>} : memref<16x128xi32, #tpu.memory_space<vmem>>, vector<16xi32>,
        tpu.vector_store_idx %arg9[%get3A_758], %broadcast_in_dim3A_160 {add = true} : memref<10240xf32, #tpu.memory_space<vmem>>[vector<16xi32>], vector<16xf32>,
        %get3A_759 = arith.constant 6 : i32
        %get3A_760 = arith.index_cast %get3A_759 : i32 to index
        %get3A_761 = arith.constant 112 : index
        %get3A_762 = tpu.vector_load %arg6[%get3A_760, %get3A_761] {strides = array<i32>} : memref<16x128xi32, #tpu.memory_space<vmem>>, vector<16xi32>,
        tpu.vector_store_idx %arg9[%get3A_762], %broadcast_in_dim3A_160 {add = true} : memref<10240xf32, #tpu.memory_space<vmem>>[vector<16xi32>], vector<16xf32>,
        %dma_wait3A_763 = arith.constant 1 : i32
        %dma_wait3A_764 = arith.constant 5 : i32
        %dma_wait3A_765 = arith.constant 0 : i32
        %dma_wait3A_766 = arith.constant 0 : i32
        %dma_wait3A_767 = tpu.memref_slice %arg8[%dma_wait3A_763, %dma_wait3A_765, %dma_wait3A_766] : memref<2x128x128xf32, #tpu.memory_space<vmem>> -> memref<1x128x128xf32, #tpu.memory_space<vmem>>
        %dma_wait3A_768 = tpu.memref_squeeze %dma_wait3A_767 : memref<1x128x128xf32, #tpu.memory_space<vmem>> -> memref<128x128xf32, #tpu.memory_space<vmem>>
        %dma_wait3A_769 = arith.constant 0 : i32
        %dma_wait3A_770 = tpu.memref_slice %arg6[%dma_wait3A_764, %dma_wait3A_769] : memref<16x128xi32, #tpu.memory_space<vmem>> -> memref<1x128xi32, #tpu.memory_space<vmem>>
        %dma_wait3A_771 = tpu.memref_squeeze %dma_wait3A_770 : memref<1x128xi32, #tpu.memory_space<vmem>> -> memref<128xi32, #tpu.memory_space<vmem>>
        %dma_wait3A_772 = arith.constant 0 : i32
        %dma_wait3A_773 = arith.constant 0 : i32
        %dma_wait3A_774 = tpu.memref_slice %arg10[%dma_wait3A_772, %dma_wait3A_773] : memref<10240x128xf32, #tpu.memory_space<vmem_shared>> -> memref<10240x128xf32, #tpu.memory_space<vmem_shared>>
        tpu.wait_indirect_dma semaphore(%arg14 : memref<!tpu.dma_semaphore, #tpu.memory_space<semaphore_mem>>) src(%dma_wait3A_768 : memref<128x128xf32, #tpu.memory_space<vmem>>) dst(%dma_wait3A_774 : memref<10240x128xf32, #tpu.memory_space<vmem_shared>>)
        %dma_start3A_775 = arith.constant 7 : i32
        %dma_start3A_776 = arith.constant 1 : i32
        %dma_start3A_777 = arith.constant 0 : i32
        %dma_start3A_778 = arith.constant 0 : i32
        %dma_start3A_779 = tpu.memref_slice %arg8[%dma_start3A_776, %dma_start3A_777, %dma_start3A_778] : memref<2x128x128xf32, #tpu.memory_space<vmem>> -> memref<1x128x128xf32, #tpu.memory_space<vmem>>
        %dma_start3A_780 = tpu.memref_squeeze %dma_start3A_779 : memref<1x128x128xf32, #tpu.memory_space<vmem>> -> memref<128x128xf32, #tpu.memory_space<vmem>>
        %dma_start3A_781 = arith.constant 0 : i32
        %dma_start3A_782 = tpu.memref_slice %arg7[%dma_start3A_775, %dma_start3A_781] : memref<16x128xi32, #tpu.memory_space<vmem>> -> memref<1x128xi32, #tpu.memory_space<vmem>>
        %dma_start3A_783 = tpu.memref_squeeze %dma_start3A_782 : memref<1x128xi32, #tpu.memory_space<vmem>> -> memref<128xi32, #tpu.memory_space<vmem>>
        %dma_start3A_784 = arith.constant 0 : i32
        %dma_start3A_785 = arith.constant 0 : i32
        %dma_start3A_786 = tpu.memref_slice %arg2[%dma_start3A_784, %dma_start3A_785] : memref<10000x128xf32, #tpu.memory_space<hbm>> -> memref<10000x128xf32, #tpu.memory_space<hbm>>
        tpu.enqueue_indirect_dma source(%dma_start3A_786 : memref<10000x128xf32, #tpu.memory_space<hbm>>) target(%dma_start3A_780 : memref<128x128xf32, #tpu.memory_space<vmem>>) offsets(%dma_start3A_783 : memref<128xi32, #tpu.memory_space<vmem>>) semaphore(%arg12 : memref<!tpu.dma_semaphore, #tpu.memory_space<semaphore_mem>>)
        %dma_start3A_787 = arith.constant 0 : i32
        %dma_start3A_788 = arith.constant 6 : i32
        %dma_start3A_789 = arith.constant 0 : i32
        %dma_start3A_790 = arith.constant 0 : i32
        %dma_start3A_791 = tpu.memref_slice %arg8[%dma_start3A_787, %dma_start3A_789, %dma_start3A_790] : memref<2x128x128xf32, #tpu.memory_space<vmem>> -> memref<1x128x128xf32, #tpu.memory_space<vmem>>
        %dma_start3A_792 = tpu.memref_squeeze %dma_start3A_791 : memref<1x128x128xf32, #tpu.memory_space<vmem>> -> memref<128x128xf32, #tpu.memory_space<vmem>>
        %dma_start3A_793 = arith.constant 0 : i32
        %dma_start3A_794 = tpu.memref_slice %arg6[%dma_start3A_788, %dma_start3A_793] : memref<16x128xi32, #tpu.memory_space<vmem>> -> memref<1x128xi32, #tpu.memory_space<vmem>>
        %dma_start3A_795 = tpu.memref_squeeze %dma_start3A_794 : memref<1x128xi32, #tpu.memory_space<vmem>> -> memref<128xi32, #tpu.memory_space<vmem>>
        %dma_start3A_796 = arith.constant 0 : i32
        %dma_start3A_797 = arith.constant 0 : i32
        %dma_start3A_798 = tpu.memref_slice %arg10[%dma_start3A_796, %dma_start3A_797] : memref<10240x128xf32, #tpu.memory_space<vmem_shared>> -> memref<10240x128xf32, #tpu.memory_space<vmem_shared>>
        tpu.enqueue_indirect_dma source(%dma_start3A_792 : memref<128x128xf32, #tpu.memory_space<vmem>>) target(%dma_start3A_798 : memref<10240x128xf32, #tpu.memory_space<vmem_shared>>) offsets(%dma_start3A_795 : memref<128xi32, #tpu.memory_space<vmem>>) semaphore(%arg13 : memref<!tpu.dma_semaphore, #tpu.memory_space<semaphore_mem>>) {add = true}
        %dma_wait3A_799 = arith.constant 7 : i32
        %dma_wait3A_800 = arith.constant 1 : i32
        %dma_wait3A_801 = arith.constant 0 : i32
        %dma_wait3A_802 = arith.constant 0 : i32
        %dma_wait3A_803 = tpu.memref_slice %arg8[%dma_wait3A_800, %dma_wait3A_801, %dma_wait3A_802] : memref<2x128x128xf32, #tpu.memory_space<vmem>> -> memref<1x128x128xf32, #tpu.memory_space<vmem>>
        %dma_wait3A_804 = tpu.memref_squeeze %dma_wait3A_803 : memref<1x128x128xf32, #tpu.memory_space<vmem>> -> memref<128x128xf32, #tpu.memory_space<vmem>>
        %dma_wait3A_805 = arith.constant 0 : i32
        %dma_wait3A_806 = tpu.memref_slice %arg7[%dma_wait3A_799, %dma_wait3A_805] : memref<16x128xi32, #tpu.memory_space<vmem>> -> memref<1x128xi32, #tpu.memory_space<vmem>>
        %dma_wait3A_807 = tpu.memref_squeeze %dma_wait3A_806 : memref<1x128xi32, #tpu.memory_space<vmem>> -> memref<128xi32, #tpu.memory_space<vmem>>
        %dma_wait3A_808 = arith.constant 0 : i32
        %dma_wait3A_809 = arith.constant 0 : i32
        %dma_wait3A_810 = tpu.memref_slice %arg2[%dma_wait3A_808, %dma_wait3A_809] : memref<10000x128xf32, #tpu.memory_space<hbm>> -> memref<10000x128xf32, #tpu.memory_space<hbm>>
        tpu.wait_indirect_dma semaphore(%arg12 : memref<!tpu.dma_semaphore, #tpu.memory_space<semaphore_mem>>) src(%dma_wait3A_810 : memref<10000x128xf32, #tpu.memory_space<hbm>>) dst(%dma_wait3A_804 : memref<128x128xf32, #tpu.memory_space<vmem>>)
        %get3A_811 = arith.constant 7 : i32
        %get3A_812 = arith.index_cast %get3A_811 : i32 to index
        %get3A_813 = arith.constant 0 : index
        %get3A_814 = tpu.vector_load %arg6[%get3A_812, %get3A_813] {strides = array<i32>} : memref<16x128xi32, #tpu.memory_space<vmem>>, vector<16xi32>,
        tpu.vector_store_idx %arg9[%get3A_814], %broadcast_in_dim3A_160 {add = true} : memref<10240xf32, #tpu.memory_space<vmem>>[vector<16xi32>], vector<16xf32>,
        %get3A_815 = arith.constant 7 : i32
        %get3A_816 = arith.index_cast %get3A_815 : i32 to index
        %get3A_817 = arith.constant 16 : index
        %get3A_818 = tpu.vector_load %arg6[%get3A_816, %get3A_817] {strides = array<i32>} : memref<16x128xi32, #tpu.memory_space<vmem>>, vector<16xi32>,
        tpu.vector_store_idx %arg9[%get3A_818], %broadcast_in_dim3A_160 {add = true} : memref<10240xf32, #tpu.memory_space<vmem>>[vector<16xi32>], vector<16xf32>,
        %get3A_819 = arith.constant 7 : i32
        %get3A_820 = arith.index_cast %get3A_819 : i32 to index
        %get3A_821 = arith.constant 32 : index
        %get3A_822 = tpu.vector_load %arg6[%get3A_820, %get3A_821] {strides = array<i32>} : memref<16x128xi32, #tpu.memory_space<vmem>>, vector<16xi32>,
        tpu.vector_store_idx %arg9[%get3A_822], %broadcast_in_dim3A_160 {add = true} : memref<10240xf32, #tpu.memory_space<vmem>>[vector<16xi32>], vector<16xf32>,
        %get3A_823 = arith.constant 7 : i32
        %get3A_824 = arith.index_cast %get3A_823 : i32 to index
        %get3A_825 = arith.constant 48 : index
        %get3A_826 = tpu.vector_load %arg6[%get3A_824, %get3A_825] {strides = array<i32>} : memref<16x128xi32, #tpu.memory_space<vmem>>, vector<16xi32>,
        tpu.vector_store_idx %arg9[%get3A_826], %broadcast_in_dim3A_160 {add = true} : memref<10240xf32, #tpu.memory_space<vmem>>[vector<16xi32>], vector<16xf32>,
        %get3A_827 = arith.constant 7 : i32
        %get3A_828 = arith.index_cast %get3A_827 : i32 to index
        %get3A_829 = arith.constant 64 : index
        %get3A_830 = tpu.vector_load %arg6[%get3A_828, %get3A_829] {strides = array<i32>} : memref<16x128xi32, #tpu.memory_space<vmem>>, vector<16xi32>,
        tpu.vector_store_idx %arg9[%get3A_830], %broadcast_in_dim3A_160 {add = true} : memref<10240xf32, #tpu.memory_space<vmem>>[vector<16xi32>], vector<16xf32>,
        %get3A_831 = arith.constant 7 : i32
        %get3A_832 = arith.index_cast %get3A_831 : i32 to index
        %get3A_833 = arith.constant 80 : index
        %get3A_834 = tpu.vector_load %arg6[%get3A_832, %get3A_833] {strides = array<i32>} : memref<16x128xi32, #tpu.memory_space<vmem>>, vector<16xi32>,
        tpu.vector_store_idx %arg9[%get3A_834], %broadcast_in_dim3A_160 {add = true} : memref<10240xf32, #tpu.memory_space<vmem>>[vector<16xi32>], vector<16xf32>,
        %get3A_835 = arith.constant 7 : i32
        %get3A_836 = arith.index_cast %get3A_835 : i32 to index
        %get3A_837 = arith.constant 96 : index
        %get3A_838 = tpu.vector_load %arg6[%get3A_836, %get3A_837] {strides = array<i32>} : memref<16x128xi32, #tpu.memory_space<vmem>>, vector<16xi32>,
        tpu.vector_store_idx %arg9[%get3A_838], %broadcast_in_dim3A_160 {add = true} : memref<10240xf32, #tpu.memory_space<vmem>>[vector<16xi32>], vector<16xf32>,
        %get3A_839 = arith.constant 7 : i32
        %get3A_840 = arith.index_cast %get3A_839 : i32 to index
        %get3A_841 = arith.constant 112 : index
        %get3A_842 = tpu.vector_load %arg6[%get3A_840, %get3A_841] {strides = array<i32>} : memref<16x128xi32, #tpu.memory_space<vmem>>, vector<16xi32>,
        tpu.vector_store_idx %arg9[%get3A_842], %broadcast_in_dim3A_160 {add = true} : memref<10240xf32, #tpu.memory_space<vmem>>[vector<16xi32>], vector<16xf32>,
        %dma_wait3A_843 = arith.constant 0 : i32
        %dma_wait3A_844 = arith.constant 6 : i32
        %dma_wait3A_845 = arith.constant 0 : i32
        %dma_wait3A_846 = arith.constant 0 : i32
        %dma_wait3A_847 = tpu.memref_slice %arg8[%dma_wait3A_843, %dma_wait3A_845, %dma_wait3A_846] : memref<2x128x128xf32, #tpu.memory_space<vmem>> -> memref<1x128x128xf32, #tpu.memory_space<vmem>>
        %dma_wait3A_848 = tpu.memref_squeeze %dma_wait3A_847 : memref<1x128x128xf32, #tpu.memory_space<vmem>> -> memref<128x128xf32, #tpu.memory_space<vmem>>
        %dma_wait3A_849 = arith.constant 0 : i32
        %dma_wait3A_850 = tpu.memref_slice %arg6[%dma_wait3A_844, %dma_wait3A_849] : memref<16x128xi32, #tpu.memory_space<vmem>> -> memref<1x128xi32, #tpu.memory_space<vmem>>
        %dma_wait3A_851 = tpu.memref_squeeze %dma_wait3A_850 : memref<1x128xi32, #tpu.memory_space<vmem>> -> memref<128xi32, #tpu.memory_space<vmem>>
        %dma_wait3A_852 = arith.constant 0 : i32
        %dma_wait3A_853 = arith.constant 0 : i32
        %dma_wait3A_854 = tpu.memref_slice %arg10[%dma_wait3A_852, %dma_wait3A_853] : memref<10240x128xf32, #tpu.memory_space<vmem_shared>> -> memref<10240x128xf32, #tpu.memory_space<vmem_shared>>
        tpu.wait_indirect_dma semaphore(%arg13 : memref<!tpu.dma_semaphore, #tpu.memory_space<semaphore_mem>>) src(%dma_wait3A_848 : memref<128x128xf32, #tpu.memory_space<vmem>>) dst(%dma_wait3A_854 : memref<10240x128xf32, #tpu.memory_space<vmem_shared>>)
        %dma_start3A_855 = arith.constant 8 : i32
        %dma_start3A_856 = arith.constant 0 : i32
        %dma_start3A_857 = arith.constant 0 : i32
        %dma_start3A_858 = arith.constant 0 : i32
        %dma_start3A_859 = tpu.memref_slice %arg8[%dma_start3A_856, %dma_start3A_857, %dma_start3A_858] : memref<2x128x128xf32, #tpu.memory_space<vmem>> -> memref<1x128x128xf32, #tpu.memory_space<vmem>>
        %dma_start3A_860 = tpu.memref_squeeze %dma_start3A_859 : memref<1x128x128xf32, #tpu.memory_space<vmem>> -> memref<128x128xf32, #tpu.memory_space<vmem>>
        %dma_start3A_861 = arith.constant 0 : i32
        %dma_start3A_862 = tpu.memref_slice %arg7[%dma_start3A_855, %dma_start3A_861] : memref<16x128xi32, #tpu.memory_space<vmem>> -> memref<1x128xi32, #tpu.memory_space<vmem>>
        %dma_start3A_863 = tpu.memref_squeeze %dma_start3A_862 : memref<1x128xi32, #tpu.memory_space<vmem>> -> memref<128xi32, #tpu.memory_space<vmem>>
        %dma_start3A_864 = arith.constant 0 : i32
        %dma_start3A_865 = arith.constant 0 : i32
        %dma_start3A_866 = tpu.memref_slice %arg2[%dma_start3A_864, %dma_start3A_865] : memref<10000x128xf32, #tpu.memory_space<hbm>> -> memref<10000x128xf32, #tpu.memory_space<hbm>>
        tpu.enqueue_indirect_dma source(%dma_start3A_866 : memref<10000x128xf32, #tpu.memory_space<hbm>>) target(%dma_start3A_860 : memref<128x128xf32, #tpu.memory_space<vmem>>) offsets(%dma_start3A_863 : memref<128xi32, #tpu.memory_space<vmem>>) semaphore(%arg11 : memref<!tpu.dma_semaphore, #tpu.memory_space<semaphore_mem>>)
        %dma_start3A_867 = arith.constant 1 : i32
        %dma_start3A_868 = arith.constant 7 : i32
        %dma_start3A_869 = arith.constant 0 : i32
        %dma_start3A_870 = arith.constant 0 : i32
        %dma_start3A_871 = tpu.memref_slice %arg8[%dma_start3A_867, %dma_start3A_869, %dma_start3A_870] : memref<2x128x128xf32, #tpu.memory_space<vmem>> -> memref<1x128x128xf32, #tpu.memory_space<vmem>>
        %dma_start3A_872 = tpu.memref_squeeze %dma_start3A_871 : memref<1x128x128xf32, #tpu.memory_space<vmem>> -> memref<128x128xf32, #tpu.memory_space<vmem>>
        %dma_start3A_873 = arith.constant 0 : i32
        %dma_start3A_874 = tpu.memref_slice %arg6[%dma_start3A_868, %dma_start3A_873] : memref<16x128xi32, #tpu.memory_space<vmem>> -> memref<1x128xi32, #tpu.memory_space<vmem>>
        %dma_start3A_875 = tpu.memref_squeeze %dma_start3A_874 : memref<1x128xi32, #tpu.memory_space<vmem>> -> memref<128xi32, #tpu.memory_space<vmem>>
        %dma_start3A_876 = arith.constant 0 : i32
        %dma_start3A_877 = arith.constant 0 : i32
        %dma_start3A_878 = tpu.memref_slice %arg10[%dma_start3A_876, %dma_start3A_877] : memref<10240x128xf32, #tpu.memory_space<vmem_shared>> -> memref<10240x128xf32, #tpu.memory_space<vmem_shared>>
        tpu.enqueue_indirect_dma source(%dma_start3A_872 : memref<128x128xf32, #tpu.memory_space<vmem>>) target(%dma_start3A_878 : memref<10240x128xf32, #tpu.memory_space<vmem_shared>>) offsets(%dma_start3A_875 : memref<128xi32, #tpu.memory_space<vmem>>) semaphore(%arg14 : memref<!tpu.dma_semaphore, #tpu.memory_space<semaphore_mem>>) {add = true}
        %dma_wait3A_879 = arith.constant 8 : i32
        %dma_wait3A_880 = arith.constant 0 : i32
        %dma_wait3A_881 = arith.constant 0 : i32
        %dma_wait3A_882 = arith.constant 0 : i32
        %dma_wait3A_883 = tpu.memref_slice %arg8[%dma_wait3A_880, %dma_wait3A_881, %dma_wait3A_882] : memref<2x128x128xf32, #tpu.memory_space<vmem>> -> memref<1x128x128xf32, #tpu.memory_space<vmem>>
        %dma_wait3A_884 = tpu.memref_squeeze %dma_wait3A_883 : memref<1x128x128xf32, #tpu.memory_space<vmem>> -> memref<128x128xf32, #tpu.memory_space<vmem>>
        %dma_wait3A_885 = arith.constant 0 : i32
        %dma_wait3A_886 = tpu.memref_slice %arg7[%dma_wait3A_879, %dma_wait3A_885] : memref<16x128xi32, #tpu.memory_space<vmem>> -> memref<1x128xi32, #tpu.memory_space<vmem>>
        %dma_wait3A_887 = tpu.memref_squeeze %dma_wait3A_886 : memref<1x128xi32, #tpu.memory_space<vmem>> -> memref<128xi32, #tpu.memory_space<vmem>>
        %dma_wait3A_888 = arith.constant 0 : i32
        %dma_wait3A_889 = arith.constant 0 : i32
        %dma_wait3A_890 = tpu.memref_slice %arg2[%dma_wait3A_888, %dma_wait3A_889] : memref<10000x128xf32, #tpu.memory_space<hbm>> -> memref<10000x128xf32, #tpu.memory_space<hbm>>
        tpu.wait_indirect_dma semaphore(%arg11 : memref<!tpu.dma_semaphore, #tpu.memory_space<semaphore_mem>>) src(%dma_wait3A_890 : memref<10000x128xf32, #tpu.memory_space<hbm>>) dst(%dma_wait3A_884 : memref<128x128xf32, #tpu.memory_space<vmem>>)
        %get3A_891 = arith.constant 8 : i32
        %get3A_892 = arith.index_cast %get3A_891 : i32 to index
        %get3A_893 = arith.constant 0 : index
        %get3A_894 = tpu.vector_load %arg6[%get3A_892, %get3A_893] {strides = array<i32>} : memref<16x128xi32, #tpu.memory_space<vmem>>, vector<16xi32>,
        tpu.vector_store_idx %arg9[%get3A_894], %broadcast_in_dim3A_160 {add = true} : memref<10240xf32, #tpu.memory_space<vmem>>[vector<16xi32>], vector<16xf32>,
        %get3A_895 = arith.constant 8 : i32
        %get3A_896 = arith.index_cast %get3A_895 : i32 to index
        %get3A_897 = arith.constant 16 : index
        %get3A_898 = tpu.vector_load %arg6[%get3A_896, %get3A_897] {strides = array<i32>} : memref<16x128xi32, #tpu.memory_space<vmem>>, vector<16xi32>,
        tpu.vector_store_idx %arg9[%get3A_898], %broadcast_in_dim3A_160 {add = true} : memref<10240xf32, #tpu.memory_space<vmem>>[vector<16xi32>], vector<16xf32>,
        %get3A_899 = arith.constant 8 : i32
        %get3A_900 = arith.index_cast %get3A_899 : i32 to index
        %get3A_901 = arith.constant 32 : index
        %get3A_902 = tpu.vector_load %arg6[%get3A_900, %get3A_901] {strides = array<i32>} : memref<16x128xi32, #tpu.memory_space<vmem>>, vector<16xi32>,
        tpu.vector_store_idx %arg9[%get3A_902], %broadcast_in_dim3A_160 {add = true} : memref<10240xf32, #tpu.memory_space<vmem>>[vector<16xi32>], vector<16xf32>,
        %get3A_903 = arith.constant 8 : i32
        %get3A_904 = arith.index_cast %get3A_903 : i32 to index
        %get3A_905 = arith.constant 48 : index
        %get3A_906 = tpu.vector_load %arg6[%get3A_904, %get3A_905] {strides = array<i32>} : memref<16x128xi32, #tpu.memory_space<vmem>>, vector<16xi32>,
        tpu.vector_store_idx %arg9[%get3A_906], %broadcast_in_dim3A_160 {add = true} : memref<10240xf32, #tpu.memory_space<vmem>>[vector<16xi32>], vector<16xf32>,
        %get3A_907 = arith.constant 8 : i32
        %get3A_908 = arith.index_cast %get3A_907 : i32 to index
        %get3A_909 = arith.constant 64 : index
        %get3A_910 = tpu.vector_load %arg6[%get3A_908, %get3A_909] {strides = array<i32>} : memref<16x128xi32, #tpu.memory_space<vmem>>, vector<16xi32>,
        tpu.vector_store_idx %arg9[%get3A_910], %broadcast_in_dim3A_160 {add = true} : memref<10240xf32, #tpu.memory_space<vmem>>[vector<16xi32>], vector<16xf32>,
        %get3A_911 = arith.constant 8 : i32
        %get3A_912 = arith.index_cast %get3A_911 : i32 to index
        %get3A_913 = arith.constant 80 : index
        %get3A_914 = tpu.vector_load %arg6[%get3A_912, %get3A_913] {strides = array<i32>} : memref<16x128xi32, #tpu.memory_space<vmem>>, vector<16xi32>,
        tpu.vector_store_idx %arg9[%get3A_914], %broadcast_in_dim3A_160 {add = true} : memref<10240xf32, #tpu.memory_space<vmem>>[vector<16xi32>], vector<16xf32>,
        %get3A_915 = arith.constant 8 : i32
        %get3A_916 = arith.index_cast %get3A_915 : i32 to index
        %get3A_917 = arith.constant 96 : index
        %get3A_918 = tpu.vector_load %arg6[%get3A_916, %get3A_917] {strides = array<i32>} : memref<16x128xi32, #tpu.memory_space<vmem>>, vector<16xi32>,
        tpu.vector_store_idx %arg9[%get3A_918], %broadcast_in_dim3A_160 {add = true} : memref<10240xf32, #tpu.memory_space<vmem>>[vector<16xi32>], vector<16xf32>,
        %get3A_919 = arith.constant 8 : i32
        %get3A_920 = arith.index_cast %get3A_919 : i32 to index
        %get3A_921 = arith.constant 112 : index
        %get3A_922 = tpu.vector_load %arg6[%get3A_920, %get3A_921] {strides = array<i32>} : memref<16x128xi32, #tpu.memory_space<vmem>>, vector<16xi32>,
        tpu.vector_store_idx %arg9[%get3A_922], %broadcast_in_dim3A_160 {add = true} : memref<10240xf32, #tpu.memory_space<vmem>>[vector<16xi32>], vector<16xf32>,
        %dma_wait3A_923 = arith.constant 1 : i32
        %dma_wait3A_924 = arith.constant 7 : i32
        %dma_wait3A_925 = arith.constant 0 : i32
        %dma_wait3A_926 = arith.constant 0 : i32
        %dma_wait3A_927 = tpu.memref_slice %arg8[%dma_wait3A_923, %dma_wait3A_925, %dma_wait3A_926] : memref<2x128x128xf32, #tpu.memory_space<vmem>> -> memref<1x128x128xf32, #tpu.memory_space<vmem>>
        %dma_wait3A_928 = tpu.memref_squeeze %dma_wait3A_927 : memref<1x128x128xf32, #tpu.memory_space<vmem>> -> memref<128x128xf32, #tpu.memory_space<vmem>>
        %dma_wait3A_929 = arith.constant 0 : i32
        %dma_wait3A_930 = tpu.memref_slice %arg6[%dma_wait3A_924, %dma_wait3A_929] : memref<16x128xi32, #tpu.memory_space<vmem>> -> memref<1x128xi32, #tpu.memory_space<vmem>>
        %dma_wait3A_931 = tpu.memref_squeeze %dma_wait3A_930 : memref<1x128xi32, #tpu.memory_space<vmem>> -> memref<128xi32, #tpu.memory_space<vmem>>
        %dma_wait3A_932 = arith.constant 0 : i32
        %dma_wait3A_933 = arith.constant 0 : i32
        %dma_wait3A_934 = tpu.memref_slice %arg10[%dma_wait3A_932, %dma_wait3A_933] : memref<10240x128xf32, #tpu.memory_space<vmem_shared>> -> memref<10240x128xf32, #tpu.memory_space<vmem_shared>>
        tpu.wait_indirect_dma semaphore(%arg14 : memref<!tpu.dma_semaphore, #tpu.memory_space<semaphore_mem>>) src(%dma_wait3A_928 : memref<128x128xf32, #tpu.memory_space<vmem>>) dst(%dma_wait3A_934 : memref<10240x128xf32, #tpu.memory_space<vmem_shared>>)
        %dma_start3A_935 = arith.constant 9 : i32
        %dma_start3A_936 = arith.constant 1 : i32
        %dma_start3A_937 = arith.constant 0 : i32
        %dma_start3A_938 = arith.constant 0 : i32
        %dma_start3A_939 = tpu.memref_slice %arg8[%dma_start3A_936, %dma_start3A_937, %dma_start3A_938] : memref<2x128x128xf32, #tpu.memory_space<vmem>> -> memref<1x128x128xf32, #tpu.memory_space<vmem>>
        %dma_start3A_940 = tpu.memref_squeeze %dma_start3A_939 : memref<1x128x128xf32, #tpu.memory_space<vmem>> -> memref<128x128xf32, #tpu.memory_space<vmem>>
        %dma_start3A_941 = arith.constant 0 : i32
        %dma_start3A_942 = tpu.memref_slice %arg7[%dma_start3A_935, %dma_start3A_941] : memref<16x128xi32, #tpu.memory_space<vmem>> -> memref<1x128xi32, #tpu.memory_space<vmem>>
        %dma_start3A_943 = tpu.memref_squeeze %dma_start3A_942 : memref<1x128xi32, #tpu.memory_space<vmem>> -> memref<128xi32, #tpu.memory_space<vmem>>
        %dma_start3A_944 = arith.constant 0 : i32
        %dma_start3A_945 = arith.constant 0 : i32
        %dma_start3A_946 = tpu.memref_slice %arg2[%dma_start3A_944, %dma_start3A_945] : memref<10000x128xf32, #tpu.memory_space<hbm>> -> memref<10000x128xf32, #tpu.memory_space<hbm>>
        tpu.enqueue_indirect_dma source(%dma_start3A_946 : memref<10000x128xf32, #tpu.memory_space<hbm>>) target(%dma_start3A_940 : memref<128x128xf32, #tpu.memory_space<vmem>>) offsets(%dma_start3A_943 : memref<128xi32, #tpu.memory_space<vmem>>) semaphore(%arg12 : memref<!tpu.dma_semaphore, #tpu.memory_space<semaphore_mem>>)
        %dma_start3A_947 = arith.constant 0 : i32
        %dma_start3A_948 = arith.constant 8 : i32
        %dma_start3A_949 = arith.constant 0 : i32
        %dma_start3A_950 = arith.constant 0 : i32
        %dma_start3A_951 = tpu.memref_slice %arg8[%dma_start3A_947, %dma_start3A_949, %dma_start3A_950] : memref<2x128x128xf32, #tpu.memory_space<vmem>> -> memref<1x128x128xf32, #tpu.memory_space<vmem>>
        %dma_start3A_952 = tpu.memref_squeeze %dma_start3A_951 : memref<1x128x128xf32, #tpu.memory_space<vmem>> -> memref<128x128xf32, #tpu.memory_space<vmem>>
        %dma_start3A_953 = arith.constant 0 : i32
        %dma_start3A_954 = tpu.memref_slice %arg6[%dma_start3A_948, %dma_start3A_953] : memref<16x128xi32, #tpu.memory_space<vmem>> -> memref<1x128xi32, #tpu.memory_space<vmem>>
        %dma_start3A_955 = tpu.memref_squeeze %dma_start3A_954 : memref<1x128xi32, #tpu.memory_space<vmem>> -> memref<128xi32, #tpu.memory_space<vmem>>
        %dma_start3A_956 = arith.constant 0 : i32
        %dma_start3A_957 = arith.constant 0 : i32
        %dma_start3A_958 = tpu.memref_slice %arg10[%dma_start3A_956, %dma_start3A_957] : memref<10240x128xf32, #tpu.memory_space<vmem_shared>> -> memref<10240x128xf32, #tpu.memory_space<vmem_shared>>
        tpu.enqueue_indirect_dma source(%dma_start3A_952 : memref<128x128xf32, #tpu.memory_space<vmem>>) target(%dma_start3A_958 : memref<10240x128xf32, #tpu.memory_space<vmem_shared>>) offsets(%dma_start3A_955 : memref<128xi32, #tpu.memory_space<vmem>>) semaphore(%arg13 : memref<!tpu.dma_semaphore, #tpu.memory_space<semaphore_mem>>) {add = true}
        %dma_wait3A_959 = arith.constant 9 : i32
        %dma_wait3A_960 = arith.constant 1 : i32
        %dma_wait3A_961 = arith.constant 0 : i32
        %dma_wait3A_962 = arith.constant 0 : i32
        %dma_wait3A_963 = tpu.memref_slice %arg8[%dma_wait3A_960, %dma_wait3A_961, %dma_wait3A_962] : memref<2x128x128xf32, #tpu.memory_space<vmem>> -> memref<1x128x128xf32, #tpu.memory_space<vmem>>
        %dma_wait3A_964 = tpu.memref_squeeze %dma_wait3A_963 : memref<1x128x128xf32, #tpu.memory_space<vmem>> -> memref<128x128xf32, #tpu.memory_space<vmem>>
        %dma_wait3A_965 = arith.constant 0 : i32
        %dma_wait3A_966 = tpu.memref_slice %arg7[%dma_wait3A_959, %dma_wait3A_965] : memref<16x128xi32, #tpu.memory_space<vmem>> -> memref<1x128xi32, #tpu.memory_space<vmem>>
        %dma_wait3A_967 = tpu.memref_squeeze %dma_wait3A_966 : memref<1x128xi32, #tpu.memory_space<vmem>> -> memref<128xi32, #tpu.memory_space<vmem>>
        %dma_wait3A_968 = arith.constant 0 : i32
        %dma_wait3A_969 = arith.constant 0 : i32
        %dma_wait3A_970 = tpu.memref_slice %arg2[%dma_wait3A_968, %dma_wait3A_969] : memref<10000x128xf32, #tpu.memory_space<hbm>> -> memref<10000x128xf32, #tpu.memory_space<hbm>>
        tpu.wait_indirect_dma semaphore(%arg12 : memref<!tpu.dma_semaphore, #tpu.memory_space<semaphore_mem>>) src(%dma_wait3A_970 : memref<10000x128xf32, #tpu.memory_space<hbm>>) dst(%dma_wait3A_964 : memref<128x128xf32, #tpu.memory_space<vmem>>)
        %get3A_971 = arith.constant 9 : i32
        %get3A_972 = arith.index_cast %get3A_971 : i32 to index
        %get3A_973 = arith.constant 0 : index
        %get3A_974 = tpu.vector_load %arg6[%get3A_972, %get3A_973] {strides = array<i32>} : memref<16x128xi32, #tpu.memory_space<vmem>>, vector<16xi32>,
        tpu.vector_store_idx %arg9[%get3A_974], %broadcast_in_dim3A_160 {add = true} : memref<10240xf32, #tpu.memory_space<vmem>>[vector<16xi32>], vector<16xf32>,
        %get3A_975 = arith.constant 9 : i32
        %get3A_976 = arith.index_cast %get3A_975 : i32 to index
        %get3A_977 = arith.constant 16 : index
        %get3A_978 = tpu.vector_load %arg6[%get3A_976, %get3A_977] {strides = array<i32>} : memref<16x128xi32, #tpu.memory_space<vmem>>, vector<16xi32>,
        tpu.vector_store_idx %arg9[%get3A_978], %broadcast_in_dim3A_160 {add = true} : memref<10240xf32, #tpu.memory_space<vmem>>[vector<16xi32>], vector<16xf32>,
        %get3A_979 = arith.constant 9 : i32
        %get3A_980 = arith.index_cast %get3A_979 : i32 to index
        %get3A_981 = arith.constant 32 : index
        %get3A_982 = tpu.vector_load %arg6[%get3A_980, %get3A_981] {strides = array<i32>} : memref<16x128xi32, #tpu.memory_space<vmem>>, vector<16xi32>,
        tpu.vector_store_idx %arg9[%get3A_982], %broadcast_in_dim3A_160 {add = true} : memref<10240xf32, #tpu.memory_space<vmem>>[vector<16xi32>], vector<16xf32>,
        %get3A_983 = arith.constant 9 : i32
        %get3A_984 = arith.index_cast %get3A_983 : i32 to index
        %get3A_985 = arith.constant 48 : index
        %get3A_986 = tpu.vector_load %arg6[%get3A_984, %get3A_985] {strides = array<i32>} : memref<16x128xi32, #tpu.memory_space<vmem>>, vector<16xi32>,
        tpu.vector_store_idx %arg9[%get3A_986], %broadcast_in_dim3A_160 {add = true} : memref<10240xf32, #tpu.memory_space<vmem>>[vector<16xi32>], vector<16xf32>,
        %get3A_987 = arith.constant 9 : i32
        %get3A_988 = arith.index_cast %get3A_987 : i32 to index
        %get3A_989 = arith.constant 64 : index
        %get3A_990 = tpu.vector_load %arg6[%get3A_988, %get3A_989] {strides = array<i32>} : memref<16x128xi32, #tpu.memory_space<vmem>>, vector<16xi32>,
        tpu.vector_store_idx %arg9[%get3A_990], %broadcast_in_dim3A_160 {add = true} : memref<10240xf32, #tpu.memory_space<vmem>>[vector<16xi32>], vector<16xf32>,
        %get3A_991 = arith.constant 9 : i32
        %get3A_992 = arith.index_cast %get3A_991 : i32 to index
        %get3A_993 = arith.constant 80 : index
        %get3A_994 = tpu.vector_load %arg6[%get3A_992, %get3A_993] {strides = array<i32>} : memref<16x128xi32, #tpu.memory_space<vmem>>, vector<16xi32>,
        tpu.vector_store_idx %arg9[%get3A_994], %broadcast_in_dim3A_160 {add = true} : memref<10240xf32, #tpu.memory_space<vmem>>[vector<16xi32>], vector<16xf32>,
        %get3A_995 = arith.constant 9 : i32
        %get3A_996 = arith.index_cast %get3A_995 : i32 to index
        %get3A_997 = arith.constant 96 : index
        %get3A_998 = tpu.vector_load %arg6[%get3A_996, %get3A_997] {strides = array<i32>} : memref<16x128xi32, #tpu.memory_space<vmem>>, vector<16xi32>,
        tpu.vector_store_idx %arg9[%get3A_998], %broadcast_in_dim3A_160 {add = true} : memref<10240xf32, #tpu.memory_space<vmem>>[vector<16xi32>], vector<16xf32>,
        %get3A_999 = arith.constant 9 : i32
        %get3A_1000 = arith.index_cast %get3A_999 : i32 to index
        %get3A_1001 = arith.constant 112 : index
        %get3A_1002 = tpu.vector_load %arg6[%get3A_1000, %get3A_1001] {strides = array<i32>} : memref<16x128xi32, #tpu.memory_space<vmem>>, vector<16xi32>,
        tpu.vector_store_idx %arg9[%get3A_1002], %broadcast_in_dim3A_160 {add = true} : memref<10240xf32, #tpu.memory_space<vmem>>[vector<16xi32>], vector<16xf32>,
        %dma_wait3A_1003 = arith.constant 0 : i32
        %dma_wait3A_1004 = arith.constant 8 : i32
        %dma_wait3A_1005 = arith.constant 0 : i32
        %dma_wait3A_1006 = arith.constant 0 : i32
        %dma_wait3A_1007 = tpu.memref_slice %arg8[%dma_wait3A_1003, %dma_wait3A_1005, %dma_wait3A_1006] : memref<2x128x128xf32, #tpu.memory_space<vmem>> -> memref<1x128x128xf32, #tpu.memory_space<vmem>>
        %dma_wait3A_1008 = tpu.memref_squeeze %dma_wait3A_1007 : memref<1x128x128xf32, #tpu.memory_space<vmem>> -> memref<128x128xf32, #tpu.memory_space<vmem>>
        %dma_wait3A_1009 = arith.constant 0 : i32
        %dma_wait3A_1010 = tpu.memref_slice %arg6[%dma_wait3A_1004, %dma_wait3A_1009] : memref<16x128xi32, #tpu.memory_space<vmem>> -> memref<1x128xi32, #tpu.memory_space<vmem>>
        %dma_wait3A_1011 = tpu.memref_squeeze %dma_wait3A_1010 : memref<1x128xi32, #tpu.memory_space<vmem>> -> memref<128xi32, #tpu.memory_space<vmem>>
        %dma_wait3A_1012 = arith.constant 0 : i32
        %dma_wait3A_1013 = arith.constant 0 : i32
        %dma_wait3A_1014 = tpu.memref_slice %arg10[%dma_wait3A_1012, %dma_wait3A_1013] : memref<10240x128xf32, #tpu.memory_space<vmem_shared>> -> memref<10240x128xf32, #tpu.memory_space<vmem_shared>>
        tpu.wait_indirect_dma semaphore(%arg13 : memref<!tpu.dma_semaphore, #tpu.memory_space<semaphore_mem>>) src(%dma_wait3A_1008 : memref<128x128xf32, #tpu.memory_space<vmem>>) dst(%dma_wait3A_1014 : memref<10240x128xf32, #tpu.memory_space<vmem_shared>>)
        %dma_start3A_1015 = arith.constant 10 : i32
        %dma_start3A_1016 = arith.constant 0 : i32
        %dma_start3A_1017 = arith.constant 0 : i32
        %dma_start3A_1018 = arith.constant 0 : i32
        %dma_start3A_1019 = tpu.memref_slice %arg8[%dma_start3A_1016, %dma_start3A_1017, %dma_start3A_1018] : memref<2x128x128xf32, #tpu.memory_space<vmem>> -> memref<1x128x128xf32, #tpu.memory_space<vmem>>
        %dma_start3A_1020 = tpu.memref_squeeze %dma_start3A_1019 : memref<1x128x128xf32, #tpu.memory_space<vmem>> -> memref<128x128xf32, #tpu.memory_space<vmem>>
        %dma_start3A_1021 = arith.constant 0 : i32
        %dma_start3A_1022 = tpu.memref_slice %arg7[%dma_start3A_1015, %dma_start3A_1021] : memref<16x128xi32, #tpu.memory_space<vmem>> -> memref<1x128xi32, #tpu.memory_space<vmem>>
        %dma_start3A_1023 = tpu.memref_squeeze %dma_start3A_1022 : memref<1x128xi32, #tpu.memory_space<vmem>> -> memref<128xi32, #tpu.memory_space<vmem>>
        %dma_start3A_1024 = arith.constant 0 : i32
        %dma_start3A_1025 = arith.constant 0 : i32
        %dma_start3A_1026 = tpu.memref_slice %arg2[%dma_start3A_1024, %dma_start3A_1025] : memref<10000x128xf32, #tpu.memory_space<hbm>> -> memref<10000x128xf32, #tpu.memory_space<hbm>>
        tpu.enqueue_indirect_dma source(%dma_start3A_1026 : memref<10000x128xf32, #tpu.memory_space<hbm>>) target(%dma_start3A_1020 : memref<128x128xf32, #tpu.memory_space<vmem>>) offsets(%dma_start3A_1023 : memref<128xi32, #tpu.memory_space<vmem>>) semaphore(%arg11 : memref<!tpu.dma_semaphore, #tpu.memory_space<semaphore_mem>>)
        %dma_start3A_1027 = arith.constant 1 : i32
        %dma_start3A_1028 = arith.constant 9 : i32
        %dma_start3A_1029 = arith.constant 0 : i32
        %dma_start3A_1030 = arith.constant 0 : i32
        %dma_start3A_1031 = tpu.memref_slice %arg8[%dma_start3A_1027, %dma_start3A_1029, %dma_start3A_1030] : memref<2x128x128xf32, #tpu.memory_space<vmem>> -> memref<1x128x128xf32, #tpu.memory_space<vmem>>
        %dma_start3A_1032 = tpu.memref_squeeze %dma_start3A_1031 : memref<1x128x128xf32, #tpu.memory_space<vmem>> -> memref<128x128xf32, #tpu.memory_space<vmem>>
        %dma_start3A_1033 = arith.constant 0 : i32
        %dma_start3A_1034 = tpu.memref_slice %arg6[%dma_start3A_1028, %dma_start3A_1033] : memref<16x128xi32, #tpu.memory_space<vmem>> -> memref<1x128xi32, #tpu.memory_space<vmem>>
        %dma_start3A_1035 = tpu.memref_squeeze %dma_start3A_1034 : memref<1x128xi32, #tpu.memory_space<vmem>> -> memref<128xi32, #tpu.memory_space<vmem>>
        %dma_start3A_1036 = arith.constant 0 : i32
        %dma_start3A_1037 = arith.constant 0 : i32
        %dma_start3A_1038 = tpu.memref_slice %arg10[%dma_start3A_1036, %dma_start3A_1037] : memref<10240x128xf32, #tpu.memory_space<vmem_shared>> -> memref<10240x128xf32, #tpu.memory_space<vmem_shared>>
        tpu.enqueue_indirect_dma source(%dma_start3A_1032 : memref<128x128xf32, #tpu.memory_space<vmem>>) target(%dma_start3A_1038 : memref<10240x128xf32, #tpu.memory_space<vmem_shared>>) offsets(%dma_start3A_1035 : memref<128xi32, #tpu.memory_space<vmem>>) semaphore(%arg14 : memref<!tpu.dma_semaphore, #tpu.memory_space<semaphore_mem>>) {add = true}
        %dma_wait3A_1039 = arith.constant 10 : i32
        %dma_wait3A_1040 = arith.constant 0 : i32
        %dma_wait3A_1041 = arith.constant 0 : i32
        %dma_wait3A_1042 = arith.constant 0 : i32
        %dma_wait3A_1043 = tpu.memref_slice %arg8[%dma_wait3A_1040, %dma_wait3A_1041, %dma_wait3A_1042] : memref<2x128x128xf32, #tpu.memory_space<vmem>> -> memref<1x128x128xf32, #tpu.memory_space<vmem>>
        %dma_wait3A_1044 = tpu.memref_squeeze %dma_wait3A_1043 : memref<1x128x128xf32, #tpu.memory_space<vmem>> -> memref<128x128xf32, #tpu.memory_space<vmem>>
        %dma_wait3A_1045 = arith.constant 0 : i32
        %dma_wait3A_1046 = tpu.memref_slice %arg7[%dma_wait3A_1039, %dma_wait3A_1045] : memref<16x128xi32, #tpu.memory_space<vmem>> -> memref<1x128xi32, #tpu.memory_space<vmem>>
        %dma_wait3A_1047 = tpu.memref_squeeze %dma_wait3A_1046 : memref<1x128xi32, #tpu.memory_space<vmem>> -> memref<128xi32, #tpu.memory_space<vmem>>
        %dma_wait3A_1048 = arith.constant 0 : i32
        %dma_wait3A_1049 = arith.constant 0 : i32
        %dma_wait3A_1050 = tpu.memref_slice %arg2[%dma_wait3A_1048, %dma_wait3A_1049] : memref<10000x128xf32, #tpu.memory_space<hbm>> -> memref<10000x128xf32, #tpu.memory_space<hbm>>
        tpu.wait_indirect_dma semaphore(%arg11 : memref<!tpu.dma_semaphore, #tpu.memory_space<semaphore_mem>>) src(%dma_wait3A_1050 : memref<10000x128xf32, #tpu.memory_space<hbm>>) dst(%dma_wait3A_1044 : memref<128x128xf32, #tpu.memory_space<vmem>>)
        %get3A_1051 = arith.constant 10 : i32
        %get3A_1052 = arith.index_cast %get3A_1051 : i32 to index
        %get3A_1053 = arith.constant 0 : index
        %get3A_1054 = tpu.vector_load %arg6[%get3A_1052, %get3A_1053] {strides = array<i32>} : memref<16x128xi32, #tpu.memory_space<vmem>>, vector<16xi32>,
        tpu.vector_store_idx %arg9[%get3A_1054], %broadcast_in_dim3A_160 {add = true} : memref<10240xf32, #tpu.memory_space<vmem>>[vector<16xi32>], vector<16xf32>,
        %get3A_1055 = arith.constant 10 : i32
        %get3A_1056 = arith.index_cast %get3A_1055 : i32 to index
        %get3A_1057 = arith.constant 16 : index
        %get3A_1058 = tpu.vector_load %arg6[%get3A_1056, %get3A_1057] {strides = array<i32>} : memref<16x128xi32, #tpu.memory_space<vmem>>, vector<16xi32>,
        tpu.vector_store_idx %arg9[%get3A_1058], %broadcast_in_dim3A_160 {add = true} : memref<10240xf32, #tpu.memory_space<vmem>>[vector<16xi32>], vector<16xf32>,
        %get3A_1059 = arith.constant 10 : i32
        %get3A_1060 = arith.index_cast %get3A_1059 : i32 to index
        %get3A_1061 = arith.constant 32 : index
        %get3A_1062 = tpu.vector_load %arg6[%get3A_1060, %get3A_1061] {strides = array<i32>} : memref<16x128xi32, #tpu.memory_space<vmem>>, vector<16xi32>,
        tpu.vector_store_idx %arg9[%get3A_1062], %broadcast_in_dim3A_160 {add = true} : memref<10240xf32, #tpu.memory_space<vmem>>[vector<16xi32>], vector<16xf32>,
        %get3A_1063 = arith.constant 10 : i32
        %get3A_1064 = arith.index_cast %get3A_1063 : i32 to index
        %get3A_1065 = arith.constant 48 : index
        %get3A_1066 = tpu.vector_load %arg6[%get3A_1064, %get3A_1065] {strides = array<i32>} : memref<16x128xi32, #tpu.memory_space<vmem>>, vector<16xi32>,
        tpu.vector_store_idx %arg9[%get3A_1066], %broadcast_in_dim3A_160 {add = true} : memref<10240xf32, #tpu.memory_space<vmem>>[vector<16xi32>], vector<16xf32>,
        %get3A_1067 = arith.constant 10 : i32
        %get3A_1068 = arith.index_cast %get3A_1067 : i32 to index
        %get3A_1069 = arith.constant 64 : index
        %get3A_1070 = tpu.vector_load %arg6[%get3A_1068, %get3A_1069] {strides = array<i32>} : memref<16x128xi32, #tpu.memory_space<vmem>>, vector<16xi32>,
        tpu.vector_store_idx %arg9[%get3A_1070], %broadcast_in_dim3A_160 {add = true} : memref<10240xf32, #tpu.memory_space<vmem>>[vector<16xi32>], vector<16xf32>,
        %get3A_1071 = arith.constant 10 : i32
        %get3A_1072 = arith.index_cast %get3A_1071 : i32 to index
        %get3A_1073 = arith.constant 80 : index
        %get3A_1074 = tpu.vector_load %arg6[%get3A_1072, %get3A_1073] {strides = array<i32>} : memref<16x128xi32, #tpu.memory_space<vmem>>, vector<16xi32>,
        tpu.vector_store_idx %arg9[%get3A_1074], %broadcast_in_dim3A_160 {add = true} : memref<10240xf32, #tpu.memory_space<vmem>>[vector<16xi32>], vector<16xf32>,
        %get3A_1075 = arith.constant 10 : i32
        %get3A_1076 = arith.index_cast %get3A_1075 : i32 to index
        %get3A_1077 = arith.constant 96 : index
        %get3A_1078 = tpu.vector_load %arg6[%get3A_1076, %get3A_1077] {strides = array<i32>} : memref<16x128xi32, #tpu.memory_space<vmem>>, vector<16xi32>,
        tpu.vector_store_idx %arg9[%get3A_1078], %broadcast_in_dim3A_160 {add = true} : memref<10240xf32, #tpu.memory_space<vmem>>[vector<16xi32>], vector<16xf32>,
        %get3A_1079 = arith.constant 10 : i32
        %get3A_1080 = arith.index_cast %get3A_1079 : i32 to index
        %get3A_1081 = arith.constant 112 : index
        %get3A_1082 = tpu.vector_load %arg6[%get3A_1080, %get3A_1081] {strides = array<i32>} : memref<16x128xi32, #tpu.memory_space<vmem>>, vector<16xi32>,
        tpu.vector_store_idx %arg9[%get3A_1082], %broadcast_in_dim3A_160 {add = true} : memref<10240xf32, #tpu.memory_space<vmem>>[vector<16xi32>], vector<16xf32>,
        %dma_wait3A_1083 = arith.constant 1 : i32
        %dma_wait3A_1084 = arith.constant 9 : i32
        %dma_wait3A_1085 = arith.constant 0 : i32
        %dma_wait3A_1086 = arith.constant 0 : i32
        %dma_wait3A_1087 = tpu.memref_slice %arg8[%dma_wait3A_1083, %dma_wait3A_1085, %dma_wait3A_1086] : memref<2x128x128xf32, #tpu.memory_space<vmem>> -> memref<1x128x128xf32, #tpu.memory_space<vmem>>
        %dma_wait3A_1088 = tpu.memref_squeeze %dma_wait3A_1087 : memref<1x128x128xf32, #tpu.memory_space<vmem>> -> memref<128x128xf32, #tpu.memory_space<vmem>>
        %dma_wait3A_1089 = arith.constant 0 : i32
        %dma_wait3A_1090 = tpu.memref_slice %arg6[%dma_wait3A_1084, %dma_wait3A_1089] : memref<16x128xi32, #tpu.memory_space<vmem>> -> memref<1x128xi32, #tpu.memory_space<vmem>>
        %dma_wait3A_1091 = tpu.memref_squeeze %dma_wait3A_1090 : memref<1x128xi32, #tpu.memory_space<vmem>> -> memref<128xi32, #tpu.memory_space<vmem>>
        %dma_wait3A_1092 = arith.constant 0 : i32
        %dma_wait3A_1093 = arith.constant 0 : i32
        %dma_wait3A_1094 = tpu.memref_slice %arg10[%dma_wait3A_1092, %dma_wait3A_1093] : memref<10240x128xf32, #tpu.memory_space<vmem_shared>> -> memref<10240x128xf32, #tpu.memory_space<vmem_shared>>
        tpu.wait_indirect_dma semaphore(%arg14 : memref<!tpu.dma_semaphore, #tpu.memory_space<semaphore_mem>>) src(%dma_wait3A_1088 : memref<128x128xf32, #tpu.memory_space<vmem>>) dst(%dma_wait3A_1094 : memref<10240x128xf32, #tpu.memory_space<vmem_shared>>)
        %dma_start3A_1095 = arith.constant 11 : i32
        %dma_start3A_1096 = arith.constant 1 : i32
        %dma_start3A_1097 = arith.constant 0 : i32
        %dma_start3A_1098 = arith.constant 0 : i32
        %dma_start3A_1099 = tpu.memref_slice %arg8[%dma_start3A_1096, %dma_start3A_1097, %dma_start3A_1098] : memref<2x128x128xf32, #tpu.memory_space<vmem>> -> memref<1x128x128xf32, #tpu.memory_space<vmem>>
        %dma_start3A_1100 = tpu.memref_squeeze %dma_start3A_1099 : memref<1x128x128xf32, #tpu.memory_space<vmem>> -> memref<128x128xf32, #tpu.memory_space<vmem>>
        %dma_start3A_1101 = arith.constant 0 : i32
        %dma_start3A_1102 = tpu.memref_slice %arg7[%dma_start3A_1095, %dma_start3A_1101] : memref<16x128xi32, #tpu.memory_space<vmem>> -> memref<1x128xi32, #tpu.memory_space<vmem>>
        %dma_start3A_1103 = tpu.memref_squeeze %dma_start3A_1102 : memref<1x128xi32, #tpu.memory_space<vmem>> -> memref<128xi32, #tpu.memory_space<vmem>>
        %dma_start3A_1104 = arith.constant 0 : i32
        %dma_start3A_1105 = arith.constant 0 : i32
        %dma_start3A_1106 = tpu.memref_slice %arg2[%dma_start3A_1104, %dma_start3A_1105] : memref<10000x128xf32, #tpu.memory_space<hbm>> -> memref<10000x128xf32, #tpu.memory_space<hbm>>
        tpu.enqueue_indirect_dma source(%dma_start3A_1106 : memref<10000x128xf32, #tpu.memory_space<hbm>>) target(%dma_start3A_1100 : memref<128x128xf32, #tpu.memory_space<vmem>>) offsets(%dma_start3A_1103 : memref<128xi32, #tpu.memory_space<vmem>>) semaphore(%arg12 : memref<!tpu.dma_semaphore, #tpu.memory_space<semaphore_mem>>)
        %dma_start3A_1107 = arith.constant 0 : i32
        %dma_start3A_1108 = arith.constant 10 : i32
        %dma_start3A_1109 = arith.constant 0 : i32
        %dma_start3A_1110 = arith.constant 0 : i32
        %dma_start3A_1111 = tpu.memref_slice %arg8[%dma_start3A_1107, %dma_start3A_1109, %dma_start3A_1110] : memref<2x128x128xf32, #tpu.memory_space<vmem>> -> memref<1x128x128xf32, #tpu.memory_space<vmem>>
        %dma_start3A_1112 = tpu.memref_squeeze %dma_start3A_1111 : memref<1x128x128xf32, #tpu.memory_space<vmem>> -> memref<128x128xf32, #tpu.memory_space<vmem>>
        %dma_start3A_1113 = arith.constant 0 : i32
        %dma_start3A_1114 = tpu.memref_slice %arg6[%dma_start3A_1108, %dma_start3A_1113] : memref<16x128xi32, #tpu.memory_space<vmem>> -> memref<1x128xi32, #tpu.memory_space<vmem>>
        %dma_start3A_1115 = tpu.memref_squeeze %dma_start3A_1114 : memref<1x128xi32, #tpu.memory_space<vmem>> -> memref<128xi32, #tpu.memory_space<vmem>>
        %dma_start3A_1116 = arith.constant 0 : i32
        %dma_start3A_1117 = arith.constant 0 : i32
        %dma_start3A_1118 = tpu.memref_slice %arg10[%dma_start3A_1116, %dma_start3A_1117] : memref<10240x128xf32, #tpu.memory_space<vmem_shared>> -> memref<10240x128xf32, #tpu.memory_space<vmem_shared>>
        tpu.enqueue_indirect_dma source(%dma_start3A_1112 : memref<128x128xf32, #tpu.memory_space<vmem>>) target(%dma_start3A_1118 : memref<10240x128xf32, #tpu.memory_space<vmem_shared>>) offsets(%dma_start3A_1115 : memref<128xi32, #tpu.memory_space<vmem>>) semaphore(%arg13 : memref<!tpu.dma_semaphore, #tpu.memory_space<semaphore_mem>>) {add = true}
        %dma_wait3A_1119 = arith.constant 11 : i32
        %dma_wait3A_1120 = arith.constant 1 : i32
        %dma_wait3A_1121 = arith.constant 0 : i32
        %dma_wait3A_1122 = arith.constant 0 : i32
        %dma_wait3A_1123 = tpu.memref_slice %arg8[%dma_wait3A_1120, %dma_wait3A_1121, %dma_wait3A_1122] : memref<2x128x128xf32, #tpu.memory_space<vmem>> -> memref<1x128x128xf32, #tpu.memory_space<vmem>>
        %dma_wait3A_1124 = tpu.memref_squeeze %dma_wait3A_1123 : memref<1x128x128xf32, #tpu.memory_space<vmem>> -> memref<128x128xf32, #tpu.memory_space<vmem>>
        %dma_wait3A_1125 = arith.constant 0 : i32
        %dma_wait3A_1126 = tpu.memref_slice %arg7[%dma_wait3A_1119, %dma_wait3A_1125] : memref<16x128xi32, #tpu.memory_space<vmem>> -> memref<1x128xi32, #tpu.memory_space<vmem>>
        %dma_wait3A_1127 = tpu.memref_squeeze %dma_wait3A_1126 : memref<1x128xi32, #tpu.memory_space<vmem>> -> memref<128xi32, #tpu.memory_space<vmem>>
        %dma_wait3A_1128 = arith.constant 0 : i32
        %dma_wait3A_1129 = arith.constant 0 : i32
        %dma_wait3A_1130 = tpu.memref_slice %arg2[%dma_wait3A_1128, %dma_wait3A_1129] : memref<10000x128xf32, #tpu.memory_space<hbm>> -> memref<10000x128xf32, #tpu.memory_space<hbm>>
        tpu.wait_indirect_dma semaphore(%arg12 : memref<!tpu.dma_semaphore, #tpu.memory_space<semaphore_mem>>) src(%dma_wait3A_1130 : memref<10000x128xf32, #tpu.memory_space<hbm>>) dst(%dma_wait3A_1124 : memref<128x128xf32, #tpu.memory_space<vmem>>)
        %get3A_1131 = arith.constant 11 : i32
        %get3A_1132 = arith.index_cast %get3A_1131 : i32 to index
        %get3A_1133 = arith.constant 0 : index
        %get3A_1134 = tpu.vector_load %arg6[%get3A_1132, %get3A_1133] {strides = array<i32>} : memref<16x128xi32, #tpu.memory_space<vmem>>, vector<16xi32>,
        tpu.vector_store_idx %arg9[%get3A_1134], %broadcast_in_dim3A_160 {add = true} : memref<10240xf32, #tpu.memory_space<vmem>>[vector<16xi32>], vector<16xf32>,
        %get3A_1135 = arith.constant 11 : i32
        %get3A_1136 = arith.index_cast %get3A_1135 : i32 to index
        %get3A_1137 = arith.constant 16 : index
        %get3A_1138 = tpu.vector_load %arg6[%get3A_1136, %get3A_1137] {strides = array<i32>} : memref<16x128xi32, #tpu.memory_space<vmem>>, vector<16xi32>,
        tpu.vector_store_idx %arg9[%get3A_1138], %broadcast_in_dim3A_160 {add = true} : memref<10240xf32, #tpu.memory_space<vmem>>[vector<16xi32>], vector<16xf32>,
        %get3A_1139 = arith.constant 11 : i32
        %get3A_1140 = arith.index_cast %get3A_1139 : i32 to index
        %get3A_1141 = arith.constant 32 : index
        %get3A_1142 = tpu.vector_load %arg6[%get3A_1140, %get3A_1141] {strides = array<i32>} : memref<16x128xi32, #tpu.memory_space<vmem>>, vector<16xi32>,
        tpu.vector_store_idx %arg9[%get3A_1142], %broadcast_in_dim3A_160 {add = true} : memref<10240xf32, #tpu.memory_space<vmem>>[vector<16xi32>], vector<16xf32>,
        %get3A_1143 = arith.constant 11 : i32
        %get3A_1144 = arith.index_cast %get3A_1143 : i32 to index
        %get3A_1145 = arith.constant 48 : index
        %get3A_1146 = tpu.vector_load %arg6[%get3A_1144, %get3A_1145] {strides = array<i32>} : memref<16x128xi32, #tpu.memory_space<vmem>>, vector<16xi32>,
        tpu.vector_store_idx %arg9[%get3A_1146], %broadcast_in_dim3A_160 {add = true} : memref<10240xf32, #tpu.memory_space<vmem>>[vector<16xi32>], vector<16xf32>,
        %get3A_1147 = arith.constant 11 : i32
        %get3A_1148 = arith.index_cast %get3A_1147 : i32 to index
        %get3A_1149 = arith.constant 64 : index
        %get3A_1150 = tpu.vector_load %arg6[%get3A_1148, %get3A_1149] {strides = array<i32>} : memref<16x128xi32, #tpu.memory_space<vmem>>, vector<16xi32>,
        tpu.vector_store_idx %arg9[%get3A_1150], %broadcast_in_dim3A_160 {add = true} : memref<10240xf32, #tpu.memory_space<vmem>>[vector<16xi32>], vector<16xf32>,
        %get3A_1151 = arith.constant 11 : i32
        %get3A_1152 = arith.index_cast %get3A_1151 : i32 to index
        %get3A_1153 = arith.constant 80 : index
        %get3A_1154 = tpu.vector_load %arg6[%get3A_1152, %get3A_1153] {strides = array<i32>} : memref<16x128xi32, #tpu.memory_space<vmem>>, vector<16xi32>,
        tpu.vector_store_idx %arg9[%get3A_1154], %broadcast_in_dim3A_160 {add = true} : memref<10240xf32, #tpu.memory_space<vmem>>[vector<16xi32>], vector<16xf32>,
        %get3A_1155 = arith.constant 11 : i32
        %get3A_1156 = arith.index_cast %get3A_1155 : i32 to index
        %get3A_1157 = arith.constant 96 : index
        %get3A_1158 = tpu.vector_load %arg6[%get3A_1156, %get3A_1157] {strides = array<i32>} : memref<16x128xi32, #tpu.memory_space<vmem>>, vector<16xi32>,
        tpu.vector_store_idx %arg9[%get3A_1158], %broadcast_in_dim3A_160 {add = true} : memref<10240xf32, #tpu.memory_space<vmem>>[vector<16xi32>], vector<16xf32>,
        %get3A_1159 = arith.constant 11 : i32
        %get3A_1160 = arith.index_cast %get3A_1159 : i32 to index
        %get3A_1161 = arith.constant 112 : index
        %get3A_1162 = tpu.vector_load %arg6[%get3A_1160, %get3A_1161] {strides = array<i32>} : memref<16x128xi32, #tpu.memory_space<vmem>>, vector<16xi32>,
        tpu.vector_store_idx %arg9[%get3A_1162], %broadcast_in_dim3A_160 {add = true} : memref<10240xf32, #tpu.memory_space<vmem>>[vector<16xi32>], vector<16xf32>,
        %dma_wait3A_1163 = arith.constant 0 : i32
        %dma_wait3A_1164 = arith.constant 10 : i32
        %dma_wait3A_1165 = arith.constant 0 : i32
        %dma_wait3A_1166 = arith.constant 0 : i32
        %dma_wait3A_1167 = tpu.memref_slice %arg8[%dma_wait3A_1163, %dma_wait3A_1165, %dma_wait3A_1166] : memref<2x128x128xf32, #tpu.memory_space<vmem>> -> memref<1x128x128xf32, #tpu.memory_space<vmem>>
        %dma_wait3A_1168 = tpu.memref_squeeze %dma_wait3A_1167 : memref<1x128x128xf32, #tpu.memory_space<vmem>> -> memref<128x128xf32, #tpu.memory_space<vmem>>
        %dma_wait3A_1169 = arith.constant 0 : i32
        %dma_wait3A_1170 = tpu.memref_slice %arg6[%dma_wait3A_1164, %dma_wait3A_1169] : memref<16x128xi32, #tpu.memory_space<vmem>> -> memref<1x128xi32, #tpu.memory_space<vmem>>
        %dma_wait3A_1171 = tpu.memref_squeeze %dma_wait3A_1170 : memref<1x128xi32, #tpu.memory_space<vmem>> -> memref<128xi32, #tpu.memory_space<vmem>>
        %dma_wait3A_1172 = arith.constant 0 : i32
        %dma_wait3A_1173 = arith.constant 0 : i32
        %dma_wait3A_1174 = tpu.memref_slice %arg10[%dma_wait3A_1172, %dma_wait3A_1173] : memref<10240x128xf32, #tpu.memory_space<vmem_shared>> -> memref<10240x128xf32, #tpu.memory_space<vmem_shared>>
        tpu.wait_indirect_dma semaphore(%arg13 : memref<!tpu.dma_semaphore, #tpu.memory_space<semaphore_mem>>) src(%dma_wait3A_1168 : memref<128x128xf32, #tpu.memory_space<vmem>>) dst(%dma_wait3A_1174 : memref<10240x128xf32, #tpu.memory_space<vmem_shared>>)
        %dma_start3A_1175 = arith.constant 12 : i32
        %dma_start3A_1176 = arith.constant 0 : i32
        %dma_start3A_1177 = arith.constant 0 : i32
        %dma_start3A_1178 = arith.constant 0 : i32
        %dma_start3A_1179 = tpu.memref_slice %arg8[%dma_start3A_1176, %dma_start3A_1177, %dma_start3A_1178] : memref<2x128x128xf32, #tpu.memory_space<vmem>> -> memref<1x128x128xf32, #tpu.memory_space<vmem>>
        %dma_start3A_1180 = tpu.memref_squeeze %dma_start3A_1179 : memref<1x128x128xf32, #tpu.memory_space<vmem>> -> memref<128x128xf32, #tpu.memory_space<vmem>>
        %dma_start3A_1181 = arith.constant 0 : i32
        %dma_start3A_1182 = tpu.memref_slice %arg7[%dma_start3A_1175, %dma_start3A_1181] : memref<16x128xi32, #tpu.memory_space<vmem>> -> memref<1x128xi32, #tpu.memory_space<vmem>>
        %dma_start3A_1183 = tpu.memref_squeeze %dma_start3A_1182 : memref<1x128xi32, #tpu.memory_space<vmem>> -> memref<128xi32, #tpu.memory_space<vmem>>
        %dma_start3A_1184 = arith.constant 0 : i32
        %dma_start3A_1185 = arith.constant 0 : i32
        %dma_start3A_1186 = tpu.memref_slice %arg2[%dma_start3A_1184, %dma_start3A_1185] : memref<10000x128xf32, #tpu.memory_space<hbm>> -> memref<10000x128xf32, #tpu.memory_space<hbm>>
        tpu.enqueue_indirect_dma source(%dma_start3A_1186 : memref<10000x128xf32, #tpu.memory_space<hbm>>) target(%dma_start3A_1180 : memref<128x128xf32, #tpu.memory_space<vmem>>) offsets(%dma_start3A_1183 : memref<128xi32, #tpu.memory_space<vmem>>) semaphore(%arg11 : memref<!tpu.dma_semaphore, #tpu.memory_space<semaphore_mem>>)
        %dma_start3A_1187 = arith.constant 1 : i32
        %dma_start3A_1188 = arith.constant 11 : i32
        %dma_start3A_1189 = arith.constant 0 : i32
        %dma_start3A_1190 = arith.constant 0 : i32
        %dma_start3A_1191 = tpu.memref_slice %arg8[%dma_start3A_1187, %dma_start3A_1189, %dma_start3A_1190] : memref<2x128x128xf32, #tpu.memory_space<vmem>> -> memref<1x128x128xf32, #tpu.memory_space<vmem>>
        %dma_start3A_1192 = tpu.memref_squeeze %dma_start3A_1191 : memref<1x128x128xf32, #tpu.memory_space<vmem>> -> memref<128x128xf32, #tpu.memory_space<vmem>>
        %dma_start3A_1193 = arith.constant 0 : i32
        %dma_start3A_1194 = tpu.memref_slice %arg6[%dma_start3A_1188, %dma_start3A_1193] : memref<16x128xi32, #tpu.memory_space<vmem>> -> memref<1x128xi32, #tpu.memory_space<vmem>>
        %dma_start3A_1195 = tpu.memref_squeeze %dma_start3A_1194 : memref<1x128xi32, #tpu.memory_space<vmem>> -> memref<128xi32, #tpu.memory_space<vmem>>
        %dma_start3A_1196 = arith.constant 0 : i32
        %dma_start3A_1197 = arith.constant 0 : i32
        %dma_start3A_1198 = tpu.memref_slice %arg10[%dma_start3A_1196, %dma_start3A_1197] : memref<10240x128xf32, #tpu.memory_space<vmem_shared>> -> memref<10240x128xf32, #tpu.memory_space<vmem_shared>>
        tpu.enqueue_indirect_dma source(%dma_start3A_1192 : memref<128x128xf32, #tpu.memory_space<vmem>>) target(%dma_start3A_1198 : memref<10240x128xf32, #tpu.memory_space<vmem_shared>>) offsets(%dma_start3A_1195 : memref<128xi32, #tpu.memory_space<vmem>>) semaphore(%arg14 : memref<!tpu.dma_semaphore, #tpu.memory_space<semaphore_mem>>) {add = true}
        %dma_wait3A_1199 = arith.constant 12 : i32
        %dma_wait3A_1200 = arith.constant 0 : i32
        %dma_wait3A_1201 = arith.constant 0 : i32
        %dma_wait3A_1202 = arith.constant 0 : i32
        %dma_wait3A_1203 = tpu.memref_slice %arg8[%dma_wait3A_1200, %dma_wait3A_1201, %dma_wait3A_1202] : memref<2x128x128xf32, #tpu.memory_space<vmem>> -> memref<1x128x128xf32, #tpu.memory_space<vmem>>
        %dma_wait3A_1204 = tpu.memref_squeeze %dma_wait3A_1203 : memref<1x128x128xf32, #tpu.memory_space<vmem>> -> memref<128x128xf32, #tpu.memory_space<vmem>>
        %dma_wait3A_1205 = arith.constant 0 : i32
        %dma_wait3A_1206 = tpu.memref_slice %arg7[%dma_wait3A_1199, %dma_wait3A_1205] : memref<16x128xi32, #tpu.memory_space<vmem>> -> memref<1x128xi32, #tpu.memory_space<vmem>>
        %dma_wait3A_1207 = tpu.memref_squeeze %dma_wait3A_1206 : memref<1x128xi32, #tpu.memory_space<vmem>> -> memref<128xi32, #tpu.memory_space<vmem>>
        %dma_wait3A_1208 = arith.constant 0 : i32
        %dma_wait3A_1209 = arith.constant 0 : i32
        %dma_wait3A_1210 = tpu.memref_slice %arg2[%dma_wait3A_1208, %dma_wait3A_1209] : memref<10000x128xf32, #tpu.memory_space<hbm>> -> memref<10000x128xf32, #tpu.memory_space<hbm>>
        tpu.wait_indirect_dma semaphore(%arg11 : memref<!tpu.dma_semaphore, #tpu.memory_space<semaphore_mem>>) src(%dma_wait3A_1210 : memref<10000x128xf32, #tpu.memory_space<hbm>>) dst(%dma_wait3A_1204 : memref<128x128xf32, #tpu.memory_space<vmem>>)
        %get3A_1211 = arith.constant 12 : i32
        %get3A_1212 = arith.index_cast %get3A_1211 : i32 to index
        %get3A_1213 = arith.constant 0 : index
        %get3A_1214 = tpu.vector_load %arg6[%get3A_1212, %get3A_1213] {strides = array<i32>} : memref<16x128xi32, #tpu.memory_space<vmem>>, vector<16xi32>,
        tpu.vector_store_idx %arg9[%get3A_1214], %broadcast_in_dim3A_160 {add = true} : memref<10240xf32, #tpu.memory_space<vmem>>[vector<16xi32>], vector<16xf32>,
        %get3A_1215 = arith.constant 12 : i32
        %get3A_1216 = arith.index_cast %get3A_1215 : i32 to index
        %get3A_1217 = arith.constant 16 : index
        %get3A_1218 = tpu.vector_load %arg6[%get3A_1216, %get3A_1217] {strides = array<i32>} : memref<16x128xi32, #tpu.memory_space<vmem>>, vector<16xi32>,
        tpu.vector_store_idx %arg9[%get3A_1218], %broadcast_in_dim3A_160 {add = true} : memref<10240xf32, #tpu.memory_space<vmem>>[vector<16xi32>], vector<16xf32>,
        %get3A_1219 = arith.constant 12 : i32
        %get3A_1220 = arith.index_cast %get3A_1219 : i32 to index
        %get3A_1221 = arith.constant 32 : index
        %get3A_1222 = tpu.vector_load %arg6[%get3A_1220, %get3A_1221] {strides = array<i32>} : memref<16x128xi32, #tpu.memory_space<vmem>>, vector<16xi32>,
        tpu.vector_store_idx %arg9[%get3A_1222], %broadcast_in_dim3A_160 {add = true} : memref<10240xf32, #tpu.memory_space<vmem>>[vector<16xi32>], vector<16xf32>,
        %get3A_1223 = arith.constant 12 : i32
        %get3A_1224 = arith.index_cast %get3A_1223 : i32 to index
        %get3A_1225 = arith.constant 48 : index
        %get3A_1226 = tpu.vector_load %arg6[%get3A_1224, %get3A_1225] {strides = array<i32>} : memref<16x128xi32, #tpu.memory_space<vmem>>, vector<16xi32>,
        tpu.vector_store_idx %arg9[%get3A_1226], %broadcast_in_dim3A_160 {add = true} : memref<10240xf32, #tpu.memory_space<vmem>>[vector<16xi32>], vector<16xf32>,
        %get3A_1227 = arith.constant 12 : i32
        %get3A_1228 = arith.index_cast %get3A_1227 : i32 to index
        %get3A_1229 = arith.constant 64 : index
        %get3A_1230 = tpu.vector_load %arg6[%get3A_1228, %get3A_1229] {strides = array<i32>} : memref<16x128xi32, #tpu.memory_space<vmem>>, vector<16xi32>,
        tpu.vector_store_idx %arg9[%get3A_1230], %broadcast_in_dim3A_160 {add = true} : memref<10240xf32, #tpu.memory_space<vmem>>[vector<16xi32>], vector<16xf32>,
        %get3A_1231 = arith.constant 12 : i32
        %get3A_1232 = arith.index_cast %get3A_1231 : i32 to index
        %get3A_1233 = arith.constant 80 : index
        %get3A_1234 = tpu.vector_load %arg6[%get3A_1232, %get3A_1233] {strides = array<i32>} : memref<16x128xi32, #tpu.memory_space<vmem>>, vector<16xi32>,
        tpu.vector_store_idx %arg9[%get3A_1234], %broadcast_in_dim3A_160 {add = true} : memref<10240xf32, #tpu.memory_space<vmem>>[vector<16xi32>], vector<16xf32>,
        %get3A_1235 = arith.constant 12 : i32
        %get3A_1236 = arith.index_cast %get3A_1235 : i32 to index
        %get3A_1237 = arith.constant 96 : index
        %get3A_1238 = tpu.vector_load %arg6[%get3A_1236, %get3A_1237] {strides = array<i32>} : memref<16x128xi32, #tpu.memory_space<vmem>>, vector<16xi32>,
        tpu.vector_store_idx %arg9[%get3A_1238], %broadcast_in_dim3A_160 {add = true} : memref<10240xf32, #tpu.memory_space<vmem>>[vector<16xi32>], vector<16xf32>,
        %get3A_1239 = arith.constant 12 : i32
        %get3A_1240 = arith.index_cast %get3A_1239 : i32 to index
        %get3A_1241 = arith.constant 112 : index
        %get3A_1242 = tpu.vector_load %arg6[%get3A_1240, %get3A_1241] {strides = array<i32>} : memref<16x128xi32, #tpu.memory_space<vmem>>, vector<16xi32>,
        tpu.vector_store_idx %arg9[%get3A_1242], %broadcast_in_dim3A_160 {add = true} : memref<10240xf32, #tpu.memory_space<vmem>>[vector<16xi32>], vector<16xf32>,
        %dma_wait3A_1243 = arith.constant 1 : i32
        %dma_wait3A_1244 = arith.constant 11 : i32
        %dma_wait3A_1245 = arith.constant 0 : i32
        %dma_wait3A_1246 = arith.constant 0 : i32
        %dma_wait3A_1247 = tpu.memref_slice %arg8[%dma_wait3A_1243, %dma_wait3A_1245, %dma_wait3A_1246] : memref<2x128x128xf32, #tpu.memory_space<vmem>> -> memref<1x128x128xf32, #tpu.memory_space<vmem>>
        %dma_wait3A_1248 = tpu.memref_squeeze %dma_wait3A_1247 : memref<1x128x128xf32, #tpu.memory_space<vmem>> -> memref<128x128xf32, #tpu.memory_space<vmem>>
        %dma_wait3A_1249 = arith.constant 0 : i32
        %dma_wait3A_1250 = tpu.memref_slice %arg6[%dma_wait3A_1244, %dma_wait3A_1249] : memref<16x128xi32, #tpu.memory_space<vmem>> -> memref<1x128xi32, #tpu.memory_space<vmem>>
        %dma_wait3A_1251 = tpu.memref_squeeze %dma_wait3A_1250 : memref<1x128xi32, #tpu.memory_space<vmem>> -> memref<128xi32, #tpu.memory_space<vmem>>
        %dma_wait3A_1252 = arith.constant 0 : i32
        %dma_wait3A_1253 = arith.constant 0 : i32
        %dma_wait3A_1254 = tpu.memref_slice %arg10[%dma_wait3A_1252, %dma_wait3A_1253] : memref<10240x128xf32, #tpu.memory_space<vmem_shared>> -> memref<10240x128xf32, #tpu.memory_space<vmem_shared>>
        tpu.wait_indirect_dma semaphore(%arg14 : memref<!tpu.dma_semaphore, #tpu.memory_space<semaphore_mem>>) src(%dma_wait3A_1248 : memref<128x128xf32, #tpu.memory_space<vmem>>) dst(%dma_wait3A_1254 : memref<10240x128xf32, #tpu.memory_space<vmem_shared>>)
        %dma_start3A_1255 = arith.constant 13 : i32
        %dma_start3A_1256 = arith.constant 1 : i32
        %dma_start3A_1257 = arith.constant 0 : i32
        %dma_start3A_1258 = arith.constant 0 : i32
        %dma_start3A_1259 = tpu.memref_slice %arg8[%dma_start3A_1256, %dma_start3A_1257, %dma_start3A_1258] : memref<2x128x128xf32, #tpu.memory_space<vmem>> -> memref<1x128x128xf32, #tpu.memory_space<vmem>>
        %dma_start3A_1260 = tpu.memref_squeeze %dma_start3A_1259 : memref<1x128x128xf32, #tpu.memory_space<vmem>> -> memref<128x128xf32, #tpu.memory_space<vmem>>
        %dma_start3A_1261 = arith.constant 0 : i32
        %dma_start3A_1262 = tpu.memref_slice %arg7[%dma_start3A_1255, %dma_start3A_1261] : memref<16x128xi32, #tpu.memory_space<vmem>> -> memref<1x128xi32, #tpu.memory_space<vmem>>
        %dma_start3A_1263 = tpu.memref_squeeze %dma_start3A_1262 : memref<1x128xi32, #tpu.memory_space<vmem>> -> memref<128xi32, #tpu.memory_space<vmem>>
        %dma_start3A_1264 = arith.constant 0 : i32
        %dma_start3A_1265 = arith.constant 0 : i32
        %dma_start3A_1266 = tpu.memref_slice %arg2[%dma_start3A_1264, %dma_start3A_1265] : memref<10000x128xf32, #tpu.memory_space<hbm>> -> memref<10000x128xf32, #tpu.memory_space<hbm>>
        tpu.enqueue_indirect_dma source(%dma_start3A_1266 : memref<10000x128xf32, #tpu.memory_space<hbm>>) target(%dma_start3A_1260 : memref<128x128xf32, #tpu.memory_space<vmem>>) offsets(%dma_start3A_1263 : memref<128xi32, #tpu.memory_space<vmem>>) semaphore(%arg12 : memref<!tpu.dma_semaphore, #tpu.memory_space<semaphore_mem>>)
        %dma_start3A_1267 = arith.constant 0 : i32
        %dma_start3A_1268 = arith.constant 12 : i32
        %dma_start3A_1269 = arith.constant 0 : i32
        %dma_start3A_1270 = arith.constant 0 : i32
        %dma_start3A_1271 = tpu.memref_slice %arg8[%dma_start3A_1267, %dma_start3A_1269, %dma_start3A_1270] : memref<2x128x128xf32, #tpu.memory_space<vmem>> -> memref<1x128x128xf32, #tpu.memory_space<vmem>>
        %dma_start3A_1272 = tpu.memref_squeeze %dma_start3A_1271 : memref<1x128x128xf32, #tpu.memory_space<vmem>> -> memref<128x128xf32, #tpu.memory_space<vmem>>
        %dma_start3A_1273 = arith.constant 0 : i32
        %dma_start3A_1274 = tpu.memref_slice %arg6[%dma_start3A_1268, %dma_start3A_1273] : memref<16x128xi32, #tpu.memory_space<vmem>> -> memref<1x128xi32, #tpu.memory_space<vmem>>
        %dma_start3A_1275 = tpu.memref_squeeze %dma_start3A_1274 : memref<1x128xi32, #tpu.memory_space<vmem>> -> memref<128xi32, #tpu.memory_space<vmem>>
        %dma_start3A_1276 = arith.constant 0 : i32
        %dma_start3A_1277 = arith.constant 0 : i32
        %dma_start3A_1278 = tpu.memref_slice %arg10[%dma_start3A_1276, %dma_start3A_1277] : memref<10240x128xf32, #tpu.memory_space<vmem_shared>> -> memref<10240x128xf32, #tpu.memory_space<vmem_shared>>
        tpu.enqueue_indirect_dma source(%dma_start3A_1272 : memref<128x128xf32, #tpu.memory_space<vmem>>) target(%dma_start3A_1278 : memref<10240x128xf32, #tpu.memory_space<vmem_shared>>) offsets(%dma_start3A_1275 : memref<128xi32, #tpu.memory_space<vmem>>) semaphore(%arg13 : memref<!tpu.dma_semaphore, #tpu.memory_space<semaphore_mem>>) {add = true}
        %dma_wait3A_1279 = arith.constant 13 : i32
        %dma_wait3A_1280 = arith.constant 1 : i32
        %dma_wait3A_1281 = arith.constant 0 : i32
        %dma_wait3A_1282 = arith.constant 0 : i32
        %dma_wait3A_1283 = tpu.memref_slice %arg8[%dma_wait3A_1280, %dma_wait3A_1281, %dma_wait3A_1282] : memref<2x128x128xf32, #tpu.memory_space<vmem>> -> memref<1x128x128xf32, #tpu.memory_space<vmem>>
        %dma_wait3A_1284 = tpu.memref_squeeze %dma_wait3A_1283 : memref<1x128x128xf32, #tpu.memory_space<vmem>> -> memref<128x128xf32, #tpu.memory_space<vmem>>
        %dma_wait3A_1285 = arith.constant 0 : i32
        %dma_wait3A_1286 = tpu.memref_slice %arg7[%dma_wait3A_1279, %dma_wait3A_1285] : memref<16x128xi32, #tpu.memory_space<vmem>> -> memref<1x128xi32, #tpu.memory_space<vmem>>
        %dma_wait3A_1287 = tpu.memref_squeeze %dma_wait3A_1286 : memref<1x128xi32, #tpu.memory_space<vmem>> -> memref<128xi32, #tpu.memory_space<vmem>>
        %dma_wait3A_1288 = arith.constant 0 : i32
        %dma_wait3A_1289 = arith.constant 0 : i32
        %dma_wait3A_1290 = tpu.memref_slice %arg2[%dma_wait3A_1288, %dma_wait3A_1289] : memref<10000x128xf32, #tpu.memory_space<hbm>> -> memref<10000x128xf32, #tpu.memory_space<hbm>>
        tpu.wait_indirect_dma semaphore(%arg12 : memref<!tpu.dma_semaphore, #tpu.memory_space<semaphore_mem>>) src(%dma_wait3A_1290 : memref<10000x128xf32, #tpu.memory_space<hbm>>) dst(%dma_wait3A_1284 : memref<128x128xf32, #tpu.memory_space<vmem>>)
        %get3A_1291 = arith.constant 13 : i32
        %get3A_1292 = arith.index_cast %get3A_1291 : i32 to index
        %get3A_1293 = arith.constant 0 : index
        %get3A_1294 = tpu.vector_load %arg6[%get3A_1292, %get3A_1293] {strides = array<i32>} : memref<16x128xi32, #tpu.memory_space<vmem>>, vector<16xi32>,
        tpu.vector_store_idx %arg9[%get3A_1294], %broadcast_in_dim3A_160 {add = true} : memref<10240xf32, #tpu.memory_space<vmem>>[vector<16xi32>], vector<16xf32>,
        %get3A_1295 = arith.constant 13 : i32
        %get3A_1296 = arith.index_cast %get3A_1295 : i32 to index
        %get3A_1297 = arith.constant 16 : index
        %get3A_1298 = tpu.vector_load %arg6[%get3A_1296, %get3A_1297] {strides = array<i32>} : memref<16x128xi32, #tpu.memory_space<vmem>>, vector<16xi32>,
        tpu.vector_store_idx %arg9[%get3A_1298], %broadcast_in_dim3A_160 {add = true} : memref<10240xf32, #tpu.memory_space<vmem>>[vector<16xi32>], vector<16xf32>,
        %get3A_1299 = arith.constant 13 : i32
        %get3A_1300 = arith.index_cast %get3A_1299 : i32 to index
        %get3A_1301 = arith.constant 32 : index
        %get3A_1302 = tpu.vector_load %arg6[%get3A_1300, %get3A_1301] {strides = array<i32>} : memref<16x128xi32, #tpu.memory_space<vmem>>, vector<16xi32>,
        tpu.vector_store_idx %arg9[%get3A_1302], %broadcast_in_dim3A_160 {add = true} : memref<10240xf32, #tpu.memory_space<vmem>>[vector<16xi32>], vector<16xf32>,
        %get3A_1303 = arith.constant 13 : i32
        %get3A_1304 = arith.index_cast %get3A_1303 : i32 to index
        %get3A_1305 = arith.constant 48 : index
        %get3A_1306 = tpu.vector_load %arg6[%get3A_1304, %get3A_1305] {strides = array<i32>} : memref<16x128xi32, #tpu.memory_space<vmem>>, vector<16xi32>,
        tpu.vector_store_idx %arg9[%get3A_1306], %broadcast_in_dim3A_160 {add = true} : memref<10240xf32, #tpu.memory_space<vmem>>[vector<16xi32>], vector<16xf32>,
        %get3A_1307 = arith.constant 13 : i32
        %get3A_1308 = arith.index_cast %get3A_1307 : i32 to index
        %get3A_1309 = arith.constant 64 : index
        %get3A_1310 = tpu.vector_load %arg6[%get3A_1308, %get3A_1309] {strides = array<i32>} : memref<16x128xi32, #tpu.memory_space<vmem>>, vector<16xi32>,
        tpu.vector_store_idx %arg9[%get3A_1310], %broadcast_in_dim3A_160 {add = true} : memref<10240xf32, #tpu.memory_space<vmem>>[vector<16xi32>], vector<16xf32>,
        %get3A_1311 = arith.constant 13 : i32
        %get3A_1312 = arith.index_cast %get3A_1311 : i32 to index
        %get3A_1313 = arith.constant 80 : index
        %get3A_1314 = tpu.vector_load %arg6[%get3A_1312, %get3A_1313] {strides = array<i32>} : memref<16x128xi32, #tpu.memory_space<vmem>>, vector<16xi32>,
        tpu.vector_store_idx %arg9[%get3A_1314], %broadcast_in_dim3A_160 {add = true} : memref<10240xf32, #tpu.memory_space<vmem>>[vector<16xi32>], vector<16xf32>,
        %get3A_1315 = arith.constant 13 : i32
        %get3A_1316 = arith.index_cast %get3A_1315 : i32 to index
        %get3A_1317 = arith.constant 96 : index
        %get3A_1318 = tpu.vector_load %arg6[%get3A_1316, %get3A_1317] {strides = array<i32>} : memref<16x128xi32, #tpu.memory_space<vmem>>, vector<16xi32>,
        tpu.vector_store_idx %arg9[%get3A_1318], %broadcast_in_dim3A_160 {add = true} : memref<10240xf32, #tpu.memory_space<vmem>>[vector<16xi32>], vector<16xf32>,
        %get3A_1319 = arith.constant 13 : i32
        %get3A_1320 = arith.index_cast %get3A_1319 : i32 to index
        %get3A_1321 = arith.constant 112 : index
        %get3A_1322 = tpu.vector_load %arg6[%get3A_1320, %get3A_1321] {strides = array<i32>} : memref<16x128xi32, #tpu.memory_space<vmem>>, vector<16xi32>,
        tpu.vector_store_idx %arg9[%get3A_1322], %broadcast_in_dim3A_160 {add = true} : memref<10240xf32, #tpu.memory_space<vmem>>[vector<16xi32>], vector<16xf32>,
        %dma_wait3A_1323 = arith.constant 0 : i32
        %dma_wait3A_1324 = arith.constant 12 : i32
        %dma_wait3A_1325 = arith.constant 0 : i32
        %dma_wait3A_1326 = arith.constant 0 : i32
        %dma_wait3A_1327 = tpu.memref_slice %arg8[%dma_wait3A_1323, %dma_wait3A_1325, %dma_wait3A_1326] : memref<2x128x128xf32, #tpu.memory_space<vmem>> -> memref<1x128x128xf32, #tpu.memory_space<vmem>>
        %dma_wait3A_1328 = tpu.memref_squeeze %dma_wait3A_1327 : memref<1x128x128xf32, #tpu.memory_space<vmem>> -> memref<128x128xf32, #tpu.memory_space<vmem>>
        %dma_wait3A_1329 = arith.constant 0 : i32
        %dma_wait3A_1330 = tpu.memref_slice %arg6[%dma_wait3A_1324, %dma_wait3A_1329] : memref<16x128xi32, #tpu.memory_space<vmem>> -> memref<1x128xi32, #tpu.memory_space<vmem>>
        %dma_wait3A_1331 = tpu.memref_squeeze %dma_wait3A_1330 : memref<1x128xi32, #tpu.memory_space<vmem>> -> memref<128xi32, #tpu.memory_space<vmem>>
        %dma_wait3A_1332 = arith.constant 0 : i32
        %dma_wait3A_1333 = arith.constant 0 : i32
        %dma_wait3A_1334 = tpu.memref_slice %arg10[%dma_wait3A_1332, %dma_wait3A_1333] : memref<10240x128xf32, #tpu.memory_space<vmem_shared>> -> memref<10240x128xf32, #tpu.memory_space<vmem_shared>>
        tpu.wait_indirect_dma semaphore(%arg13 : memref<!tpu.dma_semaphore, #tpu.memory_space<semaphore_mem>>) src(%dma_wait3A_1328 : memref<128x128xf32, #tpu.memory_space<vmem>>) dst(%dma_wait3A_1334 : memref<10240x128xf32, #tpu.memory_space<vmem_shared>>)
        %dma_start3A_1335 = arith.constant 14 : i32
        %dma_start3A_1336 = arith.constant 0 : i32
        %dma_start3A_1337 = arith.constant 0 : i32
        %dma_start3A_1338 = arith.constant 0 : i32
        %dma_start3A_1339 = tpu.memref_slice %arg8[%dma_start3A_1336, %dma_start3A_1337, %dma_start3A_1338] : memref<2x128x128xf32, #tpu.memory_space<vmem>> -> memref<1x128x128xf32, #tpu.memory_space<vmem>>
        %dma_start3A_1340 = tpu.memref_squeeze %dma_start3A_1339 : memref<1x128x128xf32, #tpu.memory_space<vmem>> -> memref<128x128xf32, #tpu.memory_space<vmem>>
        %dma_start3A_1341 = arith.constant 0 : i32
        %dma_start3A_1342 = tpu.memref_slice %arg7[%dma_start3A_1335, %dma_start3A_1341] : memref<16x128xi32, #tpu.memory_space<vmem>> -> memref<1x128xi32, #tpu.memory_space<vmem>>
        %dma_start3A_1343 = tpu.memref_squeeze %dma_start3A_1342 : memref<1x128xi32, #tpu.memory_space<vmem>> -> memref<128xi32, #tpu.memory_space<vmem>>
        %dma_start3A_1344 = arith.constant 0 : i32
        %dma_start3A_1345 = arith.constant 0 : i32
        %dma_start3A_1346 = tpu.memref_slice %arg2[%dma_start3A_1344, %dma_start3A_1345] : memref<10000x128xf32, #tpu.memory_space<hbm>> -> memref<10000x128xf32, #tpu.memory_space<hbm>>
        tpu.enqueue_indirect_dma source(%dma_start3A_1346 : memref<10000x128xf32, #tpu.memory_space<hbm>>) target(%dma_start3A_1340 : memref<128x128xf32, #tpu.memory_space<vmem>>) offsets(%dma_start3A_1343 : memref<128xi32, #tpu.memory_space<vmem>>) semaphore(%arg11 : memref<!tpu.dma_semaphore, #tpu.memory_space<semaphore_mem>>)
        %dma_start3A_1347 = arith.constant 1 : i32
        %dma_start3A_1348 = arith.constant 13 : i32
        %dma_start3A_1349 = arith.constant 0 : i32
        %dma_start3A_1350 = arith.constant 0 : i32
        %dma_start3A_1351 = tpu.memref_slice %arg8[%dma_start3A_1347, %dma_start3A_1349, %dma_start3A_1350] : memref<2x128x128xf32, #tpu.memory_space<vmem>> -> memref<1x128x128xf32, #tpu.memory_space<vmem>>
        %dma_start3A_1352 = tpu.memref_squeeze %dma_start3A_1351 : memref<1x128x128xf32, #tpu.memory_space<vmem>> -> memref<128x128xf32, #tpu.memory_space<vmem>>
        %dma_start3A_1353 = arith.constant 0 : i32
        %dma_start3A_1354 = tpu.memref_slice %arg6[%dma_start3A_1348, %dma_start3A_1353] : memref<16x128xi32, #tpu.memory_space<vmem>> -> memref<1x128xi32, #tpu.memory_space<vmem>>
        %dma_start3A_1355 = tpu.memref_squeeze %dma_start3A_1354 : memref<1x128xi32, #tpu.memory_space<vmem>> -> memref<128xi32, #tpu.memory_space<vmem>>
        %dma_start3A_1356 = arith.constant 0 : i32
        %dma_start3A_1357 = arith.constant 0 : i32
        %dma_start3A_1358 = tpu.memref_slice %arg10[%dma_start3A_1356, %dma_start3A_1357] : memref<10240x128xf32, #tpu.memory_space<vmem_shared>> -> memref<10240x128xf32, #tpu.memory_space<vmem_shared>>
        tpu.enqueue_indirect_dma source(%dma_start3A_1352 : memref<128x128xf32, #tpu.memory_space<vmem>>) target(%dma_start3A_1358 : memref<10240x128xf32, #tpu.memory_space<vmem_shared>>) offsets(%dma_start3A_1355 : memref<128xi32, #tpu.memory_space<vmem>>) semaphore(%arg14 : memref<!tpu.dma_semaphore, #tpu.memory_space<semaphore_mem>>) {add = true}
        %dma_wait3A_1359 = arith.constant 14 : i32
        %dma_wait3A_1360 = arith.constant 0 : i32
        %dma_wait3A_1361 = arith.constant 0 : i32
        %dma_wait3A_1362 = arith.constant 0 : i32
        %dma_wait3A_1363 = tpu.memref_slice %arg8[%dma_wait3A_1360, %dma_wait3A_1361, %dma_wait3A_1362] : memref<2x128x128xf32, #tpu.memory_space<vmem>> -> memref<1x128x128xf32, #tpu.memory_space<vmem>>
        %dma_wait3A_1364 = tpu.memref_squeeze %dma_wait3A_1363 : memref<1x128x128xf32, #tpu.memory_space<vmem>> -> memref<128x128xf32, #tpu.memory_space<vmem>>
        %dma_wait3A_1365 = arith.constant 0 : i32
        %dma_wait3A_1366 = tpu.memref_slice %arg7[%dma_wait3A_1359, %dma_wait3A_1365] : memref<16x128xi32, #tpu.memory_space<vmem>> -> memref<1x128xi32, #tpu.memory_space<vmem>>
        %dma_wait3A_1367 = tpu.memref_squeeze %dma_wait3A_1366 : memref<1x128xi32, #tpu.memory_space<vmem>> -> memref<128xi32, #tpu.memory_space<vmem>>
        %dma_wait3A_1368 = arith.constant 0 : i32
        %dma_wait3A_1369 = arith.constant 0 : i32
        %dma_wait3A_1370 = tpu.memref_slice %arg2[%dma_wait3A_1368, %dma_wait3A_1369] : memref<10000x128xf32, #tpu.memory_space<hbm>> -> memref<10000x128xf32, #tpu.memory_space<hbm>>
        tpu.wait_indirect_dma semaphore(%arg11 : memref<!tpu.dma_semaphore, #tpu.memory_space<semaphore_mem>>) src(%dma_wait3A_1370 : memref<10000x128xf32, #tpu.memory_space<hbm>>) dst(%dma_wait3A_1364 : memref<128x128xf32, #tpu.memory_space<vmem>>)
        %get3A_1371 = arith.constant 14 : i32
        %get3A_1372 = arith.index_cast %get3A_1371 : i32 to index
        %get3A_1373 = arith.constant 0 : index
        %get3A_1374 = tpu.vector_load %arg6[%get3A_1372, %get3A_1373] {strides = array<i32>} : memref<16x128xi32, #tpu.memory_space<vmem>>, vector<16xi32>,
        tpu.vector_store_idx %arg9[%get3A_1374], %broadcast_in_dim3A_160 {add = true} : memref<10240xf32, #tpu.memory_space<vmem>>[vector<16xi32>], vector<16xf32>,
        %get3A_1375 = arith.constant 14 : i32
        %get3A_1376 = arith.index_cast %get3A_1375 : i32 to index
        %get3A_1377 = arith.constant 16 : index
        %get3A_1378 = tpu.vector_load %arg6[%get3A_1376, %get3A_1377] {strides = array<i32>} : memref<16x128xi32, #tpu.memory_space<vmem>>, vector<16xi32>,
        tpu.vector_store_idx %arg9[%get3A_1378], %broadcast_in_dim3A_160 {add = true} : memref<10240xf32, #tpu.memory_space<vmem>>[vector<16xi32>], vector<16xf32>,
        %get3A_1379 = arith.constant 14 : i32
        %get3A_1380 = arith.index_cast %get3A_1379 : i32 to index
        %get3A_1381 = arith.constant 32 : index
        %get3A_1382 = tpu.vector_load %arg6[%get3A_1380, %get3A_1381] {strides = array<i32>} : memref<16x128xi32, #tpu.memory_space<vmem>>, vector<16xi32>,
        tpu.vector_store_idx %arg9[%get3A_1382], %broadcast_in_dim3A_160 {add = true} : memref<10240xf32, #tpu.memory_space<vmem>>[vector<16xi32>], vector<16xf32>,
        %get3A_1383 = arith.constant 14 : i32
        %get3A_1384 = arith.index_cast %get3A_1383 : i32 to index
        %get3A_1385 = arith.constant 48 : index
        %get3A_1386 = tpu.vector_load %arg6[%get3A_1384, %get3A_1385] {strides = array<i32>} : memref<16x128xi32, #tpu.memory_space<vmem>>, vector<16xi32>,
        tpu.vector_store_idx %arg9[%get3A_1386], %broadcast_in_dim3A_160 {add = true} : memref<10240xf32, #tpu.memory_space<vmem>>[vector<16xi32>], vector<16xf32>,
        %get3A_1387 = arith.constant 14 : i32
        %get3A_1388 = arith.index_cast %get3A_1387 : i32 to index
        %get3A_1389 = arith.constant 64 : index
        %get3A_1390 = tpu.vector_load %arg6[%get3A_1388, %get3A_1389] {strides = array<i32>} : memref<16x128xi32, #tpu.memory_space<vmem>>, vector<16xi32>,
        tpu.vector_store_idx %arg9[%get3A_1390], %broadcast_in_dim3A_160 {add = true} : memref<10240xf32, #tpu.memory_space<vmem>>[vector<16xi32>], vector<16xf32>,
        %get3A_1391 = arith.constant 14 : i32
        %get3A_1392 = arith.index_cast %get3A_1391 : i32 to index
        %get3A_1393 = arith.constant 80 : index
        %get3A_1394 = tpu.vector_load %arg6[%get3A_1392, %get3A_1393] {strides = array<i32>} : memref<16x128xi32, #tpu.memory_space<vmem>>, vector<16xi32>,
        tpu.vector_store_idx %arg9[%get3A_1394], %broadcast_in_dim3A_160 {add = true} : memref<10240xf32, #tpu.memory_space<vmem>>[vector<16xi32>], vector<16xf32>,
        %get3A_1395 = arith.constant 14 : i32
        %get3A_1396 = arith.index_cast %get3A_1395 : i32 to index
        %get3A_1397 = arith.constant 96 : index
        %get3A_1398 = tpu.vector_load %arg6[%get3A_1396, %get3A_1397] {strides = array<i32>} : memref<16x128xi32, #tpu.memory_space<vmem>>, vector<16xi32>,
        tpu.vector_store_idx %arg9[%get3A_1398], %broadcast_in_dim3A_160 {add = true} : memref<10240xf32, #tpu.memory_space<vmem>>[vector<16xi32>], vector<16xf32>,
        %get3A_1399 = arith.constant 14 : i32
        %get3A_1400 = arith.index_cast %get3A_1399 : i32 to index
        %get3A_1401 = arith.constant 112 : index
        %get3A_1402 = tpu.vector_load %arg6[%get3A_1400, %get3A_1401] {strides = array<i32>} : memref<16x128xi32, #tpu.memory_space<vmem>>, vector<16xi32>,
        tpu.vector_store_idx %arg9[%get3A_1402], %broadcast_in_dim3A_160 {add = true} : memref<10240xf32, #tpu.memory_space<vmem>>[vector<16xi32>], vector<16xf32>,
        %dma_wait3A_1403 = arith.constant 1 : i32
        %dma_wait3A_1404 = arith.constant 13 : i32
        %dma_wait3A_1405 = arith.constant 0 : i32
        %dma_wait3A_1406 = arith.constant 0 : i32
        %dma_wait3A_1407 = tpu.memref_slice %arg8[%dma_wait3A_1403, %dma_wait3A_1405, %dma_wait3A_1406] : memref<2x128x128xf32, #tpu.memory_space<vmem>> -> memref<1x128x128xf32, #tpu.memory_space<vmem>>
        %dma_wait3A_1408 = tpu.memref_squeeze %dma_wait3A_1407 : memref<1x128x128xf32, #tpu.memory_space<vmem>> -> memref<128x128xf32, #tpu.memory_space<vmem>>
        %dma_wait3A_1409 = arith.constant 0 : i32
        %dma_wait3A_1410 = tpu.memref_slice %arg6[%dma_wait3A_1404, %dma_wait3A_1409] : memref<16x128xi32, #tpu.memory_space<vmem>> -> memref<1x128xi32, #tpu.memory_space<vmem>>
        %dma_wait3A_1411 = tpu.memref_squeeze %dma_wait3A_1410 : memref<1x128xi32, #tpu.memory_space<vmem>> -> memref<128xi32, #tpu.memory_space<vmem>>
        %dma_wait3A_1412 = arith.constant 0 : i32
        %dma_wait3A_1413 = arith.constant 0 : i32
        %dma_wait3A_1414 = tpu.memref_slice %arg10[%dma_wait3A_1412, %dma_wait3A_1413] : memref<10240x128xf32, #tpu.memory_space<vmem_shared>> -> memref<10240x128xf32, #tpu.memory_space<vmem_shared>>
        tpu.wait_indirect_dma semaphore(%arg14 : memref<!tpu.dma_semaphore, #tpu.memory_space<semaphore_mem>>) src(%dma_wait3A_1408 : memref<128x128xf32, #tpu.memory_space<vmem>>) dst(%dma_wait3A_1414 : memref<10240x128xf32, #tpu.memory_space<vmem_shared>>)
        %dma_start3A_1415 = arith.constant 15 : i32
        %dma_start3A_1416 = arith.constant 1 : i32
        %dma_start3A_1417 = arith.constant 0 : i32
        %dma_start3A_1418 = arith.constant 0 : i32
        %dma_start3A_1419 = tpu.memref_slice %arg8[%dma_start3A_1416, %dma_start3A_1417, %dma_start3A_1418] : memref<2x128x128xf32, #tpu.memory_space<vmem>> -> memref<1x128x128xf32, #tpu.memory_space<vmem>>
        %dma_start3A_1420 = tpu.memref_squeeze %dma_start3A_1419 : memref<1x128x128xf32, #tpu.memory_space<vmem>> -> memref<128x128xf32, #tpu.memory_space<vmem>>
        %dma_start3A_1421 = arith.constant 0 : i32
        %dma_start3A_1422 = tpu.memref_slice %arg7[%dma_start3A_1415, %dma_start3A_1421] : memref<16x128xi32, #tpu.memory_space<vmem>> -> memref<1x128xi32, #tpu.memory_space<vmem>>
        %dma_start3A_1423 = tpu.memref_squeeze %dma_start3A_1422 : memref<1x128xi32, #tpu.memory_space<vmem>> -> memref<128xi32, #tpu.memory_space<vmem>>
        %dma_start3A_1424 = arith.constant 0 : i32
        %dma_start3A_1425 = arith.constant 0 : i32
        %dma_start3A_1426 = tpu.memref_slice %arg2[%dma_start3A_1424, %dma_start3A_1425] : memref<10000x128xf32, #tpu.memory_space<hbm>> -> memref<10000x128xf32, #tpu.memory_space<hbm>>
        tpu.enqueue_indirect_dma source(%dma_start3A_1426 : memref<10000x128xf32, #tpu.memory_space<hbm>>) target(%dma_start3A_1420 : memref<128x128xf32, #tpu.memory_space<vmem>>) offsets(%dma_start3A_1423 : memref<128xi32, #tpu.memory_space<vmem>>) semaphore(%arg12 : memref<!tpu.dma_semaphore, #tpu.memory_space<semaphore_mem>>)
        %dma_start3A_1427 = arith.constant 0 : i32
        %dma_start3A_1428 = arith.constant 14 : i32
        %dma_start3A_1429 = arith.constant 0 : i32
        %dma_start3A_1430 = arith.constant 0 : i32
        %dma_start3A_1431 = tpu.memref_slice %arg8[%dma_start3A_1427, %dma_start3A_1429, %dma_start3A_1430] : memref<2x128x128xf32, #tpu.memory_space<vmem>> -> memref<1x128x128xf32, #tpu.memory_space<vmem>>
        %dma_start3A_1432 = tpu.memref_squeeze %dma_start3A_1431 : memref<1x128x128xf32, #tpu.memory_space<vmem>> -> memref<128x128xf32, #tpu.memory_space<vmem>>
        %dma_start3A_1433 = arith.constant 0 : i32
        %dma_start3A_1434 = tpu.memref_slice %arg6[%dma_start3A_1428, %dma_start3A_1433] : memref<16x128xi32, #tpu.memory_space<vmem>> -> memref<1x128xi32, #tpu.memory_space<vmem>>
        %dma_start3A_1435 = tpu.memref_squeeze %dma_start3A_1434 : memref<1x128xi32, #tpu.memory_space<vmem>> -> memref<128xi32, #tpu.memory_space<vmem>>
        %dma_start3A_1436 = arith.constant 0 : i32
        %dma_start3A_1437 = arith.constant 0 : i32
        %dma_start3A_1438 = tpu.memref_slice %arg10[%dma_start3A_1436, %dma_start3A_1437] : memref<10240x128xf32, #tpu.memory_space<vmem_shared>> -> memref<10240x128xf32, #tpu.memory_space<vmem_shared>>
        tpu.enqueue_indirect_dma source(%dma_start3A_1432 : memref<128x128xf32, #tpu.memory_space<vmem>>) target(%dma_start3A_1438 : memref<10240x128xf32, #tpu.memory_space<vmem_shared>>) offsets(%dma_start3A_1435 : memref<128xi32, #tpu.memory_space<vmem>>) semaphore(%arg13 : memref<!tpu.dma_semaphore, #tpu.memory_space<semaphore_mem>>) {add = true}
        %dma_wait3A_1439 = arith.constant 15 : i32
        %dma_wait3A_1440 = arith.constant 1 : i32
        %dma_wait3A_1441 = arith.constant 0 : i32
        %dma_wait3A_1442 = arith.constant 0 : i32
        %dma_wait3A_1443 = tpu.memref_slice %arg8[%dma_wait3A_1440, %dma_wait3A_1441, %dma_wait3A_1442] : memref<2x128x128xf32, #tpu.memory_space<vmem>> -> memref<1x128x128xf32, #tpu.memory_space<vmem>>
        %dma_wait3A_1444 = tpu.memref_squeeze %dma_wait3A_1443 : memref<1x128x128xf32, #tpu.memory_space<vmem>> -> memref<128x128xf32, #tpu.memory_space<vmem>>
        %dma_wait3A_1445 = arith.constant 0 : i32
        %dma_wait3A_1446 = tpu.memref_slice %arg7[%dma_wait3A_1439, %dma_wait3A_1445] : memref<16x128xi32, #tpu.memory_space<vmem>> -> memref<1x128xi32, #tpu.memory_space<vmem>>
        %dma_wait3A_1447 = tpu.memref_squeeze %dma_wait3A_1446 : memref<1x128xi32, #tpu.memory_space<vmem>> -> memref<128xi32, #tpu.memory_space<vmem>>
        %dma_wait3A_1448 = arith.constant 0 : i32
        %dma_wait3A_1449 = arith.constant 0 : i32
        %dma_wait3A_1450 = tpu.memref_slice %arg2[%dma_wait3A_1448, %dma_wait3A_1449] : memref<10000x128xf32, #tpu.memory_space<hbm>> -> memref<10000x128xf32, #tpu.memory_space<hbm>>
        tpu.wait_indirect_dma semaphore(%arg12 : memref<!tpu.dma_semaphore, #tpu.memory_space<semaphore_mem>>) src(%dma_wait3A_1450 : memref<10000x128xf32, #tpu.memory_space<hbm>>) dst(%dma_wait3A_1444 : memref<128x128xf32, #tpu.memory_space<vmem>>)
        %get3A_1451 = arith.constant 15 : i32
        %get3A_1452 = arith.index_cast %get3A_1451 : i32 to index
        %get3A_1453 = arith.constant 0 : index
        %get3A_1454 = tpu.vector_load %arg6[%get3A_1452, %get3A_1453] {strides = array<i32>} : memref<16x128xi32, #tpu.memory_space<vmem>>, vector<16xi32>,
        tpu.vector_store_idx %arg9[%get3A_1454], %broadcast_in_dim3A_160 {add = true} : memref<10240xf32, #tpu.memory_space<vmem>>[vector<16xi32>], vector<16xf32>,
        %get3A_1455 = arith.constant 15 : i32
        %get3A_1456 = arith.index_cast %get3A_1455 : i32 to index
        %get3A_1457 = arith.constant 16 : index
        %get3A_1458 = tpu.vector_load %arg6[%get3A_1456, %get3A_1457] {strides = array<i32>} : memref<16x128xi32, #tpu.memory_space<vmem>>, vector<16xi32>,
        tpu.vector_store_idx %arg9[%get3A_1458], %broadcast_in_dim3A_160 {add = true} : memref<10240xf32, #tpu.memory_space<vmem>>[vector<16xi32>], vector<16xf32>,
        %get3A_1459 = arith.constant 15 : i32
        %get3A_1460 = arith.index_cast %get3A_1459 : i32 to index
        %get3A_1461 = arith.constant 32 : index
        %get3A_1462 = tpu.vector_load %arg6[%get3A_1460, %get3A_1461] {strides = array<i32>} : memref<16x128xi32, #tpu.memory_space<vmem>>, vector<16xi32>,
        tpu.vector_store_idx %arg9[%get3A_1462], %broadcast_in_dim3A_160 {add = true} : memref<10240xf32, #tpu.memory_space<vmem>>[vector<16xi32>], vector<16xf32>,
        %get3A_1463 = arith.constant 15 : i32
        %get3A_1464 = arith.index_cast %get3A_1463 : i32 to index
        %get3A_1465 = arith.constant 48 : index
        %get3A_1466 = tpu.vector_load %arg6[%get3A_1464, %get3A_1465] {strides = array<i32>} : memref<16x128xi32, #tpu.memory_space<vmem>>, vector<16xi32>,
        tpu.vector_store_idx %arg9[%get3A_1466], %broadcast_in_dim3A_160 {add = true} : memref<10240xf32, #tpu.memory_space<vmem>>[vector<16xi32>], vector<16xf32>,
        %get3A_1467 = arith.constant 15 : i32
        %get3A_1468 = arith.index_cast %get3A_1467 : i32 to index
        %get3A_1469 = arith.constant 64 : index
        %get3A_1470 = tpu.vector_load %arg6[%get3A_1468, %get3A_1469] {strides = array<i32>} : memref<16x128xi32, #tpu.memory_space<vmem>>, vector<16xi32>,
        tpu.vector_store_idx %arg9[%get3A_1470], %broadcast_in_dim3A_160 {add = true} : memref<10240xf32, #tpu.memory_space<vmem>>[vector<16xi32>], vector<16xf32>,
        %get3A_1471 = arith.constant 15 : i32
        %get3A_1472 = arith.index_cast %get3A_1471 : i32 to index
        %get3A_1473 = arith.constant 80 : index
        %get3A_1474 = tpu.vector_load %arg6[%get3A_1472, %get3A_1473] {strides = array<i32>} : memref<16x128xi32, #tpu.memory_space<vmem>>, vector<16xi32>,
        tpu.vector_store_idx %arg9[%get3A_1474], %broadcast_in_dim3A_160 {add = true} : memref<10240xf32, #tpu.memory_space<vmem>>[vector<16xi32>], vector<16xf32>,
        %get3A_1475 = arith.constant 15 : i32
        %get3A_1476 = arith.index_cast %get3A_1475 : i32 to index
        %get3A_1477 = arith.constant 96 : index
        %get3A_1478 = tpu.vector_load %arg6[%get3A_1476, %get3A_1477] {strides = array<i32>} : memref<16x128xi32, #tpu.memory_space<vmem>>, vector<16xi32>,
        tpu.vector_store_idx %arg9[%get3A_1478], %broadcast_in_dim3A_160 {add = true} : memref<10240xf32, #tpu.memory_space<vmem>>[vector<16xi32>], vector<16xf32>,
        %get3A_1479 = arith.constant 15 : i32
        %get3A_1480 = arith.index_cast %get3A_1479 : i32 to index
        %get3A_1481 = arith.constant 112 : index
        %get3A_1482 = tpu.vector_load %arg6[%get3A_1480, %get3A_1481] {strides = array<i32>} : memref<16x128xi32, #tpu.memory_space<vmem>>, vector<16xi32>,
        tpu.vector_store_idx %arg9[%get3A_1482], %broadcast_in_dim3A_160 {add = true} : memref<10240xf32, #tpu.memory_space<vmem>>[vector<16xi32>], vector<16xf32>,
        %dma_start3A_1483 = arith.constant 1 : i32
        %dma_start3A_1484 = arith.constant 15 : i32
        %dma_start3A_1485 = arith.constant 0 : i32
        %dma_start3A_1486 = arith.constant 0 : i32
        %dma_start3A_1487 = tpu.memref_slice %arg8[%dma_start3A_1483, %dma_start3A_1485, %dma_start3A_1486] : memref<2x128x128xf32, #tpu.memory_space<vmem>> -> memref<1x128x128xf32, #tpu.memory_space<vmem>>
        %dma_start3A_1488 = tpu.memref_squeeze %dma_start3A_1487 : memref<1x128x128xf32, #tpu.memory_space<vmem>> -> memref<128x128xf32, #tpu.memory_space<vmem>>
        %dma_start3A_1489 = arith.constant 0 : i32
        %dma_start3A_1490 = tpu.memref_slice %arg6[%dma_start3A_1484, %dma_start3A_1489] : memref<16x128xi32, #tpu.memory_space<vmem>> -> memref<1x128xi32, #tpu.memory_space<vmem>>
        %dma_start3A_1491 = tpu.memref_squeeze %dma_start3A_1490 : memref<1x128xi32, #tpu.memory_space<vmem>> -> memref<128xi32, #tpu.memory_space<vmem>>
        %dma_start3A_1492 = arith.constant 0 : i32
        %dma_start3A_1493 = arith.constant 0 : i32
        %dma_start3A_1494 = tpu.memref_slice %arg10[%dma_start3A_1492, %dma_start3A_1493] : memref<10240x128xf32, #tpu.memory_space<vmem_shared>> -> memref<10240x128xf32, #tpu.memory_space<vmem_shared>>
        tpu.enqueue_indirect_dma source(%dma_start3A_1488 : memref<128x128xf32, #tpu.memory_space<vmem>>) target(%dma_start3A_1494 : memref<10240x128xf32, #tpu.memory_space<vmem_shared>>) offsets(%dma_start3A_1491 : memref<128xi32, #tpu.memory_space<vmem>>) semaphore(%arg14 : memref<!tpu.dma_semaphore, #tpu.memory_space<semaphore_mem>>) {add = true}
        %dma_wait3A_1495 = arith.constant 0 : i32
        %dma_wait3A_1496 = arith.constant 14 : i32
        %dma_wait3A_1497 = arith.constant 0 : i32
        %dma_wait3A_1498 = arith.constant 0 : i32
        %dma_wait3A_1499 = tpu.memref_slice %arg8[%dma_wait3A_1495, %dma_wait3A_1497, %dma_wait3A_1498] : memref<2x128x128xf32, #tpu.memory_space<vmem>> -> memref<1x128x128xf32, #tpu.memory_space<vmem>>
        %dma_wait3A_1500 = tpu.memref_squeeze %dma_wait3A_1499 : memref<1x128x128xf32, #tpu.memory_space<vmem>> -> memref<128x128xf32, #tpu.memory_space<vmem>>
        %dma_wait3A_1501 = arith.constant 0 : i32
        %dma_wait3A_1502 = tpu.memref_slice %arg6[%dma_wait3A_1496, %dma_wait3A_1501] : memref<16x128xi32, #tpu.memory_space<vmem>> -> memref<1x128xi32, #tpu.memory_space<vmem>>
        %dma_wait3A_1503 = tpu.memref_squeeze %dma_wait3A_1502 : memref<1x128xi32, #tpu.memory_space<vmem>> -> memref<128xi32, #tpu.memory_space<vmem>>
        %dma_wait3A_1504 = arith.constant 0 : i32
        %dma_wait3A_1505 = arith.constant 0 : i32
        %dma_wait3A_1506 = tpu.memref_slice %arg10[%dma_wait3A_1504, %dma_wait3A_1505] : memref<10240x128xf32, #tpu.memory_space<vmem_shared>> -> memref<10240x128xf32, #tpu.memory_space<vmem_shared>>
        tpu.wait_indirect_dma semaphore(%arg13 : memref<!tpu.dma_semaphore, #tpu.memory_space<semaphore_mem>>) src(%dma_wait3A_1500 : memref<128x128xf32, #tpu.memory_space<vmem>>) dst(%dma_wait3A_1506 : memref<10240x128xf32, #tpu.memory_space<vmem_shared>>)
        %dma_wait3A_1507 = arith.constant 1 : i32
        %dma_wait3A_1508 = arith.constant 15 : i32
        %dma_wait3A_1509 = arith.constant 0 : i32
        %dma_wait3A_1510 = arith.constant 0 : i32
        %dma_wait3A_1511 = tpu.memref_slice %arg8[%dma_wait3A_1507, %dma_wait3A_1509, %dma_wait3A_1510] : memref<2x128x128xf32, #tpu.memory_space<vmem>> -> memref<1x128x128xf32, #tpu.memory_space<vmem>>
        %dma_wait3A_1512 = tpu.memref_squeeze %dma_wait3A_1511 : memref<1x128x128xf32, #tpu.memory_space<vmem>> -> memref<128x128xf32, #tpu.memory_space<vmem>>
        %dma_wait3A_1513 = arith.constant 0 : i32
        %dma_wait3A_1514 = tpu.memref_slice %arg6[%dma_wait3A_1508, %dma_wait3A_1513] : memref<16x128xi32, #tpu.memory_space<vmem>> -> memref<1x128xi32, #tpu.memory_space<vmem>>
        %dma_wait3A_1515 = tpu.memref_squeeze %dma_wait3A_1514 : memref<1x128xi32, #tpu.memory_space<vmem>> -> memref<128xi32, #tpu.memory_space<vmem>>
        %dma_wait3A_1516 = arith.constant 0 : i32
        %dma_wait3A_1517 = arith.constant 0 : i32
        %dma_wait3A_1518 = tpu.memref_slice %arg10[%dma_wait3A_1516, %dma_wait3A_1517] : memref<10240x128xf32, #tpu.memory_space<vmem_shared>> -> memref<10240x128xf32, #tpu.memory_space<vmem_shared>>
        tpu.wait_indirect_dma semaphore(%arg14 : memref<!tpu.dma_semaphore, #tpu.memory_space<semaphore_mem>>) src(%dma_wait3A_1512 : memref<128x128xf32, #tpu.memory_space<vmem>>) dst(%dma_wait3A_1518 : memref<10240x128xf32, #tpu.memory_space<vmem_shared>>)
      } else {
      }
    }
    %scan3A_174 = arith.constant 5 : i32
    %barrier3A_175 = arith.constant 0 : index
    tpu.barrier barrier_id(%barrier3A_175)
    %mul3A_176 = arith.constant 640 : i32
    %mul3A_177 = arith.muli %arg1, %mul3A_176 : i32
    %mul3A_178 = arith.constant 640 : i32
    %mul3A_179 = arith.muli %arg1, %mul3A_178 : i32
    "tpu.region"() ({
      %run_scoped3A = tpu.sem_alloc : memref<!tpu.dma_semaphore, #tpu.memory_space<semaphore_mem>>
      %dma_start3A_180 = arith.constant 0 : i32
      %dma_start3A_181 = arith.constant 0 : i32
      %dma_start3A_182 = tpu.memref_slice %arg4[%arg0, %dma_start3A_180, %dma_start3A_181] : memref<2x10240x128xf32, #tpu.memory_space<hbm>> -> memref<1x10240x128xf32, #tpu.memory_space<hbm>>
      %dma_start3A_183 = tpu.memref_squeeze %dma_start3A_182 : memref<1x10240x128xf32, #tpu.memory_space<hbm>> -> memref<10240x128xf32, #tpu.memory_space<hbm>>
      %dma_start3A_184 = arith.constant 0 : i32
      %dma_start3A_185 = tpu.memref_slice %dma_start3A_183[%mul3A_179, %dma_start3A_184] : memref<10240x128xf32, #tpu.memory_space<hbm>> -> memref<640x128xf32, #tpu.memory_space<hbm>>
      %dma_start3A_186 = arith.constant 0 : i32
      %dma_start3A_187 = tpu.memref_slice %arg10[%mul3A_177, %dma_start3A_186] : memref<10240x128xf32, #tpu.memory_space<vmem_shared>> -> memref<640x128xf32, #tpu.memory_space<vmem_shared>>
      tpu.enqueue_dma source(%dma_start3A_187 : memref<640x128xf32, #tpu.memory_space<vmem_shared>>) target(%dma_start3A_185 : memref<640x128xf32, #tpu.memory_space<hbm>>) target_semaphore(%run_scoped3A : memref<!tpu.dma_semaphore, #tpu.memory_space<semaphore_mem>>)
      %dma_wait3A_188 = arith.constant 0 : i32
      %dma_wait3A_189 = arith.constant 0 : i32
      %dma_wait3A_190 = tpu.memref_slice %arg4[%arg0, %dma_wait3A_188, %dma_wait3A_189] : memref<2x10240x128xf32, #tpu.memory_space<hbm>> -> memref<1x10240x128xf32, #tpu.memory_space<hbm>>
      %dma_wait3A_191 = tpu.memref_squeeze %dma_wait3A_190 : memref<1x10240x128xf32, #tpu.memory_space<hbm>> -> memref<10240x128xf32, #tpu.memory_space<hbm>>
      %dma_wait3A_192 = arith.constant 0 : i32
      %dma_wait3A_193 = tpu.memref_slice %dma_wait3A_191[%mul3A_179, %dma_wait3A_192] : memref<10240x128xf32, #tpu.memory_space<hbm>> -> memref<640x128xf32, #tpu.memory_space<hbm>>
      %dma_wait3A_194 = arith.constant 0 : i32
      %dma_wait3A_195 = tpu.memref_slice %arg10[%mul3A_177, %dma_wait3A_194] : memref<10240x128xf32, #tpu.memory_space<vmem_shared>> -> memref<640x128xf32, #tpu.memory_space<vmem_shared>>
      tpu.wait_dma2 semaphore(%run_scoped3A : memref<!tpu.dma_semaphore, #tpu.memory_space<semaphore_mem>>) src(%dma_wait3A_195 : memref<640x128xf32, #tpu.memory_space<vmem_shared>>) dst(%dma_wait3A_193 : memref<640x128xf32, #tpu.memory_space<hbm>>)
      tpu.yield
    }) : () -> ()
    "tpu.region"() ({
      %run_scoped3A = tpu.sem_alloc : memref<!tpu.dma_semaphore, #tpu.memory_space<semaphore_mem>>
      %dma_start3A_180 = arith.constant 0 : i32
      %dma_start3A_181 = tpu.memref_slice %arg5[%add3A, %dma_start3A_180] : memref<32x10240xf32, #tpu.memory_space<hbm>> -> memref<1x10240xf32, #tpu.memory_space<hbm>>
      %dma_start3A_182 = tpu.memref_squeeze %dma_start3A_181 : memref<1x10240xf32, #tpu.memory_space<hbm>> -> memref<10240xf32, #tpu.memory_space<hbm>>
      %dma_start3A_183 = arith.constant 0 : i32
      %dma_start3A_184 = tpu.memref_slice %arg5[%add3A, %dma_start3A_183] : memref<32x10240xf32, #tpu.memory_space<hbm>> -> memref<1x10240xf32, #tpu.memory_space<hbm>>
      %dma_start3A_185 = tpu.memref_squeeze %dma_start3A_184 : memref<1x10240xf32, #tpu.memory_space<hbm>> -> memref<10240xf32, #tpu.memory_space<hbm>>
      tpu.enqueue_dma source(%arg9 : memref<10240xf32, #tpu.memory_space<vmem>>) target(%dma_start3A_185 : memref<10240xf32, #tpu.memory_space<hbm>>) target_semaphore(%run_scoped3A : memref<!tpu.dma_semaphore, #tpu.memory_space<semaphore_mem>>)
      %dma_wait3A_186 = arith.constant 0 : i32
      %dma_wait3A_187 = tpu.memref_slice %arg5[%add3A, %dma_wait3A_186] : memref<32x10240xf32, #tpu.memory_space<hbm>> -> memref<1x10240xf32, #tpu.memory_space<hbm>>
      %dma_wait3A_188 = tpu.memref_squeeze %dma_wait3A_187 : memref<1x10240xf32, #tpu.memory_space<hbm>> -> memref<10240xf32, #tpu.memory_space<hbm>>
      %dma_wait3A_189 = arith.constant 0 : i32
      %dma_wait3A_190 = tpu.memref_slice %arg5[%add3A, %dma_wait3A_189] : memref<32x10240xf32, #tpu.memory_space<hbm>> -> memref<1x10240xf32, #tpu.memory_space<hbm>>
      %dma_wait3A_191 = tpu.memref_squeeze %dma_wait3A_190 : memref<1x10240xf32, #tpu.memory_space<hbm>> -> memref<10240xf32, #tpu.memory_space<hbm>>
      tpu.wait_dma2 semaphore(%run_scoped3A : memref<!tpu.dma_semaphore, #tpu.memory_space<semaphore_mem>>) src(%arg9 : memref<10240xf32, #tpu.memory_space<vmem>>) dst(%dma_wait3A_191 : memref<10240xf32, #tpu.memory_space<hbm>>)
      tpu.yield
    }) : () -> ()
    return
  }
}

module attributes {stable_mosaic.version = 14 : i64} {
  func.func @body(%arg0: i32, %arg1: memref<2x1280x128xf32, #tpu.memory_space<vmem>>, %arg2: memref<32x1280xf32, #tpu.memory_space<vmem>>, %arg3: memref<128x128xf32, #tpu.memory_space<vmem>>, %arg4: memref<1280x128xf32, #tpu.memory_space<vmem>>) attributes {dimension_semantics = [#tpu.dimension_semantics<arbitrary>], iteration_bounds = array<i64: 8>, scalar_prefetch = 0 : i64, scratch_operands = 0 : i64, tpu.core_type = #tpu.core_type<tc>, window_params = [{transform_indices = @transform_0, window_bounds = array<i64: 2, 1280, 128>}, {transform_indices = @transform_1, window_bounds = array<i64: 32, 1280>}, {pipeline_mode = #tpu.pipeline_mode<synchronous>, transform_indices = @transform_2, window_bounds = array<i64: 128, 128>}, {transform_indices = @transform_3, window_bounds = array<i64: 1280, 128>}]} {
    %get3A = arith.constant 0 : index
    %get3A_0 = arith.constant 0 : index
    %get3A_1 = arith.constant 0 : index
    %get3A_2 = vector.load %arg1[%get3A, %get3A_0, %get3A_1] : memref<2x1280x128xf32, #tpu.memory_space<vmem>>, vector<1x1280x128xf32>
    %get3A_3 = vector.shape_cast %get3A_2 : vector<1x1280x128xf32> to vector<1280x128xf32>
    %get3A_4 = arith.constant 1 : index
    %get3A_5 = arith.constant 0 : index
    %get3A_6 = arith.constant 0 : index
    %get3A_7 = vector.load %arg1[%get3A_4, %get3A_5, %get3A_6] : memref<2x1280x128xf32, #tpu.memory_space<vmem>>, vector<1x1280x128xf32>
    %get3A_8 = vector.shape_cast %get3A_7 : vector<1x1280x128xf32> to vector<1280x128xf32>
    %add3A = arith.addf %get3A_3, %get3A_8 : vector<1280x128xf32>
    %get3A_9 = arith.constant 0 : index
    %get3A_10 = arith.constant 0 : index
    %get3A_11 = vector.load %arg2[%get3A_9, %get3A_10] : memref<32x1280xf32, #tpu.memory_space<vmem>>, vector<32x1280xf32>
    %reduce_sum3A = arith.constant dense<0.000000e+00> : vector<1280xf32>
    %reduce_sum3A_12 = vector.multi_reduction <add>, %get3A_11, %reduce_sum3A [0] : vector<32x1280xf32> to vector<1280xf32>
    %max3A = arith.constant 1.000000e+00 : f32
    %max3A_13 = vector.broadcast %max3A : f32 to vector<1280xf32>
    %max3A_14 = arith.maximumf %reduce_sum3A_12, %max3A_13 : vector<1280xf32>
    %div3A = arith.constant 1.000000e+00 : f32
    %div3A_15 = vector.broadcast %div3A : f32 to vector<1280xf32>
    %div3A_16 = arith.divf %div3A_15, %max3A_14 : vector<1280xf32>
    %broadcast_in_dim3A = vector.shape_cast %div3A_16 : vector<1280xf32> to vector<1280x1xf32>
    %mul3A = vector.broadcast %broadcast_in_dim3A : vector<1280x1xf32> to vector<1280x128xf32>
    %mul3A_17 = arith.mulf %add3A, %mul3A : vector<1280x128xf32>
    %get3A_18 = arith.constant 0 : index
    %get3A_19 = arith.constant 0 : index
    %get3A_20 = vector.load %arg3[%get3A_18, %get3A_19] : memref<128x128xf32, #tpu.memory_space<vmem>>, vector<128x128xf32>
    %dot_general3A = arith.constant dense<0.000000e+00> : vector<1280x128xf32>
    %dot_general3A_21 = tpu.matmul %mul3A_17, %get3A_20, %dot_general3A {dimension_numbers = #tpu.dot_dimension_numbers<[1], [0], [0], [1], [0, 0, 1, 1], [], []>, precision = #tpu.contract_precision<fp32>, transpose_lhs_hint = false} : vector<1280x128xf32>, vector<128x128xf32>, vector<1280x128xf32> -> vector<1280x128xf32>
    %gt3A = arith.constant 0.000000e+00 : f32
    %gt3A_22 = vector.broadcast %gt3A : f32 to vector<1280x128xf32>
    %gt3A_23 = arith.cmpf ogt, %dot_general3A_21, %gt3A_22 : vector<1280x128xf32>
    %exp3A = math.exp %dot_general3A_21 : vector<1280x128xf32>
    %sub3A = arith.constant 1.000000e+00 : f32
    %sub3A_24 = vector.broadcast %sub3A : f32 to vector<1280x128xf32>
    %sub3A_25 = arith.subf %exp3A, %sub3A_24 : vector<1280x128xf32>
    %select_n3A = arith.select %gt3A_23, %dot_general3A_21, %sub3A_25 : vector<1280x128xi1>, vector<1280x128xf32>
    %swap3A = arith.constant 0 : index
    %swap3A_26 = arith.constant 0 : index
    %swap3A_27 = vector.load %arg4[%swap3A, %swap3A_26] : memref<1280x128xf32, #tpu.memory_space<vmem>>, vector<1280x128xf32>
    tpu.vector_store %arg4[%swap3A, %swap3A_26], %select_n3A {strides = array<i32>} : memref<1280x128xf32, #tpu.memory_space<vmem>>, vector<1280x128xf32>,
    return
  }
  func.func @transform_0(%arg0: i32) -> (i32, i32, i32) {
    %c0_i32 = arith.constant 0 : i32
    %c0_i32_0 = arith.constant 0 : i32
    %c0_i32_1 = arith.constant 0 : i32
    return %c0_i32, %arg0, %c0_i32_0 : i32, i32, i32
  }
  func.func @transform_1(%arg0: i32) -> (i32, i32) {
    %c0_i32 = arith.constant 0 : i32
    %c0_i32_0 = arith.constant 0 : i32
    return %c0_i32, %arg0 : i32, i32
  }
  func.func @transform_2(%arg0: i32) -> (i32, i32) {
    %c0_i32 = arith.constant 0 : i32
    %c0_i32_0 = arith.constant 0 : i32
    %c0_i32_1 = arith.constant 0 : i32
    return %c0_i32, %c0_i32_0 : i32, i32
  }
  func.func @transform_3(%arg0: i32) -> (i32, i32) {
    %c0_i32 = arith.constant 0 : i32
    %c0_i32_0 = arith.constant 0 : i32
    return %arg0, %c0_i32 : i32, i32
  }
}

</mosaic_0001>

<sc_bundles>
// kernel: kernel.4.cloned.1.call-start
scs
__scs_entry_jumppad:
0x0: {  	(pc) =	sbr.rel $0x88, $3  }
0x1: {  	(tag) =	ssettag $0x0;
	lr =	simm.s32 $0x1  }
0x2: {  	[smem:$0x3F9E] =	sst lr;
	_ =	strace $0xD0000000  }
0x3: {  	_ = 	snop  }
0x4: {  	_ = 	snop  }
0x5: {  	_ = 	snop  }
0x6: {  	_ = 	snop  }
0x7: {  	_ = 	snop  }
__scs_overlays_trampoline_lowered:
0x8: {  	[smem:$0x3FAD] =	sst s0  }
0x9: {  	[smem:$0x3FAE] =	sst s1  }
0xa: {  	[smem:$0x3FAF] =	sst s2  }
0xb: {  	[smem:$0x3FB0] =	sst s3  }
0xc: {  	[smem:$0x3FB1] =	sst s4  }
0xd: {  	[smem:$0x3FB2] =	sst s5  }
0xe: {  	[smem:$0x3FB3] =	sst s6  }
0xf: {  	[smem:$0x3FB4] =	sst s7  }
0x10: {  	[smem:$0x3FB5] =	sst s8  }
0x11: {  	[smem:$0x3FB6] =	sst s9;
	s0 =	simm.s32 @!p0 $0x0  }
0x12: {  	s1 =	sld [smem:$0x3F9C];
	s0 =	simm.s32 @p0 $0x1  }
0x13: {  	[smem:$0x3FB7] =	sst s0;
	s0 =	simm.s32 @!p1 $0x0  }
0x14: {  	s2 =	sld [smem:$0x3F9B];
	s0 =	simm.s32 @p1 $0x1  }
0x15: {  	[smem:$0x3FB8] =	sst s0;
	s0 =	simm.s32 @!p2 $0x0  }
0x16: {  	s3 =	sld [smem:$0x3FDB];
	s0 =	simm.s32 @p2 $0x1  }
0x17: {  	s4 =	simm.s32 $0x1BF5;
	[smem:$0x3FBA] =	sst s0  }
0x18: {  	s0 =	sld [smem:$0x3F9D];
	_ =	swait.ge [sflag:s4], $0x0  }
0x19: {  	s7 =	sld [smem:$0x3F9E]  }
0x1a: {  	s8 =	sadd.s32 $0xFFFFE003, lr  }
0x1b: {  	s9 =	sadd.s32 $0xFFFFFEF7, lr;
	s5 =	simm.s32 $0xFFFFFFFF;
	p2 =	slt.u32 s8, $0xFFFFF086  }
0x1c: {  	p1 =	slt.u32 s9, $0xF7A;
	s5 =	simm.s32 @!p2 $0x0  }
0x1d: {  	s5 =	simm.s32 @p1 $0x1;
	p0 =	seq.s32 s7, s2  }
0x1e: {  	s7 =	smul.u32 @!p0 $0xF7A, s2;
	p2 =	seq.s32 @!p0 s5, $0x0  }
0x1f: {  	s9 =	smul.u32 $0xF7A, s1;
	s8 =	simm.s32 @!p0 $0x1BF5;
	p2 =	por !p2, p0  }
0x20: {  	[sflag:s8] =	ssyncset.s32 @!p0 $0xFFFFF086;
	s6 =	sadd.s32 @!p0 s3, s7;
	s7 =	simm.s32 @!p0 $0x108  }
0x21: {  	s3 =	sadd.s32 s3, s9;
	s6 =	sadd.s32 @!p0 $0x88, s6;
	s7 =	simm.s32 @p2 $0x1082  }
0x22: {  	[simem:s7], [sflag:s8] =	dma.local @!p0 [hbm:s6], $0xF7A  }
0x23: {  	s9 =	sor.u32 $0xD0000000, s2;
	s6 =	simm.s32 $0x108;
	_ =	swait.ge @!p0 [sflag:s8], $0x0  }
0x24: {  	s3 =	sadd.s32 $0x88, s3;
	s6 =	simm.s32 @!p1 $0x1082;
	[sflag:s4] =	ssyncset.s32 $0xFFFFF086  }
0x25: {  	[simem:s6], [sflag:s4] =	dma.local [hbm:s3], $0xF7A  }
0x26: {  	[smem:$0x3F9E] =	sst s1;
	(tag) =	ssettag s2;
	_ =	strace s9  }
0x27: {  	s1 =	sld [smem:$0x3FAE]  }
0x28: {  	s2 =	sld [smem:$0x3FAF]  }
0x29: {  	s4 =	sld [smem:$0x3FB1]  }
0x2a: {  	p0 =	seq.s32 s5, $0x0;
	s5 =	sld [smem:$0x3FB2]  }
0x2b: {  	s6 =	sld [smem:$0x3FB3]  }
0x2c: {  	s7 =	sld [smem:$0x3FB4]  }
0x2d: {  	s3 =	simm.s32 $0x108;
	s8 =	sld [smem:$0x3FB5]  }
0x2e: {  	s3 =	simm.s32 @!p0 $0x1082;
	s9 =	sld [smem:$0x3FB6]  }
0x2f: {  	lr =	sadd.s32 s0, s3;
	s0 =	sld [smem:$0x3FAD]  }
0x30: {  	s3 =	sld [smem:$0x3FB0]  }
0x31: {  	[smem:$0x3FB9] =	sst s10  }
0x32: {  	s10 =	sld [smem:$0x3FB7];
	_ =	sdelay $0x3  }
0x33: {  	p0 =	seq.s32 s10, $0x1;
	s10 =	sld [smem:$0x3FB9];
	_ =	sdelay $0x3  }
0x34: {  	[smem:$0x3FB9] =	sst s10  }
0x35: {  	s10 =	sld [smem:$0x3FB8];
	_ =	sdelay $0x3  }
0x36: {  	p1 =	seq.s32 s10, $0x1;
	s10 =	sld [smem:$0x3FB9];
	_ =	sdelay $0x3  }
0x37: {  	[smem:$0x3FB9] =	sst s10  }
0x38: {  	s10 =	sld [smem:$0x3FBA]  }
0x39: {  	_ = 	snop;
	(pc) =	sbr.ind lr, $3  }
0x3a: {  	_ = 	snop  }
0x3b: {  	_ = 	snop  }
0x3c: {  	p2 =	seq.s32 s10, $0x1;
	s10 =	sld [smem:$0x3FB9]  }
0x3d: {  	_ =	shalt  }
0x3e: {  	_ =	shalt  }
0x3f: {  	_ =	shalt  }
0x40: {  	_ =	shalt  }
0x41: {  	_ =	shalt  }
0x42: {  	_ =	shalt  }
0x43: {  	_ =	shalt  }
0x44: {  	_ =	shalt  }
0x45: {  	_ =	shalt  }
0x46: {  	_ =	shalt  }
0x47: {  	_ =	shalt  }
0x48: {  	_ =	shalt  }
0x49: {  	_ =	shalt  }
0x4a: {  	_ =	shalt  }
0x4b: {  	_ =	shalt  }
0x4c: {  	_ =	shalt  }
0x4d: {  	_ =	shalt  }
0x4e: {  	_ =	shalt  }
0x4f: {  	_ =	shalt  }
0x50: {  	_ =	shalt  }
0x51: {  	_ =	shalt  }
0x52: {  	_ =	shalt  }
0x53: {  	_ =	shalt  }
0x54: {  	_ =	shalt  }
0x55: {  	_ =	shalt  }
0x56: {  	_ =	shalt  }
0x57: {  	_ =	shalt  }
0x58: {  	_ =	shalt  }
0x59: {  	_ =	shalt  }
0x5a: {  	_ =	shalt  }
0x5b: {  	_ =	shalt  }
0x5c: {  	_ =	shalt  }
0x5d: {  	_ =	shalt  }
0x5e: {  	_ =	shalt  }
0x5f: {  	_ =	shalt  }
0x60: {  	_ =	shalt  }
0x61: {  	_ =	shalt  }
0x62: {  	_ =	shalt  }
0x63: {  	_ =	shalt  }
0x64: {  	_ =	shalt  }
0x65: {  	_ =	shalt  }
0x66: {  	_ =	shalt  }
0x67: {  	_ =	shalt  }
0x68: {  	_ =	shalt  }
0x69: {  	_ =	shalt  }
0x6a: {  	_ =	shalt  }
0x6b: {  	_ =	shalt  }
0x6c: {  	_ =	shalt  }
0x6d: {  	_ =	shalt  }
0x6e: {  	_ =	shalt  }
0x6f: {  	_ =	shalt  }
0x70: {  	_ =	shalt  }
0x71: {  	_ =	shalt  }
0x72: {  	_ =	shalt  }
0x73: {  	_ =	shalt  }
0x74: {  	_ =	shalt  }
0x75: {  	_ =	shalt  }
0x76: {  	_ =	shalt  }
0x77: {  	_ =	shalt  }
0x78: {  	_ =	shalt  }
0x79: {  	_ =	shalt  }
0x7a: {  	_ =	shalt  }
0x7b: {  	_ =	shalt  }
0x7c: {  	_ =	shalt  }
0x7d: {  	_ =	shalt  }
0x7e: {  	_ =	shalt  }
0x7f: {  	_ =	shalt  }
0x80: {  	_ =	shalt  }
0x81: {  	_ =	shalt  }
0x82: {  	_ =	shalt  }
0x83: {  	_ =	shalt  }
0x84: {  	_ =	shalt  }
0x85: {  	_ =	shalt  }
0x86: {  	_ =	shalt  }
0x87: {  	_ =	shalt  }
.Lfunc_end0:
.L_simem_size_0:
called_computation_lowered:
.L_overlay_start_0:
0x88: {  	s2 =	sld [smem:$0x3FD9]  }
0x89: {  	s3 =	sld [smem:$0x3FFE];
	_ =	sdelay $0x1  }
0x8a: {  	s1 =	srdreg.scid  }
0x8b: {  	s0 =	sand.u32 $0x1, s1  }
0x8c: {  	s17 =	sshll.u32 s0, $0xA;
	s2 =	sadd.s32 s3, s2  }
0x8d: {  	s2 =	sadd.s32 s2, s17  }
0x8e: {  	[smem:$0x3FC5] =	sst s2  }
0x8f: {  	_ = 	snop  }
0x90: {  	s2 =	sld [smem:$0x3FC9]  }
0x91: {  	s18 =	sld [smem:$0x3FD0];
	(tm) =	ssettm $0x1  }
0x92: {  	s4 =	sld [smem:$0x3FFB];
	_ =	sdelay $0x3  }
0x93: {  	_ =	strace s4  }
0x94: {  	s4 =	sld [smem:$0x3FFC];
	_ =	sdelay $0x3  }
0x95: {  	_ =	strace s4  }
0x96: {  	s4 =	sld [smem:$0x3FFD];
	_ =	sdelay $0x3  }
0x97: {  	_ =	strace s4  }
0x98: {  	_ =	strace $0x8FFFFFFF  }
0x99: {  	s19 =	sld [smem:$0x3FDB];
	_ =	sdelay $0x1  }
0x9a: {  	s5 =	simm.s32 $_scs_section_size  }
0x9b: {  	s6 =	simm.s32 $_size__tile_overlayer_lowered;
	s7 =	simm.s32 $_tile_overlayer_lowered  }
0x9c: {  	s22 =	simm.s32 $0x1BFF;
	s21 =	sshll.u32 s7, $0x1;
	s4 =	sadd.s32 s5, s19  }
0x9d: {  	s8 =	simm.s32 $0x0;
	s20 =	sshll.u32 s6, $0x1;
	s6 =	sadd.s32 s21, s4  }
0x9e: {  	[timem:s8], [sflag:s22] =	dma.local [hbm:s6], s20  }
0x9f: {  	_ =	swait.ge [sflag:s22], s20  }
0xa0: {  	s5 =	ssub.s32 $0x0, s20;
	[sflag:s22] =	ssyncset.done $0x0  }
0xa1: {  	[sflag:s22] =	ssyncadd.s32 s5;
	_ =	sdelay $0x1  }
0xa2: {  	s23 =	simm.s32 $0x1B8B  }
0xa3: {  	_ =	swait.ge [sflag:s23], $0x1  }
0xa4: {  	[sflag:s23] =	ssyncset.done $0x0  }
0xa5: {  	s25 =	simm.s32 $0x1B8E;
	s24 =	sld [smem:$0x3FFE];
	[sflag:s23] =	ssyncadd.s32 $0xFFFFFFFF  }
0xa6: {  	s26 =	simm.s32 $execute0_lowered;
	[smem:$0x3FD2] =	sst s25  }
0xa7: {  	s6 =	sshll.u32 s26, $0x1;
	_ =	strace $0x80000046;
	[dreg:$0x1] =	wrdreg $0xFFFFFFFF  }
0xa8: {  	s28 =	simm.s32 $_size_execute0_lowered;
	s4 =	sadd.s32 s4, s6;
	[dreg:$0x0] =	wrdreg $0x0  }
0xa9: {  	s6 =	sshll.u32 s28, $0x1;
	[dreg:$0x2] =	wrdreg s4  }
0xaa: {  	[dreg:$0x3] =	wrdreg s6  }
0xab: {  	[dreg:$0x4] =	wrdreg $0xC0  }
0xac: {  	_ =	task [dreg:s8], $0x5FFFF  }
0xad: {  	[dreg:$0x1] =	wrdreg $0xFFFFFFFF  }
0xae: {  	[dreg:$0x0] =	wrdreg $0x60  }
0xaf: {  	[dreg:$0x2] =	wrdreg s2  }
0xb0: {  	[dreg:$0x3] =	wrdreg s18  }
0xb1: {  	[dreg:$0x4] =	wrdreg s24  }
0xb2: {  	[dreg:$0x5] =	wrdreg $0xB8000  }
0xb3: {  	[dreg:$0x6] =	wrdreg $0x9  }
0xb4: {  	_ =	task.clear_ibuf [dreg:s8], $0x7FFFF;
	_ =	strace $0x90000046  }
0xb5: {  	s29 =	simm.s32 $0x9;
	_ =	strace $0x80000048  }
0xb6: {  	_ =	swait.ge [sflag:s29], $0x1  }
0xb7: {  	[sflag:s29] =	ssyncadd.s32 $0xFFFFFFFF  }
0xb8: {  	_ =	strace $0x90000048  }
0xb9: {  	_ =	sfence  }
0xba: {  	s30 =	sld [smem:$0x0];
	_ =	sdelay $0x2  }
0xbb: {  	s31 =	sshll.u32 s1, $0xD;
	s1 =	sshrl.u32 s1, $0x2  }
0xbc: {  	s3 =	sand.u32 $0x4000, s31;
	s1 =	sadd.s32 s1, s30  }
0xbd: {  	s0 =	sor.u32 s3, s0;
	s1 =	sshll.u32 s1, $0x11  }
0xbe: {  	s0 =	sor.u32 s1, s0  }
0xbf: {  	s0 =	sadd.s32 $0x8F2B, s0  }
0xc0: {  	[sflag:s0] =	ssyncadd.remote.s32 $0x1  }
0xc1: {  	_ =	sfence.sel $0xFFFF  }
0xc2: {  	[dreg:$0x0] =	wrdreg $0xFFFFFFFF;
	(pc) =	sbr.abs _section_cstart, $3  }
0xc3: {  	[dreg:$0x1] =	wrdreg $0xFFFFFFFF  }
0xc4: {  	_ =	task.clear_ibuf [dreg:s8], $0x2FFFF;
	_ =	strace $0x9FFFFFFF  }
0xc5: {  	(tm) =	ssettm $0x7FFFFFFF  }
tec
execute0_lowered:
.L_overlay_start_1:
0x0: {  	(tag) =	ssettag $0x1  }
0x1: {  	s1 =	rddreg [dreg:$0x0]  }
0x2: {  	s5 =	rddreg [dreg:$0x1]  }
0x3: {  	s0 =	srdreg.scid;
	s6 =	rddreg [dreg:$0x2]  }
0x4: {  	s11 =	stileid.u32;
	s3 =	rddreg [dreg:$0x3];
	s4 =	simm.s32 $0x0  }
0x5: {  	s22 =	simm.s32 $0x880;
	s24 =	simm.s32 $0x900;
	s26 =	simm.s32 $0x980  }
0x6: {  	s16 =	simm.s32 $0xA00;
	s17 =	simm.s32 $0x180;
	s12 =	simm.s32 $0x1000  }
0x7: {  	s13 =	simm.s32 $0x1;
	s14 =	simm.s32 $0x800;
	s15 =	simm.s32 $0x2  }
0x8: {  	s28 =	simm.s32 $0x500;
	s29 =	simm.s32 $0xE00;
	s30 =	simm.s32 $0x580  }
0x9: {  	s31 =	simm.s32 $0xE80;
	s2 =	sand.u32 $0x1, s0;
	[smem:$0x7FF] =	sst s4  }
0xa: {  	s7 =	sshll.u32 s11, $0x7;
	_ =	strace $0x80000047;
	[dreg:$0x7] =	wrdreg s22  }
0xb: {  	s20 =	sadd.s32 $0xA000, s5;
	s0 =	sshll.u32 s2, $0x4;
	[dreg:$0x8] =	wrdreg s24  }
0xc: {  	s8 =	smul.u32 $0x28000, s2;
	s7 =	sand.u32 $0x380, s7;
	[dreg:$0x9] =	wrdreg s26  }
0xd: {  	s9 =	ssub.s32 $0x2, s2;
	p0 =	seq.s32 s2, $0x0;
	[dreg:$0xb] =	wrdreg s16  }
0xe: {  	[dreg:$0xc] =	wrdreg s17;
	s22 =	simm.s32 $0x280;
	s0 =	sor.u32 s11, s0  }
0xf: {  	s16 =	simm.s32 $0x80;
	s24 =	simm.s32 $0x300;
	s0 =	sshrl.u32 s0, $0x3  }
0x10: {  	s17 =	simm.s32 $0x9000;
	[dreg:$0x10] =	wrdreg s22;
	s0 =	smul.u32 $0x14000, s0  }
0x11: {  	s26 =	simm.s32 $0x380;
	s10 =	sshrl.u32 s9, $0x1;
	[dreg:$0x12] =	wrdreg s24  }
0x12: {  	[dreg:$0x14] =	wrdreg s26;
	s7 =	sor.u32 s7, s0;
	s0 =	smul.u32 $0x2800, s11  }
0x13: {  	s18 =	ssub.s32 s9, s10;
	s10 =	simm.s32 $0x100;
	s11 =	smul.u32 $0x50000, s11  }
0x14: {  	s22 =	simm.s32 $0x400;
	s8 =	sadd.s32 s8, s6;
	[dreg:$0xa] =	wrdreg s10  }
0x15: {  	s18 =	smax.u32 s18, $0x1;
	s7 =	sshrl.u32 s7, $0x3;
	s19 =	sshrl.u32 s11, $0x2  }
0x16: {  	[dreg:$0x1b] =	wrdreg s18;
	s6 =	sadd.s32 s7, s6;
	s9 =	sadd.s32 s19, s3  }
0x17: {  	s2 =	sadd.s32 $0x28000, s0;
	s6 =	sadd.s32 $0x50E00, s6;
	[dreg:$0x15] =	wrdreg s9  }
0x18: {  	s11 =	sadd.s32 $0xE00, s8;
	s19 =	simm.s32 $0xA80;
	[dreg:$0x1a] =	wrdreg s6  }
0x19: {  	s2 =	smov.u32 @p0 s0;
	s0 =	sadd.s32 s0, s11;
	[dreg:$0xd] =	wrdreg s19  }
0x1a: {  	s26 =	simm.s32 $0xD80;
	s21 =	sadd.s32 $0x4000, s9;
	[dreg:$0x1c] =	wrdreg s0  }
0x1b: {  	s18 =	simm.s32 $0x5000;
	s23 =	sadd.s32 $0x8000, s9;
	[dreg:$0x16] =	wrdreg s21  }
0x1c: {  	s7 =	simm.s32 $0xF80;
	s25 =	sadd.s32 $0xC000, s9;
	[dreg:$0x17] =	wrdreg s23  }
0x1d: {  	s2 =	sshrl.u32 s2, $0x3;
	s9 =	sadd.s32 $0x10000, s9;
	[dreg:$0x18] =	wrdreg s25  }
0x1e: {  	s8 =	simm.s32 $0x700;
	s5 =	sadd.s32 s2, s5;
	[dreg:$0x19] =	wrdreg s9  }
0x1f: {  	s11 =	simm.s32 $0x0;
	s2 =	sadd.s32 s20, s2;
	[dreg:$0x5] =	wrdreg s5  }
0x20: {  	s19 =	simm.s32 $0x3;
	s20 =	simm.s32 $0x200;
	[dreg:$0x6] =	wrdreg s2  }
0x21: {  	s0 =	simm.s32 $0xF00;
	s21 =	simm.s32 $0xB00;
	[dreg:$0xe] =	wrdreg s20  }
0x22: {  	s6 =	simm.s32 $0x680;
	s23 =	simm.s32 $0xB80;
	[dreg:$0xf] =	wrdreg s21  }
0x23: {  	s25 =	simm.s32 $0xC00;
	s9 =	simm.s32 $0x780;
	[dreg:$0x11] =	wrdreg s23  }
0x24: {  	[dreg:$0x13] =	wrdreg s25;
	s20 =	simm.s32 $0x4;
	s21 =	simm.s32 $0xC80  }
0x25: {  	v0 =	vimm.f32 $0.0e+00;
	v1 =	vimm.f32 $1.000000000e+00;
	s23 =	simm.s32 $0xD00;
	s25 =	simm.s32 $0x480;
	s2 =	simm.s32 $0x600  }
.LBB2_1:
0x26: {  	s24 =	simm.s32 $0x0;
	s5 =	simm.s32 $0x200  }
.LBB2_2:
0x27: {  	p0 =	sne.s32 s5, $0xFE00;
	[tilespmem:s24+$0x1070] =	vst v0  }
0x28: {  	[tilespmem:s24+$0x1000] =	vst v0  }
0x29: {  	[tilespmem:s24+$0x1010] =	vst v0  }
.Ltmp0:
0x2a: {  	[tilespmem:s24+$0x1020] =	vst v0;
	(pc) =	sbr.rel @p0 .LBB2_2-.Ltmp0, $4  }
0x2b: {  	[tilespmem:s24+$0x1030] =	vst v0  }
0x2c: {  	[tilespmem:s24+$0x1040] =	vst v0  }
0x2d: {  	[tilespmem:s24+$0x1050] =	vst v0  }
0x2e: {  	[tilespmem:s24+$0x1060] =	vst v0;
	s24 =	sshra.s32 s5, $0x2;
	s5 =	sadd.s32 $0x200, s5  }
0x2f: {  	[tilespmem:s24+$0x1070] =	vst v0  }
0x30: {  	[tilespmem:s24+$0x1000] =	vst v0  }
0x31: {  	[tilespmem:s24+$0x1010] =	vst v0  }
0x32: {  	[tilespmem:s24+$0x1020] =	vst v0  }
0x33: {  	[tilespmem:s24+$0x1030] =	vst v0  }
0x34: {  	[tilespmem:s24+$0x1040] =	vst v0  }
0x35: {  	[tilespmem:s24+$0x1050] =	vst v0  }
0x36: {  	[tilespmem:s24+$0x1060] =	vst v0;
	s5 =	rddreg [dreg:$0x15]  }
0x37: {  	[spmem:s5] =	stream.linear.scatter [tilespmem:s12], [sflag:$0x1], $0x4000, $0x38;
	[tilespmem:$0x1F800] =	vst v63  }
0x38: {  	s10 =	rddreg [dreg:$0x16]  }
0x39: {  	[spmem:s10] =	stream.linear.scatter [tilespmem:s12], [sflag:$0x1], $0x4000, $0x38;
	[tilespmem:$0x1F800] =	vst v63  }
0x3a: {  	s24 =	rddreg [dreg:$0x17]  }
0x3b: {  	[spmem:s24] =	stream.linear.scatter [tilespmem:s12], [sflag:$0x1], $0x4000, $0x38;
	[tilespmem:$0x1F800] =	vst v63  }
0x3c: {  	s10 =	rddreg [dreg:$0x18]  }
0x3d: {  	[spmem:s10] =	stream.linear.scatter [tilespmem:s12], [sflag:$0x1], $0x4000, $0x38;
	[tilespmem:$0x1F800] =	vst v63  }
0x3e: {  	s24 =	rddreg [dreg:$0x19]  }
0x3f: {  	[spmem:s24] =	stream.linear.scatter [tilespmem:s12], [sflag:$0x1], $0x4000, $0x38;
	[tilespmem:$0x1F800] =	vst v63  }
0x40: {  	s5 =	simm.s32 $0x40;
	s24 =	simm.s32 $0x0  }
.LBB2_4:
0x41: {  	p0 =	sne.s32 s5, $0x9FC0;
	[tilespmem:s24+$0x9000] =	vst v0;
	s24 =	smov.u32 s5;
	s5 =	sadd.s32 $0x40, s5  }
.Ltmp1:
0x42: {  	(pc) =	sbr.rel @p0 .LBB2_4-.Ltmp1, $2  }
0x43: {  	_ =	sdelay $0x2  }
0x44: {  	s24 =	sshra.s32 s24, $0x2  }
0x45: {  	[tilespmem:s24+$0x9000] =	vst v0  }
0x46: {  	_ =	swait.ge [sflag:s13], $0x4000  }
0x47: {  	[sflag:s13] =	ssyncset.done $0x0  }
0x48: {  	[sflag:s13] =	ssyncadd.s32 $0xFFFFC000  }
0x49: {  	_ =	swait.ge [sflag:s13], $0x4000  }
0x4a: {  	[sflag:s13] =	ssyncset.done $0x0  }
0x4b: {  	[sflag:s13] =	ssyncadd.s32 $0xFFFFC000  }
0x4c: {  	_ =	swait.ge [sflag:s13], $0x4000  }
0x4d: {  	[sflag:s13] =	ssyncset.done $0x0  }
0x4e: {  	[sflag:s13] =	ssyncadd.s32 $0xFFFFC000  }
0x4f: {  	_ =	swait.ge [sflag:s13], $0x4000  }
0x50: {  	[sflag:s13] =	ssyncset.done $0x0  }
0x51: {  	[sflag:s13] =	ssyncadd.s32 $0xFFFFC000  }
0x52: {  	_ =	swait.ge [sflag:s13], $0x4000  }
0x53: {  	[sflag:s13] =	ssyncset.done $0x0  }
0x54: {  	[sflag:s13] =	ssyncadd.s32 $0xFFFFC000  }
0x55: {  	s24 =	simm.s32 $0x0;
	[bflag:$0x0] =	sbarrier.arrive $0xFFFF  }
.LBB2_6:
0x56: {  	s5 =	rddreg [dreg:$0x5]  }
0x57: {  	s10 =	rddreg [dreg:$0x6];
	s5 =	sadd.s32 s24, s5  }
0x58: {  	[tilespmem:s4], [sflag:$0x1] =	stream.linear.gather [hbm4b:s5+s4], $0x800, $0x38;
	[tilespmem:$0x1F800] =	vst v63  }
0x59: {  	s10 =	sadd.s32 s24, s10  }
0x5a: {  	[tilespmem:s14], [sflag:$0x2] =	stream.linear.gather [hbm4b:s10+s4], $0x800, $0x38;
	[tilespmem:$0x1F800] =	vst v63  }
0x5b: {  	_ =	swait.ge [sflag:s13], $0x800  }
0x5c: {  	[sflag:s13] =	ssyncset.done $0x0  }
0x5d: {  	[sflag:s13] =	ssyncadd.s32 $0xFFFFF800  }
0x5e: {  	_ =	swait.ge [sflag:s15], $0x800  }
0x5f: {  	[sflag:s15] =	ssyncset.done $0x0  }
0x60: {  	[sflag:s15] =	ssyncadd.s32 $0xFFFFF800  }
0x61: {  	[tilespmem:s12], [sflag:$0x1] =	stream.indirect.gather [hbm4b:s1+s16], $0x80, s14, s16, $0xb8;
	[tilespmem:$0x1F800] =	vst v63  }
0x62: {  	_ =	swait.ge [sflag:s13], $0x4000  }
0x63: {  	[sflag:s13] =	ssyncset.done $0x0  }
0x64: {  	[sflag:s13] =	ssyncadd.s32 $0xFFFFC000  }
0x65: {  	v2 =	vld [tilespmem:$0x0];
	_ =	sdelay $0x7  }
0x66: {  	[tilespmem:v2+s17+$0x0] =	vst.idx.add.f32.msk $0xffff, v1  }
0x67: {  	v2 =	vld [tilespmem:$0x10];
	_ =	sdelay $0x7  }
0x68: {  	[tilespmem:v2+s17+$0x0] =	vst.idx.add.f32.msk $0xffff, v1  }
0x69: {  	v2 =	vld [tilespmem:$0x20];
	_ =	sdelay $0x7  }
0x6a: {  	[tilespmem:v2+s17+$0x0] =	vst.idx.add.f32.msk $0xffff, v1  }
0x6b: {  	v2 =	vld [tilespmem:$0x30];
	_ =	sdelay $0x7  }
0x6c: {  	[tilespmem:v2+s17+$0x0] =	vst.idx.add.f32.msk $0xffff, v1  }
0x6d: {  	v2 =	vld [tilespmem:$0x40];
	_ =	sdelay $0x7  }
0x6e: {  	[tilespmem:v2+s17+$0x0] =	vst.idx.add.f32.msk $0xffff, v1  }
0x6f: {  	v2 =	vld [tilespmem:$0x50];
	_ =	sdelay $0x7  }
0x70: {  	[tilespmem:v2+s17+$0x0] =	vst.idx.add.f32.msk $0xffff, v1  }
0x71: {  	v2 =	vld [tilespmem:$0x60];
	_ =	sdelay $0x7  }
0x72: {  	[tilespmem:v2+s17+$0x0] =	vst.idx.add.f32.msk $0xffff, v1  }
0x73: {  	v2 =	vld [tilespmem:$0x70];
	_ =	sdelay $0x7  }
0x74: {  	s10 =	rddreg [dreg:$0x7];
	[tilespmem:v2+s17+$0x0] =	vst.idx.add.f32.msk $0xffff, v1  }
0x75: {  	[tilespmem:s18], [sflag:$0x2] =	stream.indirect.gather [hbm4b:s1+s16], $0x80, s10, s16, $0xb8;
	[tilespmem:$0x1F800] =	vst v63  }
0x76: {  	_ = 	snop  }
0x77: {  	[spmem:s3] =	stream.indirect.scatter.add.f32 [tilespmem:s12], [sflag:$0x3], $0x80, s4, s16, $0xb8;
	[tilespmem:$0x1F800] =	vst v63  }
0x78: {  	_ =	swait.ge [sflag:s15], $0x4000  }
0x79: {  	[sflag:s15] =	ssyncset.done $0x0  }
0x7a: {  	[sflag:s15] =	ssyncadd.s32 $0xFFFFC000  }
0x7b: {  	v2 =	vld [tilespmem:$0x80];
	_ =	sdelay $0x7  }
0x7c: {  	[tilespmem:v2+s17+$0x0] =	vst.idx.add.f32.msk $0xffff, v1  }
0x7d: {  	v2 =	vld [tilespmem:$0x90];
	_ =	sdelay $0x7  }
0x7e: {  	[tilespmem:v2+s17+$0x0] =	vst.idx.add.f32.msk $0xffff, v1  }
0x7f: {  	v2 =	vld [tilespmem:$0xA0];
	_ =	sdelay $0x7  }
0x80: {  	[tilespmem:v2+s17+$0x0] =	vst.idx.add.f32.msk $0xffff, v1  }
0x81: {  	v2 =	vld [tilespmem:$0xB0];
	_ =	sdelay $0x7  }
0x82: {  	[tilespmem:v2+s17+$0x0] =	vst.idx.add.f32.msk $0xffff, v1  }
0x83: {  	v2 =	vld [tilespmem:$0xC0];
	_ =	sdelay $0x7  }
0x84: {  	[tilespmem:v2+s17+$0x0] =	vst.idx.add.f32.msk $0xffff, v1  }
0x85: {  	v2 =	vld [tilespmem:$0xD0];
	_ =	sdelay $0x7  }
0x86: {  	[tilespmem:v2+s17+$0x0] =	vst.idx.add.f32.msk $0xffff, v1  }
0x87: {  	v2 =	vld [tilespmem:$0xE0];
	_ =	sdelay $0x7  }
0x88: {  	[tilespmem:v2+s17+$0x0] =	vst.idx.add.f32.msk $0xffff, v1  }
0x89: {  	v2 =	vld [tilespmem:$0xF0];
	_ =	sdelay $0x7  }
0x8a: {  	[tilespmem:v2+s17+$0x0] =	vst.idx.add.f32.msk $0xffff, v1  }
0x8b: {  	_ =	swait.ge [sflag:s19], $0x4000  }
0x8c: {  	[sflag:s19] =	ssyncset.done $0x0  }
0x8d: {  	s10 =	rddreg [dreg:$0x8];
	[sflag:s19] =	ssyncadd.s32 $0xFFFFC000  }
0x8e: {  	[tilespmem:s12], [sflag:$0x1] =	stream.indirect.gather [hbm4b:s1+s16], $0x80, s10, s16, $0xb8;
	[tilespmem:$0x1F800] =	vst v63  }
0x8f: {  	_ = 	snop  }
0x90: {  	[spmem:s3] =	stream.indirect.scatter.add.f32 [tilespmem:s18], [sflag:$0x4], $0x80, s16, s16, $0xb8;
	[tilespmem:$0x1F800] =	vst v63  }
0x91: {  	_ =	swait.ge [sflag:s13], $0x4000  }
0x92: {  	[sflag:s13] =	ssyncset.done $0x0  }
0x93: {  	[sflag:s13] =	ssyncadd.s32 $0xFFFFC000  }
0x94: {  	v2 =	vld [tilespmem:$0x100];
	_ =	sdelay $0x7  }
0x95: {  	[tilespmem:v2+s17+$0x0] =	vst.idx.add.f32.msk $0xffff, v1  }
0x96: {  	v2 =	vld [tilespmem:$0x110];
	_ =	sdelay $0x7  }
0x97: {  	[tilespmem:v2+s17+$0x0] =	vst.idx.add.f32.msk $0xffff, v1  }
0x98: {  	v2 =	vld [tilespmem:$0x120];
	_ =	sdelay $0x7  }
0x99: {  	[tilespmem:v2+s17+$0x0] =	vst.idx.add.f32.msk $0xffff, v1  }
0x9a: {  	v2 =	vld [tilespmem:$0x130];
	_ =	sdelay $0x7  }
0x9b: {  	[tilespmem:v2+s17+$0x0] =	vst.idx.add.f32.msk $0xffff, v1  }
0x9c: {  	v2 =	vld [tilespmem:$0x140];
	_ =	sdelay $0x7  }
0x9d: {  	[tilespmem:v2+s17+$0x0] =	vst.idx.add.f32.msk $0xffff, v1  }
0x9e: {  	v2 =	vld [tilespmem:$0x150];
	_ =	sdelay $0x7  }
0x9f: {  	[tilespmem:v2+s17+$0x0] =	vst.idx.add.f32.msk $0xffff, v1  }
0xa0: {  	v2 =	vld [tilespmem:$0x160];
	_ =	sdelay $0x7  }
0xa1: {  	[tilespmem:v2+s17+$0x0] =	vst.idx.add.f32.msk $0xffff, v1  }
0xa2: {  	v2 =	vld [tilespmem:$0x170];
	_ =	sdelay $0x7  }
0xa3: {  	[tilespmem:v2+s17+$0x0] =	vst.idx.add.f32.msk $0xffff, v1  }
0xa4: {  	_ =	swait.ge [sflag:s20], $0x4000  }
0xa5: {  	[sflag:s20] =	ssyncset.done $0x0  }
0xa6: {  	s5 =	rddreg [dreg:$0x9];
	[sflag:s20] =	ssyncadd.s32 $0xFFFFC000  }
0xa7: {  	[tilespmem:s18], [sflag:$0x2] =	stream.indirect.gather [hbm4b:s1+s16], $0x80, s5, s16, $0xb8;
	[tilespmem:$0x1F800] =	vst v63  }
0xa8: {  	s10 =	rddreg [dreg:$0xa]  }
0xa9: {  	[spmem:s3] =	stream.indirect.scatter.add.f32 [tilespmem:s12], [sflag:$0x3], $0x80, s10, s16, $0xb8;
	[tilespmem:$0x1F800] =	vst v63  }
0xaa: {  	_ =	swait.ge [sflag:s15], $0x4000  }
0xab: {  	[sflag:s15] =	ssyncset.done $0x0  }
0xac: {  	[sflag:s15] =	ssyncadd.s32 $0xFFFFC000  }
0xad: {  	v2 =	vld [tilespmem:$0x180];
	_ =	sdelay $0x7  }
0xae: {  	[tilespmem:v2+s17+$0x0] =	vst.idx.add.f32.msk $0xffff, v1  }
0xaf: {  	v2 =	vld [tilespmem:$0x190];
	_ =	sdelay $0x7  }
0xb0: {  	[tilespmem:v2+s17+$0x0] =	vst.idx.add.f32.msk $0xffff, v1  }
0xb1: {  	v2 =	vld [tilespmem:$0x1A0];
	_ =	sdelay $0x7  }
0xb2: {  	[tilespmem:v2+s17+$0x0] =	vst.idx.add.f32.msk $0xffff, v1  }
0xb3: {  	v2 =	vld [tilespmem:$0x1B0];
	_ =	sdelay $0x7  }
0xb4: {  	[tilespmem:v2+s17+$0x0] =	vst.idx.add.f32.msk $0xffff, v1  }
0xb5: {  	v2 =	vld [tilespmem:$0x1C0];
	_ =	sdelay $0x7  }
0xb6: {  	[tilespmem:v2+s17+$0x0] =	vst.idx.add.f32.msk $0xffff, v1  }
0xb7: {  	v2 =	vld [tilespmem:$0x1D0];
	_ =	sdelay $0x7  }
0xb8: {  	[tilespmem:v2+s17+$0x0] =	vst.idx.add.f32.msk $0xffff, v1  }
0xb9: {  	v2 =	vld [tilespmem:$0x1E0];
	_ =	sdelay $0x7  }
0xba: {  	[tilespmem:v2+s17+$0x0] =	vst.idx.add.f32.msk $0xffff, v1  }
0xbb: {  	v2 =	vld [tilespmem:$0x1F0];
	_ =	sdelay $0x7  }
0xbc: {  	[tilespmem:v2+s17+$0x0] =	vst.idx.add.f32.msk $0xffff, v1  }
0xbd: {  	_ =	swait.ge [sflag:s19], $0x4000  }
0xbe: {  	[sflag:s19] =	ssyncset.done $0x0  }
0xbf: {  	s5 =	rddreg [dreg:$0xb];
	[sflag:s19] =	ssyncadd.s32 $0xFFFFC000  }
0xc0: {  	[tilespmem:s12], [sflag:$0x1] =	stream.indirect.gather [hbm4b:s1+s16], $0x80, s5, s16, $0xb8;
	[tilespmem:$0x1F800] =	vst v63  }
0xc1: {  	s10 =	rddreg [dreg:$0xc]  }
0xc2: {  	[spmem:s3] =	stream.indirect.scatter.add.f32 [tilespmem:s18], [sflag:$0x4], $0x80, s10, s16, $0xb8;
	[tilespmem:$0x1F800] =	vst v63  }
0xc3: {  	_ =	swait.ge [sflag:s13], $0x4000  }
0xc4: {  	[sflag:s13] =	ssyncset.done $0x0  }
0xc5: {  	[sflag:s13] =	ssyncadd.s32 $0xFFFFC000  }
0xc6: {  	v2 =	vld [tilespmem:$0x200];
	_ =	sdelay $0x7  }
0xc7: {  	[tilespmem:v2+s17+$0x0] =	vst.idx.add.f32.msk $0xffff, v1  }
0xc8: {  	v2 =	vld [tilespmem:$0x210];
	_ =	sdelay $0x7  }
0xc9: {  	[tilespmem:v2+s17+$0x0] =	vst.idx.add.f32.msk $0xffff, v1  }
0xca: {  	v2 =	vld [tilespmem:$0x220];
	_ =	sdelay $0x7  }
0xcb: {  	[tilespmem:v2+s17+$0x0] =	vst.idx.add.f32.msk $0xffff, v1  }
0xcc: {  	v2 =	vld [tilespmem:$0x230];
	_ =	sdelay $0x7  }
0xcd: {  	[tilespmem:v2+s17+$0x0] =	vst.idx.add.f32.msk $0xffff, v1  }
0xce: {  	v2 =	vld [tilespmem:$0x240];
	_ =	sdelay $0x7  }
0xcf: {  	[tilespmem:v2+s17+$0x0] =	vst.idx.add.f32.msk $0xffff, v1  }
0xd0: {  	v2 =	vld [tilespmem:$0x250];
	_ =	sdelay $0x7  }
0xd1: {  	[tilespmem:v2+s17+$0x0] =	vst.idx.add.f32.msk $0xffff, v1  }
0xd2: {  	v2 =	vld [tilespmem:$0x260];
	_ =	sdelay $0x7  }
0xd3: {  	[tilespmem:v2+s17+$0x0] =	vst.idx.add.f32.msk $0xffff, v1  }
0xd4: {  	v2 =	vld [tilespmem:$0x270];
	_ =	sdelay $0x7  }
0xd5: {  	[tilespmem:v2+s17+$0x0] =	vst.idx.add.f32.msk $0xffff, v1  }
0xd6: {  	_ =	swait.ge [sflag:s20], $0x4000  }
0xd7: {  	[sflag:s20] =	ssyncset.done $0x0  }
0xd8: {  	s5 =	rddreg [dreg:$0xd];
	[sflag:s20] =	ssyncadd.s32 $0xFFFFC000  }
0xd9: {  	[tilespmem:s18], [sflag:$0x2] =	stream.indirect.gather [hbm4b:s1+s16], $0x80, s5, s16, $0xb8;
	[tilespmem:$0x1F800] =	vst v63  }
0xda: {  	s10 =	rddreg [dreg:$0xe]  }
0xdb: {  	[spmem:s3] =	stream.indirect.scatter.add.f32 [tilespmem:s12], [sflag:$0x3], $0x80, s10, s16, $0xb8;
	[tilespmem:$0x1F800] =	vst v63  }
0xdc: {  	_ =	swait.ge [sflag:s15], $0x4000  }
0xdd: {  	[sflag:s15] =	ssyncset.done $0x0  }
0xde: {  	[sflag:s15] =	ssyncadd.s32 $0xFFFFC000  }
0xdf: {  	v2 =	vld [tilespmem:$0x280];
	_ =	sdelay $0x7  }
0xe0: {  	[tilespmem:v2+s17+$0x0] =	vst.idx.add.f32.msk $0xffff, v1  }
0xe1: {  	v2 =	vld [tilespmem:$0x290];
	_ =	sdelay $0x7  }
0xe2: {  	[tilespmem:v2+s17+$0x0] =	vst.idx.add.f32.msk $0xffff, v1  }
0xe3: {  	v2 =	vld [tilespmem:$0x2A0];
	_ =	sdelay $0x7  }
0xe4: {  	[tilespmem:v2+s17+$0x0] =	vst.idx.add.f32.msk $0xffff, v1  }
0xe5: {  	v2 =	vld [tilespmem:$0x2B0];
	_ =	sdelay $0x7  }
0xe6: {  	[tilespmem:v2+s17+$0x0] =	vst.idx.add.f32.msk $0xffff, v1  }
0xe7: {  	v2 =	vld [tilespmem:$0x2C0];
	_ =	sdelay $0x7  }
0xe8: {  	[tilespmem:v2+s17+$0x0] =	vst.idx.add.f32.msk $0xffff, v1  }
0xe9: {  	v2 =	vld [tilespmem:$0x2D0];
	_ =	sdelay $0x7  }
0xea: {  	[tilespmem:v2+s17+$0x0] =	vst.idx.add.f32.msk $0xffff, v1  }
0xeb: {  	v2 =	vld [tilespmem:$0x2E0];
	_ =	sdelay $0x7  }
0xec: {  	[tilespmem:v2+s17+$0x0] =	vst.idx.add.f32.msk $0xffff, v1  }
0xed: {  	v2 =	vld [tilespmem:$0x2F0];
	_ =	sdelay $0x7  }
0xee: {  	[tilespmem:v2+s17+$0x0] =	vst.idx.add.f32.msk $0xffff, v1  }
0xef: {  	_ =	swait.ge [sflag:s19], $0x4000  }
0xf0: {  	[sflag:s19] =	ssyncset.done $0x0  }
0xf1: {  	s5 =	rddreg [dreg:$0xf];
	[sflag:s19] =	ssyncadd.s32 $0xFFFFC000  }
0xf2: {  	[tilespmem:s12], [sflag:$0x1] =	stream.indirect.gather [hbm4b:s1+s16], $0x80, s5, s16, $0xb8;
	[tilespmem:$0x1F800] =	vst v63  }
0xf3: {  	s10 =	rddreg [dreg:$0x10]  }
0xf4: {  	[spmem:s3] =	stream.indirect.scatter.add.f32 [tilespmem:s18], [sflag:$0x4], $0x80, s10, s16, $0xb8;
	[tilespmem:$0x1F800] =	vst v63  }
0xf5: {  	_ =	swait.ge [sflag:s13], $0x4000  }
0xf6: {  	[sflag:s13] =	ssyncset.done $0x0  }
0xf7: {  	[sflag:s13] =	ssyncadd.s32 $0xFFFFC000  }
0xf8: {  	v2 =	vld [tilespmem:$0x300];
	_ =	sdelay $0x7  }
0xf9: {  	[tilespmem:v2+s17+$0x0] =	vst.idx.add.f32.msk $0xffff, v1  }
0xfa: {  	v2 =	vld [tilespmem:$0x310];
	_ =	sdelay $0x7  }
0xfb: {  	[tilespmem:v2+s17+$0x0] =	vst.idx.add.f32.msk $0xffff, v1  }
0xfc: {  	v2 =	vld [tilespmem:$0x320];
	_ =	sdelay $0x7  }
0xfd: {  	[tilespmem:v2+s17+$0x0] =	vst.idx.add.f32.msk $0xffff, v1  }
0xfe: {  	v2 =	vld [tilespmem:$0x330];
	_ =	sdelay $0x7  }
0xff: {  	[tilespmem:v2+s17+$0x0] =	vst.idx.add.f32.msk $0xffff, v1  }
0x100: {  	v2 =	vld [tilespmem:$0x340];
	_ =	sdelay $0x7  }
0x101: {  	[tilespmem:v2+s17+$0x0] =	vst.idx.add.f32.msk $0xffff, v1  }
0x102: {  	v2 =	vld [tilespmem:$0x350];
	_ =	sdelay $0x7  }
0x103: {  	[tilespmem:v2+s17+$0x0] =	vst.idx.add.f32.msk $0xffff, v1  }
0x104: {  	v2 =	vld [tilespmem:$0x360];
	_ =	sdelay $0x7  }
0x105: {  	[tilespmem:v2+s17+$0x0] =	vst.idx.add.f32.msk $0xffff, v1  }
0x106: {  	v2 =	vld [tilespmem:$0x370];
	_ =	sdelay $0x7  }
0x107: {  	[tilespmem:v2+s17+$0x0] =	vst.idx.add.f32.msk $0xffff, v1  }
0x108: {  	_ =	swait.ge [sflag:s20], $0x4000  }
0x109: {  	[sflag:s20] =	ssyncset.done $0x0  }
0x10a: {  	s5 =	rddreg [dreg:$0x11];
	[sflag:s20] =	ssyncadd.s32 $0xFFFFC000  }
0x10b: {  	[tilespmem:s18], [sflag:$0x2] =	stream.indirect.gather [hbm4b:s1+s16], $0x80, s5, s16, $0xb8;
	[tilespmem:$0x1F800] =	vst v63  }
0x10c: {  	s10 =	rddreg [dreg:$0x12]  }
0x10d: {  	[spmem:s3] =	stream.indirect.scatter.add.f32 [tilespmem:s12], [sflag:$0x3], $0x80, s10, s16, $0xb8;
	[tilespmem:$0x1F800] =	vst v63  }
0x10e: {  	_ =	swait.ge [sflag:s15], $0x4000  }
0x10f: {  	[sflag:s15] =	ssyncset.done $0x0  }
0x110: {  	[sflag:s15] =	ssyncadd.s32 $0xFFFFC000  }
0x111: {  	v2 =	vld [tilespmem:$0x380];
	_ =	sdelay $0x7  }
0x112: {  	[tilespmem:v2+s17+$0x0] =	vst.idx.add.f32.msk $0xffff, v1  }
0x113: {  	v2 =	vld [tilespmem:$0x390];
	_ =	sdelay $0x7  }
0x114: {  	[tilespmem:v2+s17+$0x0] =	vst.idx.add.f32.msk $0xffff, v1  }
0x115: {  	v2 =	vld [tilespmem:$0x3A0];
	_ =	sdelay $0x7  }
0x116: {  	[tilespmem:v2+s17+$0x0] =	vst.idx.add.f32.msk $0xffff, v1  }
0x117: {  	v2 =	vld [tilespmem:$0x3B0];
	_ =	sdelay $0x7  }
0x118: {  	[tilespmem:v2+s17+$0x0] =	vst.idx.add.f32.msk $0xffff, v1  }
0x119: {  	v2 =	vld [tilespmem:$0x3C0];
	_ =	sdelay $0x7  }
0x11a: {  	[tilespmem:v2+s17+$0x0] =	vst.idx.add.f32.msk $0xffff, v1  }
0x11b: {  	v2 =	vld [tilespmem:$0x3D0];
	_ =	sdelay $0x7  }
0x11c: {  	[tilespmem:v2+s17+$0x0] =	vst.idx.add.f32.msk $0xffff, v1  }
0x11d: {  	v2 =	vld [tilespmem:$0x3E0];
	_ =	sdelay $0x7  }
0x11e: {  	[tilespmem:v2+s17+$0x0] =	vst.idx.add.f32.msk $0xffff, v1  }
0x11f: {  	v2 =	vld [tilespmem:$0x3F0];
	_ =	sdelay $0x7  }
0x120: {  	[tilespmem:v2+s17+$0x0] =	vst.idx.add.f32.msk $0xffff, v1  }
0x121: {  	_ =	swait.ge [sflag:s19], $0x4000  }
0x122: {  	[sflag:s19] =	ssyncset.done $0x0  }
0x123: {  	s5 =	rddreg [dreg:$0x13];
	[sflag:s19] =	ssyncadd.s32 $0xFFFFC000  }
0x124: {  	[tilespmem:s12], [sflag:$0x1] =	stream.indirect.gather [hbm4b:s1+s16], $0x80, s5, s16, $0xb8;
	[tilespmem:$0x1F800] =	vst v63  }
0x125: {  	s10 =	rddreg [dreg:$0x14]  }
0x126: {  	[spmem:s3] =	stream.indirect.scatter.add.f32 [tilespmem:s18], [sflag:$0x4], $0x80, s10, s16, $0xb8;
	[tilespmem:$0x1F800] =	vst v63  }
0x127: {  	_ =	swait.ge [sflag:s13], $0x4000  }
0x128: {  	[sflag:s13] =	ssyncset.done $0x0  }
0x129: {  	[sflag:s13] =	ssyncadd.s32 $0xFFFFC000  }
0x12a: {  	v2 =	vld [tilespmem:$0x400];
	_ =	sdelay $0x7  }
0x12b: {  	[tilespmem:v2+s17+$0x0] =	vst.idx.add.f32.msk $0xffff, v1  }
0x12c: {  	v2 =	vld [tilespmem:$0x410];
	_ =	sdelay $0x7  }
0x12d: {  	[tilespmem:v2+s17+$0x0] =	vst.idx.add.f32.msk $0xffff, v1  }
0x12e: {  	v2 =	vld [tilespmem:$0x420];
	_ =	sdelay $0x7  }
0x12f: {  	[tilespmem:v2+s17+$0x0] =	vst.idx.add.f32.msk $0xffff, v1  }
0x130: {  	v2 =	vld [tilespmem:$0x430];
	_ =	sdelay $0x7  }
0x131: {  	[tilespmem:v2+s17+$0x0] =	vst.idx.add.f32.msk $0xffff, v1  }
0x132: {  	v2 =	vld [tilespmem:$0x440];
	_ =	sdelay $0x7  }
0x133: {  	[tilespmem:v2+s17+$0x0] =	vst.idx.add.f32.msk $0xffff, v1  }
0x134: {  	v2 =	vld [tilespmem:$0x450];
	_ =	sdelay $0x7  }
0x135: {  	[tilespmem:v2+s17+$0x0] =	vst.idx.add.f32.msk $0xffff, v1  }
0x136: {  	v2 =	vld [tilespmem:$0x460];
	_ =	sdelay $0x7  }
0x137: {  	[tilespmem:v2+s17+$0x0] =	vst.idx.add.f32.msk $0xffff, v1  }
0x138: {  	v2 =	vld [tilespmem:$0x470];
	_ =	sdelay $0x7  }
0x139: {  	[tilespmem:v2+s17+$0x0] =	vst.idx.add.f32.msk $0xffff, v1  }
0x13a: {  	_ =	swait.ge [sflag:s20], $0x4000  }
0x13b: {  	[sflag:s20] =	ssyncset.done $0x0  }
0x13c: {  	[sflag:s20] =	ssyncadd.s32 $0xFFFFC000  }
0x13d: {  	[tilespmem:s18], [sflag:$0x2] =	stream.indirect.gather [hbm4b:s1+s16], $0x80, s21, s16, $0xb8;
	[tilespmem:$0x1F800] =	vst v63  }
0x13e: {  	_ = 	snop  }
0x13f: {  	[spmem:s3] =	stream.indirect.scatter.add.f32 [tilespmem:s12], [sflag:$0x3], $0x80, s22, s16, $0xb8;
	[tilespmem:$0x1F800] =	vst v63  }
0x140: {  	_ =	swait.ge [sflag:s15], $0x4000  }
0x141: {  	[sflag:s15] =	ssyncset.done $0x0  }
0x142: {  	[sflag:s15] =	ssyncadd.s32 $0xFFFFC000  }
0x143: {  	v2 =	vld [tilespmem:$0x480];
	_ =	sdelay $0x7  }
0x144: {  	[tilespmem:v2+s17+$0x0] =	vst.idx.add.f32.msk $0xffff, v1  }
0x145: {  	v2 =	vld [tilespmem:$0x490];
	_ =	sdelay $0x7  }
0x146: {  	[tilespmem:v2+s17+$0x0] =	vst.idx.add.f32.msk $0xffff, v1  }
0x147: {  	v2 =	vld [tilespmem:$0x4A0];
	_ =	sdelay $0x7  }
0x148: {  	[tilespmem:v2+s17+$0x0] =	vst.idx.add.f32.msk $0xffff, v1  }
0x149: {  	v2 =	vld [tilespmem:$0x4B0];
	_ =	sdelay $0x7  }
0x14a: {  	[tilespmem:v2+s17+$0x0] =	vst.idx.add.f32.msk $0xffff, v1  }
0x14b: {  	v2 =	vld [tilespmem:$0x4C0];
	_ =	sdelay $0x7  }
0x14c: {  	[tilespmem:v2+s17+$0x0] =	vst.idx.add.f32.msk $0xffff, v1  }
0x14d: {  	v2 =	vld [tilespmem:$0x4D0];
	_ =	sdelay $0x7  }
0x14e: {  	[tilespmem:v2+s17+$0x0] =	vst.idx.add.f32.msk $0xffff, v1  }
0x14f: {  	v2 =	vld [tilespmem:$0x4E0];
	_ =	sdelay $0x7  }
0x150: {  	[tilespmem:v2+s17+$0x0] =	vst.idx.add.f32.msk $0xffff, v1  }
0x151: {  	v2 =	vld [tilespmem:$0x4F0];
	_ =	sdelay $0x7  }
0x152: {  	[tilespmem:v2+s17+$0x0] =	vst.idx.add.f32.msk $0xffff, v1  }
0x153: {  	_ =	swait.ge [sflag:s19], $0x4000  }
0x154: {  	[sflag:s19] =	ssyncset.done $0x0  }
0x155: {  	[sflag:s19] =	ssyncadd.s32 $0xFFFFC000  }
0x156: {  	[tilespmem:s12], [sflag:$0x1] =	stream.indirect.gather [hbm4b:s1+s16], $0x80, s23, s16, $0xb8;
	[tilespmem:$0x1F800] =	vst v63  }
0x157: {  	_ = 	snop  }
0x158: {  	[spmem:s3] =	stream.indirect.scatter.add.f32 [tilespmem:s18], [sflag:$0x4], $0x80, s25, s16, $0xb8;
	[tilespmem:$0x1F800] =	vst v63  }
0x159: {  	_ =	swait.ge [sflag:s13], $0x4000  }
0x15a: {  	[sflag:s13] =	ssyncset.done $0x0  }
0x15b: {  	[sflag:s13] =	ssyncadd.s32 $0xFFFFC000  }
0x15c: {  	v2 =	vld [tilespmem:$0x500];
	_ =	sdelay $0x7  }
0x15d: {  	[tilespmem:v2+s17+$0x0] =	vst.idx.add.f32.msk $0xffff, v1  }
0x15e: {  	v2 =	vld [tilespmem:$0x510];
	_ =	sdelay $0x7  }
0x15f: {  	[tilespmem:v2+s17+$0x0] =	vst.idx.add.f32.msk $0xffff, v1  }
0x160: {  	v2 =	vld [tilespmem:$0x520];
	_ =	sdelay $0x7  }
0x161: {  	[tilespmem:v2+s17+$0x0] =	vst.idx.add.f32.msk $0xffff, v1  }
0x162: {  	v2 =	vld [tilespmem:$0x530];
	_ =	sdelay $0x7  }
0x163: {  	[tilespmem:v2+s17+$0x0] =	vst.idx.add.f32.msk $0xffff, v1  }
0x164: {  	v2 =	vld [tilespmem:$0x540];
	_ =	sdelay $0x7  }
0x165: {  	[tilespmem:v2+s17+$0x0] =	vst.idx.add.f32.msk $0xffff, v1  }
0x166: {  	v2 =	vld [tilespmem:$0x550];
	_ =	sdelay $0x7  }
0x167: {  	[tilespmem:v2+s17+$0x0] =	vst.idx.add.f32.msk $0xffff, v1  }
0x168: {  	v2 =	vld [tilespmem:$0x560];
	_ =	sdelay $0x7  }
0x169: {  	[tilespmem:v2+s17+$0x0] =	vst.idx.add.f32.msk $0xffff, v1  }
0x16a: {  	v2 =	vld [tilespmem:$0x570];
	_ =	sdelay $0x7  }
0x16b: {  	[tilespmem:v2+s17+$0x0] =	vst.idx.add.f32.msk $0xffff, v1  }
0x16c: {  	_ =	swait.ge [sflag:s20], $0x4000  }
0x16d: {  	[sflag:s20] =	ssyncset.done $0x0  }
0x16e: {  	[sflag:s20] =	ssyncadd.s32 $0xFFFFC000  }
0x16f: {  	[tilespmem:s18], [sflag:$0x2] =	stream.indirect.gather [hbm4b:s1+s16], $0x80, s26, s16, $0xb8;
	[tilespmem:$0x1F800] =	vst v63  }
0x170: {  	_ = 	snop  }
0x171: {  	[spmem:s3] =	stream.indirect.scatter.add.f32 [tilespmem:s12], [sflag:$0x3], $0x80, s28, s16, $0xb8;
	[tilespmem:$0x1F800] =	vst v63  }
0x172: {  	_ =	swait.ge [sflag:s15], $0x4000  }
0x173: {  	[sflag:s15] =	ssyncset.done $0x0  }
0x174: {  	[sflag:s15] =	ssyncadd.s32 $0xFFFFC000  }
0x175: {  	v2 =	vld [tilespmem:$0x580];
	_ =	sdelay $0x7  }
0x176: {  	[tilespmem:v2+s17+$0x0] =	vst.idx.add.f32.msk $0xffff, v1  }
0x177: {  	v2 =	vld [tilespmem:$0x590];
	_ =	sdelay $0x7  }
0x178: {  	[tilespmem:v2+s17+$0x0] =	vst.idx.add.f32.msk $0xffff, v1  }
0x179: {  	v2 =	vld [tilespmem:$0x5A0];
	_ =	sdelay $0x7  }
0x17a: {  	[tilespmem:v2+s17+$0x0] =	vst.idx.add.f32.msk $0xffff, v1  }
0x17b: {  	v2 =	vld [tilespmem:$0x5B0];
	_ =	sdelay $0x7  }
0x17c: {  	[tilespmem:v2+s17+$0x0] =	vst.idx.add.f32.msk $0xffff, v1  }
0x17d: {  	v2 =	vld [tilespmem:$0x5C0];
	_ =	sdelay $0x7  }
0x17e: {  	[tilespmem:v2+s17+$0x0] =	vst.idx.add.f32.msk $0xffff, v1  }
0x17f: {  	v2 =	vld [tilespmem:$0x5D0];
	_ =	sdelay $0x7  }
0x180: {  	[tilespmem:v2+s17+$0x0] =	vst.idx.add.f32.msk $0xffff, v1  }
0x181: {  	v2 =	vld [tilespmem:$0x5E0];
	_ =	sdelay $0x7  }
0x182: {  	[tilespmem:v2+s17+$0x0] =	vst.idx.add.f32.msk $0xffff, v1  }
0x183: {  	v2 =	vld [tilespmem:$0x5F0];
	_ =	sdelay $0x7  }
0x184: {  	[tilespmem:v2+s17+$0x0] =	vst.idx.add.f32.msk $0xffff, v1  }
0x185: {  	_ =	swait.ge [sflag:s19], $0x4000  }
0x186: {  	[sflag:s19] =	ssyncset.done $0x0  }
0x187: {  	[sflag:s19] =	ssyncadd.s32 $0xFFFFC000  }
0x188: {  	[tilespmem:s12], [sflag:$0x1] =	stream.indirect.gather [hbm4b:s1+s16], $0x80, s29, s16, $0xb8;
	[tilespmem:$0x1F800] =	vst v63  }
0x189: {  	_ = 	snop  }
0x18a: {  	[spmem:s3] =	stream.indirect.scatter.add.f32 [tilespmem:s18], [sflag:$0x4], $0x80, s30, s16, $0xb8;
	[tilespmem:$0x1F800] =	vst v63  }
0x18b: {  	_ =	swait.ge [sflag:s13], $0x4000  }
0x18c: {  	[sflag:s13] =	ssyncset.done $0x0  }
0x18d: {  	[sflag:s13] =	ssyncadd.s32 $0xFFFFC000  }
0x18e: {  	v2 =	vld [tilespmem:$0x600];
	_ =	sdelay $0x7  }
0x18f: {  	[tilespmem:v2+s17+$0x0] =	vst.idx.add.f32.msk $0xffff, v1  }
0x190: {  	v2 =	vld [tilespmem:$0x610];
	_ =	sdelay $0x7  }
0x191: {  	[tilespmem:v2+s17+$0x0] =	vst.idx.add.f32.msk $0xffff, v1  }
0x192: {  	v2 =	vld [tilespmem:$0x620];
	_ =	sdelay $0x7  }
0x193: {  	[tilespmem:v2+s17+$0x0] =	vst.idx.add.f32.msk $0xffff, v1  }
0x194: {  	v2 =	vld [tilespmem:$0x630];
	_ =	sdelay $0x7  }
0x195: {  	[tilespmem:v2+s17+$0x0] =	vst.idx.add.f32.msk $0xffff, v1  }
0x196: {  	v2 =	vld [tilespmem:$0x640];
	_ =	sdelay $0x7  }
0x197: {  	[tilespmem:v2+s17+$0x0] =	vst.idx.add.f32.msk $0xffff, v1  }
0x198: {  	v2 =	vld [tilespmem:$0x650];
	_ =	sdelay $0x7  }
0x199: {  	[tilespmem:v2+s17+$0x0] =	vst.idx.add.f32.msk $0xffff, v1  }
0x19a: {  	v2 =	vld [tilespmem:$0x660];
	_ =	sdelay $0x7  }
0x19b: {  	[tilespmem:v2+s17+$0x0] =	vst.idx.add.f32.msk $0xffff, v1  }
0x19c: {  	v2 =	vld [tilespmem:$0x670];
	_ =	sdelay $0x7  }
0x19d: {  	[tilespmem:v2+s17+$0x0] =	vst.idx.add.f32.msk $0xffff, v1  }
0x19e: {  	_ =	swait.ge [sflag:s20], $0x4000  }
0x19f: {  	[sflag:s20] =	ssyncset.done $0x0  }
0x1a0: {  	[sflag:s20] =	ssyncadd.s32 $0xFFFFC000  }
0x1a1: {  	[tilespmem:s18], [sflag:$0x2] =	stream.indirect.gather [hbm4b:s1+s16], $0x80, s31, s16, $0xb8;
	[tilespmem:$0x1F800] =	vst v63  }
0x1a2: {  	_ = 	snop  }
0x1a3: {  	[spmem:s3] =	stream.indirect.scatter.add.f32 [tilespmem:s12], [sflag:$0x3], $0x80, s2, s16, $0xb8;
	[tilespmem:$0x1F800] =	vst v63  }
0x1a4: {  	_ =	swait.ge [sflag:s15], $0x4000  }
0x1a5: {  	[sflag:s15] =	ssyncset.done $0x0  }
0x1a6: {  	[sflag:s15] =	ssyncadd.s32 $0xFFFFC000  }
0x1a7: {  	v2 =	vld [tilespmem:$0x680];
	_ =	sdelay $0x7  }
0x1a8: {  	[tilespmem:v2+s17+$0x0] =	vst.idx.add.f32.msk $0xffff, v1  }
0x1a9: {  	v2 =	vld [tilespmem:$0x690];
	_ =	sdelay $0x7  }
0x1aa: {  	[tilespmem:v2+s17+$0x0] =	vst.idx.add.f32.msk $0xffff, v1  }
0x1ab: {  	v2 =	vld [tilespmem:$0x6A0];
	_ =	sdelay $0x7  }
0x1ac: {  	[tilespmem:v2+s17+$0x0] =	vst.idx.add.f32.msk $0xffff, v1  }
0x1ad: {  	v2 =	vld [tilespmem:$0x6B0];
	_ =	sdelay $0x7  }
0x1ae: {  	[tilespmem:v2+s17+$0x0] =	vst.idx.add.f32.msk $0xffff, v1  }
0x1af: {  	v2 =	vld [tilespmem:$0x6C0];
	_ =	sdelay $0x7  }
0x1b0: {  	[tilespmem:v2+s17+$0x0] =	vst.idx.add.f32.msk $0xffff, v1  }
0x1b1: {  	v2 =	vld [tilespmem:$0x6D0];
	_ =	sdelay $0x7  }
0x1b2: {  	[tilespmem:v2+s17+$0x0] =	vst.idx.add.f32.msk $0xffff, v1  }
0x1b3: {  	v2 =	vld [tilespmem:$0x6E0];
	_ =	sdelay $0x7  }
0x1b4: {  	[tilespmem:v2+s17+$0x0] =	vst.idx.add.f32.msk $0xffff, v1  }
0x1b5: {  	v2 =	vld [tilespmem:$0x6F0];
	_ =	sdelay $0x7  }
0x1b6: {  	[tilespmem:v2+s17+$0x0] =	vst.idx.add.f32.msk $0xffff, v1  }
0x1b7: {  	_ =	swait.ge [sflag:s19], $0x4000  }
0x1b8: {  	[sflag:s19] =	ssyncset.done $0x0  }
0x1b9: {  	[sflag:s19] =	ssyncadd.s32 $0xFFFFC000  }
0x1ba: {  	[tilespmem:s12], [sflag:$0x1] =	stream.indirect.gather [hbm4b:s1+s16], $0x80, s0, s16, $0xb8;
	[tilespmem:$0x1F800] =	vst v63  }
0x1bb: {  	_ = 	snop  }
0x1bc: {  	[spmem:s3] =	stream.indirect.scatter.add.f32 [tilespmem:s18], [sflag:$0x4], $0x80, s6, s16, $0xb8;
	[tilespmem:$0x1F800] =	vst v63  }
0x1bd: {  	_ =	swait.ge [sflag:s13], $0x4000  }
0x1be: {  	[sflag:s13] =	ssyncset.done $0x0  }
0x1bf: {  	[sflag:s13] =	ssyncadd.s32 $0xFFFFC000  }
0x1c0: {  	v2 =	vld [tilespmem:$0x700];
	_ =	sdelay $0x7  }
0x1c1: {  	[tilespmem:v2+s17+$0x0] =	vst.idx.add.f32.msk $0xffff, v1  }
0x1c2: {  	v2 =	vld [tilespmem:$0x710];
	_ =	sdelay $0x7  }
0x1c3: {  	[tilespmem:v2+s17+$0x0] =	vst.idx.add.f32.msk $0xffff, v1  }
0x1c4: {  	v2 =	vld [tilespmem:$0x720];
	_ =	sdelay $0x7  }
0x1c5: {  	[tilespmem:v2+s17+$0x0] =	vst.idx.add.f32.msk $0xffff, v1  }
0x1c6: {  	v2 =	vld [tilespmem:$0x730];
	_ =	sdelay $0x7  }
0x1c7: {  	[tilespmem:v2+s17+$0x0] =	vst.idx.add.f32.msk $0xffff, v1  }
0x1c8: {  	v2 =	vld [tilespmem:$0x740];
	_ =	sdelay $0x7  }
0x1c9: {  	[tilespmem:v2+s17+$0x0] =	vst.idx.add.f32.msk $0xffff, v1  }
0x1ca: {  	v2 =	vld [tilespmem:$0x750];
	_ =	sdelay $0x7  }
0x1cb: {  	[tilespmem:v2+s17+$0x0] =	vst.idx.add.f32.msk $0xffff, v1  }
0x1cc: {  	v2 =	vld [tilespmem:$0x760];
	_ =	sdelay $0x7  }
0x1cd: {  	[tilespmem:v2+s17+$0x0] =	vst.idx.add.f32.msk $0xffff, v1  }
0x1ce: {  	v2 =	vld [tilespmem:$0x770];
	_ =	sdelay $0x7  }
0x1cf: {  	[tilespmem:v2+s17+$0x0] =	vst.idx.add.f32.msk $0xffff, v1  }
0x1d0: {  	_ =	swait.ge [sflag:s20], $0x4000  }
0x1d1: {  	[sflag:s20] =	ssyncset.done $0x0  }
0x1d2: {  	[sflag:s20] =	ssyncadd.s32 $0xFFFFC000  }
0x1d3: {  	[tilespmem:s18], [sflag:$0x2] =	stream.indirect.gather [hbm4b:s1+s16], $0x80, s7, s16, $0xb8;
	[tilespmem:$0x1F800] =	vst v63  }
0x1d4: {  	_ = 	snop  }
0x1d5: {  	[spmem:s3] =	stream.indirect.scatter.add.f32 [tilespmem:s12], [sflag:$0x3], $0x80, s8, s16, $0xb8;
	[tilespmem:$0x1F800] =	vst v63  }
0x1d6: {  	_ =	swait.ge [sflag:s15], $0x4000  }
0x1d7: {  	[sflag:s15] =	ssyncset.done $0x0  }
0x1d8: {  	[sflag:s15] =	ssyncadd.s32 $0xFFFFC000  }
0x1d9: {  	v2 =	vld [tilespmem:$0x780];
	_ =	sdelay $0x7  }
0x1da: {  	[tilespmem:v2+s17+$0x0] =	vst.idx.add.f32.msk $0xffff, v1  }
0x1db: {  	v2 =	vld [tilespmem:$0x790];
	_ =	sdelay $0x7  }
0x1dc: {  	[tilespmem:v2+s17+$0x0] =	vst.idx.add.f32.msk $0xffff, v1  }
0x1dd: {  	v2 =	vld [tilespmem:$0x7A0];
	_ =	sdelay $0x7  }
0x1de: {  	[tilespmem:v2+s17+$0x0] =	vst.idx.add.f32.msk $0xffff, v1  }
0x1df: {  	v2 =	vld [tilespmem:$0x7B0];
	_ =	sdelay $0x7  }
0x1e0: {  	[tilespmem:v2+s17+$0x0] =	vst.idx.add.f32.msk $0xffff, v1  }
0x1e1: {  	v2 =	vld [tilespmem:$0x7C0];
	_ =	sdelay $0x7  }
0x1e2: {  	[tilespmem:v2+s17+$0x0] =	vst.idx.add.f32.msk $0xffff, v1  }
0x1e3: {  	v2 =	vld [tilespmem:$0x7D0];
	_ =	sdelay $0x7  }
0x1e4: {  	[tilespmem:v2+s17+$0x0] =	vst.idx.add.f32.msk $0xffff, v1  }
0x1e5: {  	v2 =	vld [tilespmem:$0x7E0];
	_ =	sdelay $0x7  }
0x1e6: {  	[tilespmem:v2+s17+$0x0] =	vst.idx.add.f32.msk $0xffff, v1  }
0x1e7: {  	v2 =	vld [tilespmem:$0x7F0];
	_ =	sdelay $0x7  }
0x1e8: {  	[tilespmem:v2+s17+$0x0] =	vst.idx.add.f32.msk $0xffff, v1  }
0x1e9: {  	[spmem:s3] =	stream.indirect.scatter.add.f32 [tilespmem:s18], [sflag:$0x4], $0x80, s9, s16, $0xb8;
	[tilespmem:$0x1F800] =	vst v63  }
0x1ea: {  	p0 =	sne.s32 s24, $0x400;
	_ =	swait.ge [sflag:s19], $0x4000  }
.Ltmp2:
0x1eb: {  	[sflag:s19] =	ssyncset.done $0x0;
	(pc) =	sbr.rel @p0 .LBB2_6-.Ltmp2, $4  }
0x1ec: {  	[sflag:s19] =	ssyncadd.s32 $0xFFFFC000  }
0x1ed: {  	_ =	swait.ge [sflag:s20], $0x4000  }
0x1ee: {  	[sflag:s20] =	ssyncset.done $0x0  }
0x1ef: {  	s24 =	sadd.s32 $0x100, s24;
	[sflag:s20] =	ssyncadd.s32 $0xFFFFC000  }
0x1f0: {  	s5 =	stileid.u32;
	[bflag:$0x0] =	sbarrier.arrive $0xFFFF  }
0x1f1: {  	s5 =	sshll.u32 s5, $0x6;
	s10 =	rddreg [dreg:$0x15]  }
0x1f2: {  	s24 =	rddreg [dreg:$0x1c];
	s5 =	sor.u32 $0x1C05, s5;
	s10 =	sshrl.u32 s10, $0x3  }
0x1f3: {  	[hbm:s24], [sflag:s5] =	dma.local [spmem:s10], $0x2800  }
0x1f4: {  	s10 =	simm.s32 $0x5  }
0x1f5: {  	_ =	swait.ge [sflag:s10], $0x2800  }
0x1f6: {  	[sflag:s10] =	ssyncset.done $0x0  }
0x1f7: {  	s24 =	rddreg [dreg:$0x1a];
	[sflag:s10] =	ssyncadd.s32 $0xFFFFD800  }
0x1f8: {  	[hbm4b:s24+s16] =	stream.strided.scatter [tilespmem:s17], [sflag:$0x5], $0x2800, s22, s16, $0x38;
	[tilespmem:$0x1F800] =	vst v63  }
0x1f9: {  	_ =	swait.ge [sflag:s10], $0x2800  }
0x1fa: {  	s11 =	sadd.s32 $0x1, s11;
	s24 =	rddreg [dreg:$0x1b]  }
0x1fb: {  	p0 =	sne.s32 s11, s24  }
.Ltmp3:
0x1fc: {  	_ = 	snop;
	(pc) =	sbr.rel @p0 .LBB2_1-.Ltmp3, $3  }
0x1fd: {  	_ =	sdelay $0x1  }
0x1fe: {  	[sflag:s10] =	ssyncset.done $0x0  }
0x1ff: {  	[sflag:s10] =	ssyncadd.s32 $0xFFFFD800  }
0x200: {  	_ =	sfence.sel $0x180000  }
0x201: {  	[bflag:$0x0] =	sbarrier.arrive $0xFFFF  }
0x202: {  	_ =	strace $0x90000047  }
0x203: {  	s0 =	stileid.u32;
	[bflag:$0x2] =	sbarrier.arrive $0xFFFF  }
0x204: {  	p0 =	sne.s32 s0, $0x0;
	s0 =	rddreg [dreg:$0x4]  }
0x205: {  	s0 =	sadd.s32 @!p0 $0x100000, s0  }
0x206: {  	[sflag:s0] =	ssyncadd.tile.s32 @!p0 $0x1;
	_ =	shalt  }
.Lfunc_end2:
_tile_overlayer_lowered:
.L_overlay_start_2:
0x207: {  	(tag) =	ssettag $0x2  }
0x208: {  	s0 =	rddreg [dreg:$0x0];
	s2 =	stileid.u32  }
0x209: {  	s1 =	rddreg [dreg:$0x1];
	p0 =	sne.s32 s2, $0x0  }
0x20a: {  	s3 =	rddreg [dreg:$0x2];
	[bflag:$0x3] =	sbarrier.arrive $0xFFFF;
	s2 =	simm.s32 @!p0 $0x1C05  }
0x20b: {  	[timem:s3], [sflag:s2] =	dma.local @!p0 [hbm:s0], s1  }
0x20c: {  	s0 =	simm.s32 @!p0 $0x5  }
0x20d: {  	_ =	swait.ge @!p0 [sflag:s0], s1  }
0x20e: {  	s1 =	ssub.s32 @!p0 $0x0, s1;
	[sflag:s0] =	ssyncset.done @!p0 $0x0  }
0x20f: {  	[sflag:s0] =	ssyncadd.s32 @!p0 s1  }
0x210: {  	[bflag:$0x3] =	sbarrier.arrive $0xFFFF  }
0x211: {  	_ =	shalt  }

</sc_bundles>
